<compile_context>
chip_gen: v7x
topology: tpu7x:2x2x1
jax: 0.10.2.dev20260603
libtpu: 0.0.44.dev20260713+nightly
codegen_flags: <defaults>
</compile_context>

<pallas_src>
import jax
import jax.numpy as jnp
import numpy as np
from jax import lax
from jax.experimental import pallas as pl
from jax.experimental.pallas import tpu as pltpu
from jax.experimental.pallas import tpu_sc as plsc

NUM_BINS = 1000000
EMBED_DIM = 16
ROWS_IN = 16384
COLS_IN = 200
N = ROWS_IN * COLS_IN
NW = 32
W = N // NW
GCH = 512
K = 5
C = K * GCH
NCH = W // C

_MUL1 = np.uint32(2654435761)
_MUL2 = np.uint32(0x85EBCA6B)
_GOLD = 0x9E3779B9
_INV_BINS = np.float32(65536.0 / NUM_BINS)


def _hash_pair(xv):
    h = xv.astype(jnp.uint32) * _MUL1
    outs = []
    for salt in (1, 2):
        g = h ^ jnp.uint32((salt * _GOLD) & 0xFFFFFFFF)
        g = g ^ (g >> np.uint32(16))
        g = g * _MUL2
        g = g ^ (g >> np.uint32(13))
        hi = (g >> np.uint32(16)).astype(jnp.int32)
        q0 = (hi.astype(jnp.float32) * _INV_BINS).astype(jnp.int32)
        r = (g - q0.astype(jnp.uint32) * np.uint32(NUM_BINS)).astype(jnp.int32)
        r = jnp.where(r < 0, r + NUM_BINS, r)
        r = jnp.where(r >= NUM_BINS, r - NUM_BINS, r)
        outs.append(r)
    return outs[0], outs[1]


def _sc_body(x_hbm, emb0_hbm, emb1_hbm, out_hbm,
             x_v, idx0_v, idx1_v, rows_v,
             se0_0, se0_1, se1_0, se1_1, so_0, so_1):
    wid = lax.axis_index("s") * 2 + lax.axis_index("c")
    base = wid * W
    sem_e0 = (se0_0, se0_1)
    sem_e1 = (se1_0, se1_1)
    sem_out = (so_0, so_1)

    def stage_and_hash(g, b):
        pltpu.sync_copy(x_hbm.at[pl.ds(base + g * C, C)], x_v.at[b])

        def hash_step(i, carry):
            xv = x_v[b, pl.ds(i * 16, 16)]
            h0, h1 = _hash_pair(xv)
            j = i // (GCH // 16)
            o = (i % (GCH // 16)) * 16
            idx0_v[b, j, pl.ds(o, 16)] = h0
            idx1_v[b, j, pl.ds(o, 16)] = h1
            return carry

        lax.fori_loop(0, C // 16, hash_step, 0, unroll=4)

    def _pick(j):
        if j < K // 2:
            return (emb0_hbm, idx0_v), (emb1_hbm, idx1_v)
        return (emb1_hbm, idx1_v), (emb0_hbm, idx0_v)

    def fire_e0(g, b):
        for j in range(K):
            (tab, idx), _ = _pick(j)
            pltpu.async_copy(tab.at[idx.at[b, j]],
                             rows_v.at[b, pl.ds(j * GCH, GCH)], sem_e0[b])

    def wait_e0(b):
        for j in range(K):
            (tab, idx), _ = _pick(j)
            pltpu.make_async_copy(tab.at[idx.at[b, j]],
                                  rows_v.at[b, pl.ds(j * GCH, GCH)],
                                  sem_e0[b]).wait()

    def wait_e1(b):
        for j in range(K):
            _, (tab, idx) = _pick(j)
            pltpu.make_async_copy(tab.at[idx.at[b, j]],
                                  rows_v.at[b, pl.ds(j * GCH, GCH)],
                                  sem_e1[b]).wait()

    def fire_out(g, b):
        pltpu.async_copy(rows_v.at[b], out_hbm.at[pl.ds(base + g * C, C)],
                         sem_out[b])

    def wait_out(g, b):
        pltpu.make_async_copy(rows_v.at[b], out_hbm.at[pl.ds(base + g * C, C)],
                              sem_out[b]).wait()

    def section(g, b):
        @pl.when(g < NCH - 1)
        def _():
            stage_and_hash(g + 1, b ^ 1)

        @pl.when(g > 0)
        def _():
            wait_out(g - 1, b ^ 1)

        @pl.when(g < NCH - 1)
        def _():
            fire_e0(g + 1, b ^ 1)
        for j in range(K):
            (tab0, idx0), (tab1, idx1) = _pick(j)
            pltpu.make_async_copy(tab0.at[idx0.at[b, j]],
                                  rows_v.at[b, pl.ds(j * GCH, GCH)],
                                  sem_e0[b]).wait()
            pltpu.async_copy(tab1.at[idx1.at[b, j]],
                             rows_v.at[b, pl.ds(j * GCH, GCH)], sem_e1[b],
                             add=True)
        wait_e1(b)
        fire_out(g, b)

    stage_and_hash(0, 0)
    fire_e0(0, 0)

    def pair(gp, carry):
        section(2 * gp, 0)
        section(2 * gp + 1, 1)
        return carry

    lax.fori_loop(0, NCH // 2, pair, 0)
    wait_out(NCH - 1, 1)


@jax.jit
def _multi_hash_embed(x_flat, emb0, emb1):
    mesh = plsc.VectorSubcoreMesh(core_axis_name="c", subcore_axis_name="s")
    return pl.kernel(
        _sc_body,
        mesh=mesh,
        compiler_params=pltpu.CompilerParams(use_tc_tiling_on_sc=False),
        out_type=jax.ShapeDtypeStruct((N, EMBED_DIM), jnp.float32),
        scratch_types=[
            pltpu.VMEM((2, C), jnp.int32),
            pltpu.VMEM((2, K, GCH), jnp.int32),
            pltpu.VMEM((2, K, GCH), jnp.int32),
            pltpu.VMEM((2, C, EMBED_DIM), jnp.float32),
            pltpu.SemaphoreType.DMA,
            pltpu.SemaphoreType.DMA,
            pltpu.SemaphoreType.DMA,
            pltpu.SemaphoreType.DMA,
            pltpu.SemaphoreType.DMA,
            pltpu.SemaphoreType.DMA,
        ],
    )(x_flat, emb0, emb1)


def kernel(inputs, emb0, emb1):
    x_flat = inputs.reshape(N)
    out = _multi_hash_embed(x_flat, emb0, emb1)
    return out.reshape(ROWS_IN, COLS_IN, EMBED_DIM)

# --- scband reference (transcript-rebuilt; emitter-appended) ---
"""Pipeline reference for scband-multi-hash-layer-28767690949331 (READ-ONLY COPY).

The authoritative reference and input builder live on the scoring server;
editing this copy changes nothing except your own understanding.
"""

import jax, jax.numpy as jnp
import numpy as np

NUM_BINS = 1000000
EMBED_DIM = 16
NUM_HASH = 2
SALTS = [1, 2]


def _hash(x, salt, num_bins):
    # Deterministic per-salt integer hash (stand-in for TF's SipHash64-based Hashing layer):
    # different salts give statistically independent bin assignments, preserving the
    # hash->gather memory-access pattern of the original module.
    h = x.astype(jnp.uint32)
    h = h * jnp.uint32(2654435761)
    h = h ^ jnp.uint32((salt * 0x9E3779B9) & 0xFFFFFFFF)
    h = h ^ (h >> 16)
    h = h * jnp.uint32(0x85EBCA6B)
    h = h ^ (h >> 13)
    return (h % jnp.uint32(num_bins)).astype(jnp.int32)


def setup_inputs(seed: int = 0) -> dict:
    key = jax.random.key(seed)
    k1, k2, k3 = jax.random.split(key, 3)
    inputs = jax.random.randint(k1, (16384, 200), 0, 100000000, dtype=jnp.int32)
    # One embedding table per hash function, built per Embedding(num_bins, embedding_dim)
    # with RandomUniform(-1e-4, 1e-4) initializer as in the original layer.
    emb0 = jax.random.uniform(k2, (NUM_BINS, EMBED_DIM), minval=-0.0001, maxval=0.0001, dtype=jnp.float32)
    emb1 = jax.random.uniform(k3, (NUM_BINS, EMBED_DIM), minval=-0.0001, maxval=0.0001, dtype=jnp.float32)
    return {"inputs": inputs, "emb0": emb0, "emb1": emb1}


def reference(inputs, emb0, emb1):
    # call(inputs, combiner='sum'): hash with each salt, embed, then sum the NUM_HASH outputs.
    tables = [emb0, emb1]
    out = None
    for i in range(NUM_HASH):
        h = _hash(inputs, SALTS[i], NUM_BINS)
        e = jnp.take(tables[i], h, axis=0)
        out = e if out is None else out + e
    return out

if __name__ == "__main__":
    import jax
    _d = setup_inputs()
    print(jax.jit(kernel)(*tuple(_d.values())))

</pallas_src>

<mosaic_0001>
#map = affine_map<(d0, d1) -> (0)>
#map1 = affine_map<(d0, d1) -> (0, 0)>
module attributes {stable_mosaic.version = 14 : i64} {
  func.func @_sc_body(%arg0: i32, %arg1: i32, %arg2: memref<3276800xi32, #tpu.memory_space<hbm>>, %arg3: memref<1000000x16xf32, #tpu.memory_space<hbm>>, %arg4: memref<1000000x16xf32, #tpu.memory_space<hbm>>, %arg5: memref<3276800x16xf32, #tpu.memory_space<hbm>>, %arg6: memref<2x2560xi32, #tpu.memory_space<vmem>>, %arg7: memref<2x5x512xi32, #tpu.memory_space<vmem>>, %arg8: memref<2x5x512xi32, #tpu.memory_space<vmem>>, %arg9: memref<2x2560x16xf32, #tpu.memory_space<vmem>>, %arg10: memref<!tpu.dma_semaphore, #tpu.memory_space<semaphore_mem>>, %arg11: memref<!tpu.dma_semaphore, #tpu.memory_space<semaphore_mem>>, %arg12: memref<!tpu.dma_semaphore, #tpu.memory_space<semaphore_mem>>, %arg13: memref<!tpu.dma_semaphore, #tpu.memory_space<semaphore_mem>>, %arg14: memref<!tpu.dma_semaphore, #tpu.memory_space<semaphore_mem>>, %arg15: memref<!tpu.dma_semaphore, #tpu.memory_space<semaphore_mem>>) attributes {dimension_semantics = [#tpu.dimension_semantics<core_parallel>, #tpu.dimension_semantics<subcore_parallel>], iteration_bounds = array<i64: 2, 16>, scalar_prefetch = 0 : i64, scratch_operands = 10 : i64, tpu.core_type = #tpu.core_type<sc_vector_subcore>, window_params = [{transform_indices = #map}, {transform_indices = #map1}, {transform_indices = #map1}, {transform_indices = #map1}]} {
    %mul3A = arith.constant 2 : i32
    %mul3A_0 = arith.muli %arg1, %mul3A : i32
    %add3A = arith.addi %mul3A_0, %arg0 : i32
    %mul3A_1 = arith.constant 102400 : i32
    %mul3A_2 = arith.muli %add3A, %mul3A_1 : i32
    %add3A_3 = arith.constant 0 : i32
    %add3A_4 = arith.addi %mul3A_2, %add3A_3 : i32
    %run_scoped3A = arith.constant 0 : i32
    "tpu.region"() ({
      %run_scoped3A_94 = tpu.sem_alloc : memref<!tpu.dma_semaphore, #tpu.memory_space<semaphore_mem>>
      %dma_start3A_95 = arith.constant 0 : i32
      %dma_start3A_96 = tpu.memref_slice %arg6[%run_scoped3A, %dma_start3A_95] : memref<2x2560xi32, #tpu.memory_space<vmem>> -> memref<1x2560xi32, #tpu.memory_space<vmem>>
      %dma_start3A_97 = tpu.memref_squeeze %dma_start3A_96 : memref<1x2560xi32, #tpu.memory_space<vmem>> -> memref<2560xi32, #tpu.memory_space<vmem>>
      %dma_start3A_98 = tpu.memref_slice %arg2[%add3A_4] : memref<3276800xi32, #tpu.memory_space<hbm>> -> memref<2560xi32, #tpu.memory_space<hbm>>
      %dma_start3A_99 = arith.constant 0 : i32
      %dma_start3A_100 = tpu.memref_slice %arg6[%run_scoped3A, %dma_start3A_99] : memref<2x2560xi32, #tpu.memory_space<vmem>> -> memref<1x2560xi32, #tpu.memory_space<vmem>>
      %dma_start3A_101 = tpu.memref_squeeze %dma_start3A_100 : memref<1x2560xi32, #tpu.memory_space<vmem>> -> memref<2560xi32, #tpu.memory_space<vmem>>
      %dma_start3A_102 = tpu.memref_slice %arg2[%add3A_4] : memref<3276800xi32, #tpu.memory_space<hbm>> -> memref<2560xi32, #tpu.memory_space<hbm>>
      tpu.enqueue_dma source(%dma_start3A_102 : memref<2560xi32, #tpu.memory_space<hbm>>) target(%dma_start3A_101 : memref<2560xi32, #tpu.memory_space<vmem>>) target_semaphore(%run_scoped3A_94 : memref<!tpu.dma_semaphore, #tpu.memory_space<semaphore_mem>>)
      %dma_wait3A_103 = arith.constant 0 : i32
      %dma_wait3A_104 = tpu.memref_slice %arg6[%run_scoped3A, %dma_wait3A_103] : memref<2x2560xi32, #tpu.memory_space<vmem>> -> memref<1x2560xi32, #tpu.memory_space<vmem>>
      %dma_wait3A_105 = tpu.memref_squeeze %dma_wait3A_104 : memref<1x2560xi32, #tpu.memory_space<vmem>> -> memref<2560xi32, #tpu.memory_space<vmem>>
      %dma_wait3A_106 = tpu.memref_slice %arg2[%add3A_4] : memref<3276800xi32, #tpu.memory_space<hbm>> -> memref<2560xi32, #tpu.memory_space<hbm>>
      %dma_wait3A_107 = arith.constant 0 : i32
      %dma_wait3A_108 = tpu.memref_slice %arg6[%run_scoped3A, %dma_wait3A_107] : memref<2x2560xi32, #tpu.memory_space<vmem>> -> memref<1x2560xi32, #tpu.memory_space<vmem>>
      %dma_wait3A_109 = tpu.memref_squeeze %dma_wait3A_108 : memref<1x2560xi32, #tpu.memory_space<vmem>> -> memref<2560xi32, #tpu.memory_space<vmem>>
      %dma_wait3A_110 = tpu.memref_slice %arg2[%add3A_4] : memref<3276800xi32, #tpu.memory_space<hbm>> -> memref<2560xi32, #tpu.memory_space<hbm>>
      tpu.wait_dma2 semaphore(%run_scoped3A_94 : memref<!tpu.dma_semaphore, #tpu.memory_space<semaphore_mem>>) src(%dma_wait3A_110 : memref<2560xi32, #tpu.memory_space<hbm>>) dst(%dma_wait3A_109 : memref<2560xi32, #tpu.memory_space<vmem>>)
      tpu.yield
    }) : () -> ()
    %scan3A = arith.constant 0 : i32
    %scan3A_5 = arith.constant 0 : i32
    %scan3A_6 = arith.constant 160 : i32
    %scan3A_7 = arith.addi %scan3A_5, %scan3A_6 : i32
    %scan3A_8 = arith.constant 4 : i32
    scf.for %scan3A_94 = %scan3A_5 to %scan3A_7 step %scan3A_8  : i32 {
      %mul3A_95 = arith.constant 16 : i32
      %mul3A_96 = arith.muli %scan3A_94, %mul3A_95 : i32
      %get3A = arith.constant 0 : i32
      %get3A_97 = arith.index_cast %get3A : i32 to index
      %get3A_98 = arith.index_cast %mul3A_96 : i32 to index
      %get3A_99 = tpu.vector_load %arg6[%get3A_97, %get3A_98] {strides = array<i32>} : memref<2x2560xi32, #tpu.memory_space<vmem>>, vector<1x16xi32>,
      %get3A_100 = vector.shape_cast %get3A_99 : vector<1x16xi32> to vector<16xi32>
      %mul3A_101 = arith.constant -1640531535 : i32
      %mul3A_102 = vector.broadcast %mul3A_101 : i32 to vector<16xi32>
      %mul3A_103 = arith.muli %get3A_100, %mul3A_102 : vector<16xi32>
      %xor3A = arith.constant -1640531527 : i32
      %xor3A_104 = vector.broadcast %xor3A : i32 to vector<16xi32>
      %xor3A_105 = arith.xori %mul3A_103, %xor3A_104 : vector<16xi32>
      %shift_right_logical3A = arith.constant 16 : i32
      %shift_right_logical3A_106 = vector.broadcast %shift_right_logical3A : i32 to vector<16xi32>
      %shift_right_logical3A_107 = arith.shrui %xor3A_105, %shift_right_logical3A_106 : vector<16xi32>
      %xor3A_108 = arith.xori %xor3A_105, %shift_right_logical3A_107 : vector<16xi32>
      %mul3A_109 = arith.constant -2048144789 : i32
      %mul3A_110 = vector.broadcast %mul3A_109 : i32 to vector<16xi32>
      %mul3A_111 = arith.muli %xor3A_108, %mul3A_110 : vector<16xi32>
      %shift_right_logical3A_112 = arith.constant 13 : i32
      %shift_right_logical3A_113 = vector.broadcast %shift_right_logical3A_112 : i32 to vector<16xi32>
      %shift_right_logical3A_114 = arith.shrui %mul3A_111, %shift_right_logical3A_113 : vector<16xi32>
      %xor3A_115 = arith.xori %mul3A_111, %shift_right_logical3A_114 : vector<16xi32>
      %shift_right_logical3A_116 = arith.constant 16 : i32
      %shift_right_logical3A_117 = vector.broadcast %shift_right_logical3A_116 : i32 to vector<16xi32>
      %shift_right_logical3A_118 = arith.shrui %xor3A_115, %shift_right_logical3A_117 : vector<16xi32>
      %convert_element_type3A = arith.sitofp %shift_right_logical3A_118 : vector<16xi32> to vector<16xf32>
      %mul3A_119 = arith.constant 6.553600e-02 : f32
      %mul3A_120 = vector.broadcast %mul3A_119 : f32 to vector<16xf32>
      %mul3A_121 = arith.mulf %convert_element_type3A, %mul3A_120 : vector<16xf32>
      %convert_element_type3A_122 = arith.fptosi %mul3A_121 : vector<16xf32> to vector<16xi32>
      %mul3A_123 = arith.constant 1000000 : i32
      %mul3A_124 = vector.broadcast %mul3A_123 : i32 to vector<16xi32>
      %mul3A_125 = arith.muli %convert_element_type3A_122, %mul3A_124 : vector<16xi32>
      %sub3A = arith.subi %xor3A_115, %mul3A_125 : vector<16xi32>
      %lt3A = arith.constant 0 : i32
      %lt3A_126 = vector.broadcast %lt3A : i32 to vector<16xi32>
      %lt3A_127 = arith.cmpi slt, %sub3A, %lt3A_126 : vector<16xi32>
      %add3A_128 = arith.constant 1000000 : i32
      %add3A_129 = vector.broadcast %add3A_128 : i32 to vector<16xi32>
      %add3A_130 = arith.addi %sub3A, %add3A_129 : vector<16xi32>
      %select_n3A = arith.select %lt3A_127, %add3A_130, %sub3A : vector<16xi1>, vector<16xi32>
      %ge3A = arith.constant 1000000 : i32
      %ge3A_131 = vector.broadcast %ge3A : i32 to vector<16xi32>
      %ge3A_132 = arith.cmpi sge, %select_n3A, %ge3A_131 : vector<16xi32>
      %sub3A_133 = arith.constant 1000000 : i32
      %sub3A_134 = vector.broadcast %sub3A_133 : i32 to vector<16xi32>
      %sub3A_135 = arith.subi %select_n3A, %sub3A_134 : vector<16xi32>
      %select_n3A_136 = arith.select %ge3A_132, %sub3A_135, %select_n3A : vector<16xi1>, vector<16xi32>
      %xor3A_137 = arith.constant 1013904242 : i32
      %xor3A_138 = vector.broadcast %xor3A_137 : i32 to vector<16xi32>
      %xor3A_139 = arith.xori %mul3A_103, %xor3A_138 : vector<16xi32>
      %shift_right_logical3A_140 = arith.constant 16 : i32
      %shift_right_logical3A_141 = vector.broadcast %shift_right_logical3A_140 : i32 to vector<16xi32>
      %shift_right_logical3A_142 = arith.shrui %xor3A_139, %shift_right_logical3A_141 : vector<16xi32>
      %xor3A_143 = arith.xori %xor3A_139, %shift_right_logical3A_142 : vector<16xi32>
      %mul3A_144 = arith.constant -2048144789 : i32
      %mul3A_145 = vector.broadcast %mul3A_144 : i32 to vector<16xi32>
      %mul3A_146 = arith.muli %xor3A_143, %mul3A_145 : vector<16xi32>
      %shift_right_logical3A_147 = arith.constant 13 : i32
      %shift_right_logical3A_148 = vector.broadcast %shift_right_logical3A_147 : i32 to vector<16xi32>
      %shift_right_logical3A_149 = arith.shrui %mul3A_146, %shift_right_logical3A_148 : vector<16xi32>
      %xor3A_150 = arith.xori %mul3A_146, %shift_right_logical3A_149 : vector<16xi32>
      %shift_right_logical3A_151 = arith.constant 16 : i32
      %shift_right_logical3A_152 = vector.broadcast %shift_right_logical3A_151 : i32 to vector<16xi32>
      %shift_right_logical3A_153 = arith.shrui %xor3A_150, %shift_right_logical3A_152 : vector<16xi32>
      %convert_element_type3A_154 = arith.sitofp %shift_right_logical3A_153 : vector<16xi32> to vector<16xf32>
      %mul3A_155 = arith.constant 6.553600e-02 : f32
      %mul3A_156 = vector.broadcast %mul3A_155 : f32 to vector<16xf32>
      %mul3A_157 = arith.mulf %convert_element_type3A_154, %mul3A_156 : vector<16xf32>
      %convert_element_type3A_158 = arith.fptosi %mul3A_157 : vector<16xf32> to vector<16xi32>
      %mul3A_159 = arith.constant 1000000 : i32
      %mul3A_160 = vector.broadcast %mul3A_159 : i32 to vector<16xi32>
      %mul3A_161 = arith.muli %convert_element_type3A_158, %mul3A_160 : vector<16xi32>
      %sub3A_162 = arith.subi %xor3A_150, %mul3A_161 : vector<16xi32>
      %lt3A_163 = arith.constant 0 : i32
      %lt3A_164 = vector.broadcast %lt3A_163 : i32 to vector<16xi32>
      %lt3A_165 = arith.cmpi slt, %sub3A_162, %lt3A_164 : vector<16xi32>
      %add3A_166 = arith.constant 1000000 : i32
      %add3A_167 = vector.broadcast %add3A_166 : i32 to vector<16xi32>
      %add3A_168 = arith.addi %sub3A_162, %add3A_167 : vector<16xi32>
      %select_n3A_169 = arith.select %lt3A_165, %add3A_168, %sub3A_162 : vector<16xi1>, vector<16xi32>
      %ge3A_170 = arith.constant 1000000 : i32
      %ge3A_171 = vector.broadcast %ge3A_170 : i32 to vector<16xi32>
      %ge3A_172 = arith.cmpi sge, %select_n3A_169, %ge3A_171 : vector<16xi32>
      %sub3A_173 = arith.constant 1000000 : i32
      %sub3A_174 = vector.broadcast %sub3A_173 : i32 to vector<16xi32>
      %sub3A_175 = arith.subi %select_n3A_169, %sub3A_174 : vector<16xi32>
      %select_n3A_176 = arith.select %ge3A_172, %sub3A_175, %select_n3A_169 : vector<16xi1>, vector<16xi32>
      %jit3A = arith.constant 32 : i32
      %div3A = arith.divsi %scan3A_94, %jit3A : i32
      %sign3A = arith.constant 0 : i32
      %sign3A_177 = arith.cmpi sgt, %scan3A_94, %sign3A : i32
      %sign3A_178 = arith.extui %sign3A_177 : i1 to i32
      %sign3A_179 = arith.constant 0 : i32
      %sign3A_180 = arith.cmpi slt, %scan3A_94, %sign3A_179 : i32
      %sign3A_181 = arith.extui %sign3A_180 : i1 to i32
      %sign3A_182 = arith.subi %sign3A_178, %sign3A_181 : i32
      %sign3A_183 = arith.constant 0 : i32
      %sign3A_184 = arith.cmpi sgt, %jit3A, %sign3A_183 : i32
      %sign3A_185 = arith.extui %sign3A_184 : i1 to i32
      %sign3A_186 = arith.constant 0 : i32
      %sign3A_187 = arith.cmpi slt, %jit3A, %sign3A_186 : i32
      %sign3A_188 = arith.extui %sign3A_187 : i1 to i32
      %sign3A_189 = arith.subi %sign3A_185, %sign3A_188 : i32
      %ne3A = arith.cmpi ne, %sign3A_182, %sign3A_189 : i32
      %rem3A = arith.remsi %scan3A_94, %jit3A : i32
      %ne3A_190 = arith.constant 0 : i32
      %ne3A_191 = arith.cmpi ne, %rem3A, %ne3A_190 : i32
      %and3A = arith.andi %ne3A, %ne3A_191 : i1
      %sub3A_192 = arith.constant 1 : i32
      %sub3A_193 = arith.subi %div3A, %sub3A_192 : i32
      %select_n3A_194 = arith.select %and3A, %sub3A_193, %div3A : i32
      %jit3A_195 = arith.constant 32 : i32
      %eq3A = arith.constant 0 : i32
      %eq3A_196 = arith.cmpi eq, %jit3A_195, %eq3A : i32
      %jit3A_197 = arith.constant 1 : i32
      %select_n3A_198 = arith.select %eq3A_196, %jit3A_197, %jit3A_195 : i32
      %rem3A_199 = arith.remsi %scan3A_94, %select_n3A_198 : i32
      %ne3A_200 = arith.constant 0 : i32
      %ne3A_201 = arith.cmpi ne, %rem3A_199, %ne3A_200 : i32
      %lt3A_202 = arith.constant 0 : i32
      %lt3A_203 = arith.cmpi slt, %rem3A_199, %lt3A_202 : i32
      %lt3A_204 = arith.constant 0 : i32
      %lt3A_205 = arith.cmpi slt, %select_n3A_198, %lt3A_204 : i32
      %ne3A_206 = arith.xori %lt3A_203, %lt3A_205 : i1
      %and3A_207 = arith.andi %ne3A_206, %ne3A_201 : i1
      %add3A_208 = arith.addi %rem3A_199, %select_n3A_198 : i32
      %select_n3A_209 = arith.select %and3A_207, %add3A_208, %rem3A_199 : i32
      %mul3A_210 = arith.constant 16 : i32
      %mul3A_211 = arith.muli %select_n3A_209, %mul3A_210 : i32
      %swap3A = arith.constant 0 : i32
      %swap3A_212 = arith.index_cast %swap3A : i32 to index
      %swap3A_213 = arith.index_cast %select_n3A_194 : i32 to index
      %swap3A_214 = arith.index_cast %mul3A_211 : i32 to index
      %swap3A_215 = tpu.vector_load %arg7[%swap3A_212, %swap3A_213, %swap3A_214] {strides = array<i32>} : memref<2x5x512xi32, #tpu.memory_space<vmem>>, vector<1x1x16xi32>,
      %swap3A_216 = vector.shape_cast %swap3A_215 : vector<1x1x16xi32> to vector<16xi32>
      %swap3A_217 = vector.shape_cast %select_n3A_136 : vector<16xi32> to vector<1x1x16xi32>
      tpu.vector_store %arg7[%swap3A_212, %swap3A_213, %swap3A_214], %swap3A_217 {strides = array<i32>} : memref<2x5x512xi32, #tpu.memory_space<vmem>>, vector<1x1x16xi32>,
      %swap3A_218 = arith.constant 0 : i32
      %swap3A_219 = arith.index_cast %swap3A_218 : i32 to index
      %swap3A_220 = arith.index_cast %select_n3A_194 : i32 to index
      %swap3A_221 = arith.index_cast %mul3A_211 : i32 to index
      %swap3A_222 = tpu.vector_load %arg8[%swap3A_219, %swap3A_220, %swap3A_221] {strides = array<i32>} : memref<2x5x512xi32, #tpu.memory_space<vmem>>, vector<1x1x16xi32>,
      %swap3A_223 = vector.shape_cast %swap3A_222 : vector<1x1x16xi32> to vector<16xi32>
      %swap3A_224 = vector.shape_cast %select_n3A_176 : vector<16xi32> to vector<1x1x16xi32>
      tpu.vector_store %arg8[%swap3A_219, %swap3A_220, %swap3A_221], %swap3A_224 {strides = array<i32>} : memref<2x5x512xi32, #tpu.memory_space<vmem>>, vector<1x1x16xi32>,
      %scan3A_225 = arith.constant 1 : i32
      %scan3A_226 = arith.addi %scan3A_94, %scan3A_225 : i32
      %mul3A_227 = arith.constant 16 : i32
      %mul3A_228 = arith.muli %scan3A_226, %mul3A_227 : i32
      %get3A_229 = arith.constant 0 : i32
      %get3A_230 = arith.index_cast %get3A_229 : i32 to index
      %get3A_231 = arith.index_cast %mul3A_228 : i32 to index
      %get3A_232 = tpu.vector_load %arg6[%get3A_230, %get3A_231] {strides = array<i32>} : memref<2x2560xi32, #tpu.memory_space<vmem>>, vector<1x16xi32>,
      %get3A_233 = vector.shape_cast %get3A_232 : vector<1x16xi32> to vector<16xi32>
      %mul3A_234 = arith.constant -1640531535 : i32
      %mul3A_235 = vector.broadcast %mul3A_234 : i32 to vector<16xi32>
      %mul3A_236 = arith.muli %get3A_233, %mul3A_235 : vector<16xi32>
      %xor3A_237 = arith.constant -1640531527 : i32
      %xor3A_238 = vector.broadcast %xor3A_237 : i32 to vector<16xi32>
      %xor3A_239 = arith.xori %mul3A_236, %xor3A_238 : vector<16xi32>
      %shift_right_logical3A_240 = arith.constant 16 : i32
      %shift_right_logical3A_241 = vector.broadcast %shift_right_logical3A_240 : i32 to vector<16xi32>
      %shift_right_logical3A_242 = arith.shrui %xor3A_239, %shift_right_logical3A_241 : vector<16xi32>
      %xor3A_243 = arith.xori %xor3A_239, %shift_right_logical3A_242 : vector<16xi32>
      %mul3A_244 = arith.constant -2048144789 : i32
      %mul3A_245 = vector.broadcast %mul3A_244 : i32 to vector<16xi32>
      %mul3A_246 = arith.muli %xor3A_243, %mul3A_245 : vector<16xi32>
      %shift_right_logical3A_247 = arith.constant 13 : i32
      %shift_right_logical3A_248 = vector.broadcast %shift_right_logical3A_247 : i32 to vector<16xi32>
      %shift_right_logical3A_249 = arith.shrui %mul3A_246, %shift_right_logical3A_248 : vector<16xi32>
      %xor3A_250 = arith.xori %mul3A_246, %shift_right_logical3A_249 : vector<16xi32>
      %shift_right_logical3A_251 = arith.constant 16 : i32
      %shift_right_logical3A_252 = vector.broadcast %shift_right_logical3A_251 : i32 to vector<16xi32>
      %shift_right_logical3A_253 = arith.shrui %xor3A_250, %shift_right_logical3A_252 : vector<16xi32>
      %convert_element_type3A_254 = arith.sitofp %shift_right_logical3A_253 : vector<16xi32> to vector<16xf32>
      %mul3A_255 = arith.constant 6.553600e-02 : f32
      %mul3A_256 = vector.broadcast %mul3A_255 : f32 to vector<16xf32>
      %mul3A_257 = arith.mulf %convert_element_type3A_254, %mul3A_256 : vector<16xf32>
      %convert_element_type3A_258 = arith.fptosi %mul3A_257 : vector<16xf32> to vector<16xi32>
      %mul3A_259 = arith.constant 1000000 : i32
      %mul3A_260 = vector.broadcast %mul3A_259 : i32 to vector<16xi32>
      %mul3A_261 = arith.muli %convert_element_type3A_258, %mul3A_260 : vector<16xi32>
      %sub3A_262 = arith.subi %xor3A_250, %mul3A_261 : vector<16xi32>
      %lt3A_263 = arith.constant 0 : i32
      %lt3A_264 = vector.broadcast %lt3A_263 : i32 to vector<16xi32>
      %lt3A_265 = arith.cmpi slt, %sub3A_262, %lt3A_264 : vector<16xi32>
      %add3A_266 = arith.constant 1000000 : i32
      %add3A_267 = vector.broadcast %add3A_266 : i32 to vector<16xi32>
      %add3A_268 = arith.addi %sub3A_262, %add3A_267 : vector<16xi32>
      %select_n3A_269 = arith.select %lt3A_265, %add3A_268, %sub3A_262 : vector<16xi1>, vector<16xi32>
      %ge3A_270 = arith.constant 1000000 : i32
      %ge3A_271 = vector.broadcast %ge3A_270 : i32 to vector<16xi32>
      %ge3A_272 = arith.cmpi sge, %select_n3A_269, %ge3A_271 : vector<16xi32>
      %sub3A_273 = arith.constant 1000000 : i32
      %sub3A_274 = vector.broadcast %sub3A_273 : i32 to vector<16xi32>
      %sub3A_275 = arith.subi %select_n3A_269, %sub3A_274 : vector<16xi32>
      %select_n3A_276 = arith.select %ge3A_272, %sub3A_275, %select_n3A_269 : vector<16xi1>, vector<16xi32>
      %xor3A_277 = arith.constant 1013904242 : i32
      %xor3A_278 = vector.broadcast %xor3A_277 : i32 to vector<16xi32>
      %xor3A_279 = arith.xori %mul3A_236, %xor3A_278 : vector<16xi32>
      %shift_right_logical3A_280 = arith.constant 16 : i32
      %shift_right_logical3A_281 = vector.broadcast %shift_right_logical3A_280 : i32 to vector<16xi32>
      %shift_right_logical3A_282 = arith.shrui %xor3A_279, %shift_right_logical3A_281 : vector<16xi32>
      %xor3A_283 = arith.xori %xor3A_279, %shift_right_logical3A_282 : vector<16xi32>
      %mul3A_284 = arith.constant -2048144789 : i32
      %mul3A_285 = vector.broadcast %mul3A_284 : i32 to vector<16xi32>
      %mul3A_286 = arith.muli %xor3A_283, %mul3A_285 : vector<16xi32>
      %shift_right_logical3A_287 = arith.constant 13 : i32
      %shift_right_logical3A_288 = vector.broadcast %shift_right_logical3A_287 : i32 to vector<16xi32>
      %shift_right_logical3A_289 = arith.shrui %mul3A_286, %shift_right_logical3A_288 : vector<16xi32>
      %xor3A_290 = arith.xori %mul3A_286, %shift_right_logical3A_289 : vector<16xi32>
      %shift_right_logical3A_291 = arith.constant 16 : i32
      %shift_right_logical3A_292 = vector.broadcast %shift_right_logical3A_291 : i32 to vector<16xi32>
      %shift_right_logical3A_293 = arith.shrui %xor3A_290, %shift_right_logical3A_292 : vector<16xi32>
      %convert_element_type3A_294 = arith.sitofp %shift_right_logical3A_293 : vector<16xi32> to vector<16xf32>
      %mul3A_295 = arith.constant 6.553600e-02 : f32
      %mul3A_296 = vector.broadcast %mul3A_295 : f32 to vector<16xf32>
      %mul3A_297 = arith.mulf %convert_element_type3A_294, %mul3A_296 : vector<16xf32>
      %convert_element_type3A_298 = arith.fptosi %mul3A_297 : vector<16xf32> to vector<16xi32>
      %mul3A_299 = arith.constant 1000000 : i32
      %mul3A_300 = vector.broadcast %mul3A_299 : i32 to vector<16xi32>
      %mul3A_301 = arith.muli %convert_element_type3A_298, %mul3A_300 : vector<16xi32>
      %sub3A_302 = arith.subi %xor3A_290, %mul3A_301 : vector<16xi32>
      %lt3A_303 = arith.constant 0 : i32
      %lt3A_304 = vector.broadcast %lt3A_303 : i32 to vector<16xi32>
      %lt3A_305 = arith.cmpi slt, %sub3A_302, %lt3A_304 : vector<16xi32>
      %add3A_306 = arith.constant 1000000 : i32
      %add3A_307 = vector.broadcast %add3A_306 : i32 to vector<16xi32>
      %add3A_308 = arith.addi %sub3A_302, %add3A_307 : vector<16xi32>
      %select_n3A_309 = arith.select %lt3A_305, %add3A_308, %sub3A_302 : vector<16xi1>, vector<16xi32>
      %ge3A_310 = arith.constant 1000000 : i32
      %ge3A_311 = vector.broadcast %ge3A_310 : i32 to vector<16xi32>
      %ge3A_312 = arith.cmpi sge, %select_n3A_309, %ge3A_311 : vector<16xi32>
      %sub3A_313 = arith.constant 1000000 : i32
      %sub3A_314 = vector.broadcast %sub3A_313 : i32 to vector<16xi32>
      %sub3A_315 = arith.subi %select_n3A_309, %sub3A_314 : vector<16xi32>
      %select_n3A_316 = arith.select %ge3A_312, %sub3A_315, %select_n3A_309 : vector<16xi1>, vector<16xi32>
      %jit3A_317 = arith.constant 32 : i32
      %div3A_318 = arith.divsi %scan3A_226, %jit3A_317 : i32
      %sign3A_319 = arith.constant 0 : i32
      %sign3A_320 = arith.cmpi sgt, %scan3A_226, %sign3A_319 : i32
      %sign3A_321 = arith.extui %sign3A_320 : i1 to i32
      %sign3A_322 = arith.constant 0 : i32
      %sign3A_323 = arith.cmpi slt, %scan3A_226, %sign3A_322 : i32
      %sign3A_324 = arith.extui %sign3A_323 : i1 to i32
      %sign3A_325 = arith.subi %sign3A_321, %sign3A_324 : i32
      %sign3A_326 = arith.constant 0 : i32
      %sign3A_327 = arith.cmpi sgt, %jit3A_317, %sign3A_326 : i32
      %sign3A_328 = arith.extui %sign3A_327 : i1 to i32
      %sign3A_329 = arith.constant 0 : i32
      %sign3A_330 = arith.cmpi slt, %jit3A_317, %sign3A_329 : i32
      %sign3A_331 = arith.extui %sign3A_330 : i1 to i32
      %sign3A_332 = arith.subi %sign3A_328, %sign3A_331 : i32
      %ne3A_333 = arith.cmpi ne, %sign3A_325, %sign3A_332 : i32
      %rem3A_334 = arith.remsi %scan3A_226, %jit3A_317 : i32
      %ne3A_335 = arith.constant 0 : i32
      %ne3A_336 = arith.cmpi ne, %rem3A_334, %ne3A_335 : i32
      %and3A_337 = arith.andi %ne3A_333, %ne3A_336 : i1
      %sub3A_338 = arith.constant 1 : i32
      %sub3A_339 = arith.subi %div3A_318, %sub3A_338 : i32
      %select_n3A_340 = arith.select %and3A_337, %sub3A_339, %div3A_318 : i32
      %jit3A_341 = arith.constant 32 : i32
      %eq3A_342 = arith.constant 0 : i32
      %eq3A_343 = arith.cmpi eq, %jit3A_341, %eq3A_342 : i32
      %jit3A_344 = arith.constant 1 : i32
      %select_n3A_345 = arith.select %eq3A_343, %jit3A_344, %jit3A_341 : i32
      %rem3A_346 = arith.remsi %scan3A_226, %select_n3A_345 : i32
      %ne3A_347 = arith.constant 0 : i32
      %ne3A_348 = arith.cmpi ne, %rem3A_346, %ne3A_347 : i32
      %lt3A_349 = arith.constant 0 : i32
      %lt3A_350 = arith.cmpi slt, %rem3A_346, %lt3A_349 : i32
      %lt3A_351 = arith.constant 0 : i32
      %lt3A_352 = arith.cmpi slt, %select_n3A_345, %lt3A_351 : i32
      %ne3A_353 = arith.xori %lt3A_350, %lt3A_352 : i1
      %and3A_354 = arith.andi %ne3A_353, %ne3A_348 : i1
      %add3A_355 = arith.addi %rem3A_346, %select_n3A_345 : i32
      %select_n3A_356 = arith.select %and3A_354, %add3A_355, %rem3A_346 : i32
      %mul3A_357 = arith.constant 16 : i32
      %mul3A_358 = arith.muli %select_n3A_356, %mul3A_357 : i32
      %swap3A_359 = arith.constant 0 : i32
      %swap3A_360 = arith.index_cast %swap3A_359 : i32 to index
      %swap3A_361 = arith.index_cast %select_n3A_340 : i32 to index
      %swap3A_362 = arith.index_cast %mul3A_358 : i32 to index
      %swap3A_363 = tpu.vector_load %arg7[%swap3A_360, %swap3A_361, %swap3A_362] {strides = array<i32>} : memref<2x5x512xi32, #tpu.memory_space<vmem>>, vector<1x1x16xi32>,
      %swap3A_364 = vector.shape_cast %swap3A_363 : vector<1x1x16xi32> to vector<16xi32>
      %swap3A_365 = vector.shape_cast %select_n3A_276 : vector<16xi32> to vector<1x1x16xi32>
      tpu.vector_store %arg7[%swap3A_360, %swap3A_361, %swap3A_362], %swap3A_365 {strides = array<i32>} : memref<2x5x512xi32, #tpu.memory_space<vmem>>, vector<1x1x16xi32>,
      %swap3A_366 = arith.constant 0 : i32
      %swap3A_367 = arith.index_cast %swap3A_366 : i32 to index
      %swap3A_368 = arith.index_cast %select_n3A_340 : i32 to index
      %swap3A_369 = arith.index_cast %mul3A_358 : i32 to index
      %swap3A_370 = tpu.vector_load %arg8[%swap3A_367, %swap3A_368, %swap3A_369] {strides = array<i32>} : memref<2x5x512xi32, #tpu.memory_space<vmem>>, vector<1x1x16xi32>,
      %swap3A_371 = vector.shape_cast %swap3A_370 : vector<1x1x16xi32> to vector<16xi32>
      %swap3A_372 = vector.shape_cast %select_n3A_316 : vector<16xi32> to vector<1x1x16xi32>
      tpu.vector_store %arg8[%swap3A_367, %swap3A_368, %swap3A_369], %swap3A_372 {strides = array<i32>} : memref<2x5x512xi32, #tpu.memory_space<vmem>>, vector<1x1x16xi32>,
      %scan3A_373 = arith.constant 2 : i32
      %scan3A_374 = arith.addi %scan3A_94, %scan3A_373 : i32
      %mul3A_375 = arith.constant 16 : i32
      %mul3A_376 = arith.muli %scan3A_374, %mul3A_375 : i32
      %get3A_377 = arith.constant 0 : i32
      %get3A_378 = arith.index_cast %get3A_377 : i32 to index
      %get3A_379 = arith.index_cast %mul3A_376 : i32 to index
      %get3A_380 = tpu.vector_load %arg6[%get3A_378, %get3A_379] {strides = array<i32>} : memref<2x2560xi32, #tpu.memory_space<vmem>>, vector<1x16xi32>,
      %get3A_381 = vector.shape_cast %get3A_380 : vector<1x16xi32> to vector<16xi32>
      %mul3A_382 = arith.constant -1640531535 : i32
      %mul3A_383 = vector.broadcast %mul3A_382 : i32 to vector<16xi32>
      %mul3A_384 = arith.muli %get3A_381, %mul3A_383 : vector<16xi32>
      %xor3A_385 = arith.constant -1640531527 : i32
      %xor3A_386 = vector.broadcast %xor3A_385 : i32 to vector<16xi32>
      %xor3A_387 = arith.xori %mul3A_384, %xor3A_386 : vector<16xi32>
      %shift_right_logical3A_388 = arith.constant 16 : i32
      %shift_right_logical3A_389 = vector.broadcast %shift_right_logical3A_388 : i32 to vector<16xi32>
      %shift_right_logical3A_390 = arith.shrui %xor3A_387, %shift_right_logical3A_389 : vector<16xi32>
      %xor3A_391 = arith.xori %xor3A_387, %shift_right_logical3A_390 : vector<16xi32>
      %mul3A_392 = arith.constant -2048144789 : i32
      %mul3A_393 = vector.broadcast %mul3A_392 : i32 to vector<16xi32>
      %mul3A_394 = arith.muli %xor3A_391, %mul3A_393 : vector<16xi32>
      %shift_right_logical3A_395 = arith.constant 13 : i32
      %shift_right_logical3A_396 = vector.broadcast %shift_right_logical3A_395 : i32 to vector<16xi32>
      %shift_right_logical3A_397 = arith.shrui %mul3A_394, %shift_right_logical3A_396 : vector<16xi32>
      %xor3A_398 = arith.xori %mul3A_394, %shift_right_logical3A_397 : vector<16xi32>
      %shift_right_logical3A_399 = arith.constant 16 : i32
      %shift_right_logical3A_400 = vector.broadcast %shift_right_logical3A_399 : i32 to vector<16xi32>
      %shift_right_logical3A_401 = arith.shrui %xor3A_398, %shift_right_logical3A_400 : vector<16xi32>
      %convert_element_type3A_402 = arith.sitofp %shift_right_logical3A_401 : vector<16xi32> to vector<16xf32>
      %mul3A_403 = arith.constant 6.553600e-02 : f32
      %mul3A_404 = vector.broadcast %mul3A_403 : f32 to vector<16xf32>
      %mul3A_405 = arith.mulf %convert_element_type3A_402, %mul3A_404 : vector<16xf32>
      %convert_element_type3A_406 = arith.fptosi %mul3A_405 : vector<16xf32> to vector<16xi32>
      %mul3A_407 = arith.constant 1000000 : i32
      %mul3A_408 = vector.broadcast %mul3A_407 : i32 to vector<16xi32>
      %mul3A_409 = arith.muli %convert_element_type3A_406, %mul3A_408 : vector<16xi32>
      %sub3A_410 = arith.subi %xor3A_398, %mul3A_409 : vector<16xi32>
      %lt3A_411 = arith.constant 0 : i32
      %lt3A_412 = vector.broadcast %lt3A_411 : i32 to vector<16xi32>
      %lt3A_413 = arith.cmpi slt, %sub3A_410, %lt3A_412 : vector<16xi32>
      %add3A_414 = arith.constant 1000000 : i32
      %add3A_415 = vector.broadcast %add3A_414 : i32 to vector<16xi32>
      %add3A_416 = arith.addi %sub3A_410, %add3A_415 : vector<16xi32>
      %select_n3A_417 = arith.select %lt3A_413, %add3A_416, %sub3A_410 : vector<16xi1>, vector<16xi32>
      %ge3A_418 = arith.constant 1000000 : i32
      %ge3A_419 = vector.broadcast %ge3A_418 : i32 to vector<16xi32>
      %ge3A_420 = arith.cmpi sge, %select_n3A_417, %ge3A_419 : vector<16xi32>
      %sub3A_421 = arith.constant 1000000 : i32
      %sub3A_422 = vector.broadcast %sub3A_421 : i32 to vector<16xi32>
      %sub3A_423 = arith.subi %select_n3A_417, %sub3A_422 : vector<16xi32>
      %select_n3A_424 = arith.select %ge3A_420, %sub3A_423, %select_n3A_417 : vector<16xi1>, vector<16xi32>
      %xor3A_425 = arith.constant 1013904242 : i32
      %xor3A_426 = vector.broadcast %xor3A_425 : i32 to vector<16xi32>
      %xor3A_427 = arith.xori %mul3A_384, %xor3A_426 : vector<16xi32>
      %shift_right_logical3A_428 = arith.constant 16 : i32
      %shift_right_logical3A_429 = vector.broadcast %shift_right_logical3A_428 : i32 to vector<16xi32>
      %shift_right_logical3A_430 = arith.shrui %xor3A_427, %shift_right_logical3A_429 : vector<16xi32>
      %xor3A_431 = arith.xori %xor3A_427, %shift_right_logical3A_430 : vector<16xi32>
      %mul3A_432 = arith.constant -2048144789 : i32
      %mul3A_433 = vector.broadcast %mul3A_432 : i32 to vector<16xi32>
      %mul3A_434 = arith.muli %xor3A_431, %mul3A_433 : vector<16xi32>
      %shift_right_logical3A_435 = arith.constant 13 : i32
      %shift_right_logical3A_436 = vector.broadcast %shift_right_logical3A_435 : i32 to vector<16xi32>
      %shift_right_logical3A_437 = arith.shrui %mul3A_434, %shift_right_logical3A_436 : vector<16xi32>
      %xor3A_438 = arith.xori %mul3A_434, %shift_right_logical3A_437 : vector<16xi32>
      %shift_right_logical3A_439 = arith.constant 16 : i32
      %shift_right_logical3A_440 = vector.broadcast %shift_right_logical3A_439 : i32 to vector<16xi32>
      %shift_right_logical3A_441 = arith.shrui %xor3A_438, %shift_right_logical3A_440 : vector<16xi32>
      %convert_element_type3A_442 = arith.sitofp %shift_right_logical3A_441 : vector<16xi32> to vector<16xf32>
      %mul3A_443 = arith.constant 6.553600e-02 : f32
      %mul3A_444 = vector.broadcast %mul3A_443 : f32 to vector<16xf32>
      %mul3A_445 = arith.mulf %convert_element_type3A_442, %mul3A_444 : vector<16xf32>
      %convert_element_type3A_446 = arith.fptosi %mul3A_445 : vector<16xf32> to vector<16xi32>
      %mul3A_447 = arith.constant 1000000 : i32
      %mul3A_448 = vector.broadcast %mul3A_447 : i32 to vector<16xi32>
      %mul3A_449 = arith.muli %convert_element_type3A_446, %mul3A_448 : vector<16xi32>
      %sub3A_450 = arith.subi %xor3A_438, %mul3A_449 : vector<16xi32>
      %lt3A_451 = arith.constant 0 : i32
      %lt3A_452 = vector.broadcast %lt3A_451 : i32 to vector<16xi32>
      %lt3A_453 = arith.cmpi slt, %sub3A_450, %lt3A_452 : vector<16xi32>
      %add3A_454 = arith.constant 1000000 : i32
      %add3A_455 = vector.broadcast %add3A_454 : i32 to vector<16xi32>
      %add3A_456 = arith.addi %sub3A_450, %add3A_455 : vector<16xi32>
      %select_n3A_457 = arith.select %lt3A_453, %add3A_456, %sub3A_450 : vector<16xi1>, vector<16xi32>
      %ge3A_458 = arith.constant 1000000 : i32
      %ge3A_459 = vector.broadcast %ge3A_458 : i32 to vector<16xi32>
      %ge3A_460 = arith.cmpi sge, %select_n3A_457, %ge3A_459 : vector<16xi32>
      %sub3A_461 = arith.constant 1000000 : i32
      %sub3A_462 = vector.broadcast %sub3A_461 : i32 to vector<16xi32>
      %sub3A_463 = arith.subi %select_n3A_457, %sub3A_462 : vector<16xi32>
      %select_n3A_464 = arith.select %ge3A_460, %sub3A_463, %select_n3A_457 : vector<16xi1>, vector<16xi32>
      %jit3A_465 = arith.constant 32 : i32
      %div3A_466 = arith.divsi %scan3A_374, %jit3A_465 : i32
      %sign3A_467 = arith.constant 0 : i32
      %sign3A_468 = arith.cmpi sgt, %scan3A_374, %sign3A_467 : i32
      %sign3A_469 = arith.extui %sign3A_468 : i1 to i32
      %sign3A_470 = arith.constant 0 : i32
      %sign3A_471 = arith.cmpi slt, %scan3A_374, %sign3A_470 : i32
      %sign3A_472 = arith.extui %sign3A_471 : i1 to i32
      %sign3A_473 = arith.subi %sign3A_469, %sign3A_472 : i32
      %sign3A_474 = arith.constant 0 : i32
      %sign3A_475 = arith.cmpi sgt, %jit3A_465, %sign3A_474 : i32
      %sign3A_476 = arith.extui %sign3A_475 : i1 to i32
      %sign3A_477 = arith.constant 0 : i32
      %sign3A_478 = arith.cmpi slt, %jit3A_465, %sign3A_477 : i32
      %sign3A_479 = arith.extui %sign3A_478 : i1 to i32
      %sign3A_480 = arith.subi %sign3A_476, %sign3A_479 : i32
      %ne3A_481 = arith.cmpi ne, %sign3A_473, %sign3A_480 : i32
      %rem3A_482 = arith.remsi %scan3A_374, %jit3A_465 : i32
      %ne3A_483 = arith.constant 0 : i32
      %ne3A_484 = arith.cmpi ne, %rem3A_482, %ne3A_483 : i32
      %and3A_485 = arith.andi %ne3A_481, %ne3A_484 : i1
      %sub3A_486 = arith.constant 1 : i32
      %sub3A_487 = arith.subi %div3A_466, %sub3A_486 : i32
      %select_n3A_488 = arith.select %and3A_485, %sub3A_487, %div3A_466 : i32
      %jit3A_489 = arith.constant 32 : i32
      %eq3A_490 = arith.constant 0 : i32
      %eq3A_491 = arith.cmpi eq, %jit3A_489, %eq3A_490 : i32
      %jit3A_492 = arith.constant 1 : i32
      %select_n3A_493 = arith.select %eq3A_491, %jit3A_492, %jit3A_489 : i32
      %rem3A_494 = arith.remsi %scan3A_374, %select_n3A_493 : i32
      %ne3A_495 = arith.constant 0 : i32
      %ne3A_496 = arith.cmpi ne, %rem3A_494, %ne3A_495 : i32
      %lt3A_497 = arith.constant 0 : i32
      %lt3A_498 = arith.cmpi slt, %rem3A_494, %lt3A_497 : i32
      %lt3A_499 = arith.constant 0 : i32
      %lt3A_500 = arith.cmpi slt, %select_n3A_493, %lt3A_499 : i32
      %ne3A_501 = arith.xori %lt3A_498, %lt3A_500 : i1
      %and3A_502 = arith.andi %ne3A_501, %ne3A_496 : i1
      %add3A_503 = arith.addi %rem3A_494, %select_n3A_493 : i32
      %select_n3A_504 = arith.select %and3A_502, %add3A_503, %rem3A_494 : i32
      %mul3A_505 = arith.constant 16 : i32
      %mul3A_506 = arith.muli %select_n3A_504, %mul3A_505 : i32
      %swap3A_507 = arith.constant 0 : i32
      %swap3A_508 = arith.index_cast %swap3A_507 : i32 to index
      %swap3A_509 = arith.index_cast %select_n3A_488 : i32 to index
      %swap3A_510 = arith.index_cast %mul3A_506 : i32 to index
      %swap3A_511 = tpu.vector_load %arg7[%swap3A_508, %swap3A_509, %swap3A_510] {strides = array<i32>} : memref<2x5x512xi32, #tpu.memory_space<vmem>>, vector<1x1x16xi32>,
      %swap3A_512 = vector.shape_cast %swap3A_511 : vector<1x1x16xi32> to vector<16xi32>
      %swap3A_513 = vector.shape_cast %select_n3A_424 : vector<16xi32> to vector<1x1x16xi32>
      tpu.vector_store %arg7[%swap3A_508, %swap3A_509, %swap3A_510], %swap3A_513 {strides = array<i32>} : memref<2x5x512xi32, #tpu.memory_space<vmem>>, vector<1x1x16xi32>,
      %swap3A_514 = arith.constant 0 : i32
      %swap3A_515 = arith.index_cast %swap3A_514 : i32 to index
      %swap3A_516 = arith.index_cast %select_n3A_488 : i32 to index
      %swap3A_517 = arith.index_cast %mul3A_506 : i32 to index
      %swap3A_518 = tpu.vector_load %arg8[%swap3A_515, %swap3A_516, %swap3A_517] {strides = array<i32>} : memref<2x5x512xi32, #tpu.memory_space<vmem>>, vector<1x1x16xi32>,
      %swap3A_519 = vector.shape_cast %swap3A_518 : vector<1x1x16xi32> to vector<16xi32>
      %swap3A_520 = vector.shape_cast %select_n3A_464 : vector<16xi32> to vector<1x1x16xi32>
      tpu.vector_store %arg8[%swap3A_515, %swap3A_516, %swap3A_517], %swap3A_520 {strides = array<i32>} : memref<2x5x512xi32, #tpu.memory_space<vmem>>, vector<1x1x16xi32>,
      %scan3A_521 = arith.constant 3 : i32
      %scan3A_522 = arith.addi %scan3A_94, %scan3A_521 : i32
      %mul3A_523 = arith.constant 16 : i32
      %mul3A_524 = arith.muli %scan3A_522, %mul3A_523 : i32
      %get3A_525 = arith.constant 0 : i32
      %get3A_526 = arith.index_cast %get3A_525 : i32 to index
      %get3A_527 = arith.index_cast %mul3A_524 : i32 to index
      %get3A_528 = tpu.vector_load %arg6[%get3A_526, %get3A_527] {strides = array<i32>} : memref<2x2560xi32, #tpu.memory_space<vmem>>, vector<1x16xi32>,
      %get3A_529 = vector.shape_cast %get3A_528 : vector<1x16xi32> to vector<16xi32>
      %mul3A_530 = arith.constant -1640531535 : i32
      %mul3A_531 = vector.broadcast %mul3A_530 : i32 to vector<16xi32>
      %mul3A_532 = arith.muli %get3A_529, %mul3A_531 : vector<16xi32>
      %xor3A_533 = arith.constant -1640531527 : i32
      %xor3A_534 = vector.broadcast %xor3A_533 : i32 to vector<16xi32>
      %xor3A_535 = arith.xori %mul3A_532, %xor3A_534 : vector<16xi32>
      %shift_right_logical3A_536 = arith.constant 16 : i32
      %shift_right_logical3A_537 = vector.broadcast %shift_right_logical3A_536 : i32 to vector<16xi32>
      %shift_right_logical3A_538 = arith.shrui %xor3A_535, %shift_right_logical3A_537 : vector<16xi32>
      %xor3A_539 = arith.xori %xor3A_535, %shift_right_logical3A_538 : vector<16xi32>
      %mul3A_540 = arith.constant -2048144789 : i32
      %mul3A_541 = vector.broadcast %mul3A_540 : i32 to vector<16xi32>
      %mul3A_542 = arith.muli %xor3A_539, %mul3A_541 : vector<16xi32>
      %shift_right_logical3A_543 = arith.constant 13 : i32
      %shift_right_logical3A_544 = vector.broadcast %shift_right_logical3A_543 : i32 to vector<16xi32>
      %shift_right_logical3A_545 = arith.shrui %mul3A_542, %shift_right_logical3A_544 : vector<16xi32>
      %xor3A_546 = arith.xori %mul3A_542, %shift_right_logical3A_545 : vector<16xi32>
      %shift_right_logical3A_547 = arith.constant 16 : i32
      %shift_right_logical3A_548 = vector.broadcast %shift_right_logical3A_547 : i32 to vector<16xi32>
      %shift_right_logical3A_549 = arith.shrui %xor3A_546, %shift_right_logical3A_548 : vector<16xi32>
      %convert_element_type3A_550 = arith.sitofp %shift_right_logical3A_549 : vector<16xi32> to vector<16xf32>
      %mul3A_551 = arith.constant 6.553600e-02 : f32
      %mul3A_552 = vector.broadcast %mul3A_551 : f32 to vector<16xf32>
      %mul3A_553 = arith.mulf %convert_element_type3A_550, %mul3A_552 : vector<16xf32>
      %convert_element_type3A_554 = arith.fptosi %mul3A_553 : vector<16xf32> to vector<16xi32>
      %mul3A_555 = arith.constant 1000000 : i32
      %mul3A_556 = vector.broadcast %mul3A_555 : i32 to vector<16xi32>
      %mul3A_557 = arith.muli %convert_element_type3A_554, %mul3A_556 : vector<16xi32>
      %sub3A_558 = arith.subi %xor3A_546, %mul3A_557 : vector<16xi32>
      %lt3A_559 = arith.constant 0 : i32
      %lt3A_560 = vector.broadcast %lt3A_559 : i32 to vector<16xi32>
      %lt3A_561 = arith.cmpi slt, %sub3A_558, %lt3A_560 : vector<16xi32>
      %add3A_562 = arith.constant 1000000 : i32
      %add3A_563 = vector.broadcast %add3A_562 : i32 to vector<16xi32>
      %add3A_564 = arith.addi %sub3A_558, %add3A_563 : vector<16xi32>
      %select_n3A_565 = arith.select %lt3A_561, %add3A_564, %sub3A_558 : vector<16xi1>, vector<16xi32>
      %ge3A_566 = arith.constant 1000000 : i32
      %ge3A_567 = vector.broadcast %ge3A_566 : i32 to vector<16xi32>
      %ge3A_568 = arith.cmpi sge, %select_n3A_565, %ge3A_567 : vector<16xi32>
      %sub3A_569 = arith.constant 1000000 : i32
      %sub3A_570 = vector.broadcast %sub3A_569 : i32 to vector<16xi32>
      %sub3A_571 = arith.subi %select_n3A_565, %sub3A_570 : vector<16xi32>
      %select_n3A_572 = arith.select %ge3A_568, %sub3A_571, %select_n3A_565 : vector<16xi1>, vector<16xi32>
      %xor3A_573 = arith.constant 1013904242 : i32
      %xor3A_574 = vector.broadcast %xor3A_573 : i32 to vector<16xi32>
      %xor3A_575 = arith.xori %mul3A_532, %xor3A_574 : vector<16xi32>
      %shift_right_logical3A_576 = arith.constant 16 : i32
      %shift_right_logical3A_577 = vector.broadcast %shift_right_logical3A_576 : i32 to vector<16xi32>
      %shift_right_logical3A_578 = arith.shrui %xor3A_575, %shift_right_logical3A_577 : vector<16xi32>
      %xor3A_579 = arith.xori %xor3A_575, %shift_right_logical3A_578 : vector<16xi32>
      %mul3A_580 = arith.constant -2048144789 : i32
      %mul3A_581 = vector.broadcast %mul3A_580 : i32 to vector<16xi32>
      %mul3A_582 = arith.muli %xor3A_579, %mul3A_581 : vector<16xi32>
      %shift_right_logical3A_583 = arith.constant 13 : i32
      %shift_right_logical3A_584 = vector.broadcast %shift_right_logical3A_583 : i32 to vector<16xi32>
      %shift_right_logical3A_585 = arith.shrui %mul3A_582, %shift_right_logical3A_584 : vector<16xi32>
      %xor3A_586 = arith.xori %mul3A_582, %shift_right_logical3A_585 : vector<16xi32>
      %shift_right_logical3A_587 = arith.constant 16 : i32
      %shift_right_logical3A_588 = vector.broadcast %shift_right_logical3A_587 : i32 to vector<16xi32>
      %shift_right_logical3A_589 = arith.shrui %xor3A_586, %shift_right_logical3A_588 : vector<16xi32>
      %convert_element_type3A_590 = arith.sitofp %shift_right_logical3A_589 : vector<16xi32> to vector<16xf32>
      %mul3A_591 = arith.constant 6.553600e-02 : f32
      %mul3A_592 = vector.broadcast %mul3A_591 : f32 to vector<16xf32>
      %mul3A_593 = arith.mulf %convert_element_type3A_590, %mul3A_592 : vector<16xf32>
      %convert_element_type3A_594 = arith.fptosi %mul3A_593 : vector<16xf32> to vector<16xi32>
      %mul3A_595 = arith.constant 1000000 : i32
      %mul3A_596 = vector.broadcast %mul3A_595 : i32 to vector<16xi32>
      %mul3A_597 = arith.muli %convert_element_type3A_594, %mul3A_596 : vector<16xi32>
      %sub3A_598 = arith.subi %xor3A_586, %mul3A_597 : vector<16xi32>
      %lt3A_599 = arith.constant 0 : i32
      %lt3A_600 = vector.broadcast %lt3A_599 : i32 to vector<16xi32>
      %lt3A_601 = arith.cmpi slt, %sub3A_598, %lt3A_600 : vector<16xi32>
      %add3A_602 = arith.constant 1000000 : i32
      %add3A_603 = vector.broadcast %add3A_602 : i32 to vector<16xi32>
      %add3A_604 = arith.addi %sub3A_598, %add3A_603 : vector<16xi32>
      %select_n3A_605 = arith.select %lt3A_601, %add3A_604, %sub3A_598 : vector<16xi1>, vector<16xi32>
      %ge3A_606 = arith.constant 1000000 : i32
      %ge3A_607 = vector.broadcast %ge3A_606 : i32 to vector<16xi32>
      %ge3A_608 = arith.cmpi sge, %select_n3A_605, %ge3A_607 : vector<16xi32>
      %sub3A_609 = arith.constant 1000000 : i32
      %sub3A_610 = vector.broadcast %sub3A_609 : i32 to vector<16xi32>
      %sub3A_611 = arith.subi %select_n3A_605, %sub3A_610 : vector<16xi32>
      %select_n3A_612 = arith.select %ge3A_608, %sub3A_611, %select_n3A_605 : vector<16xi1>, vector<16xi32>
      %jit3A_613 = arith.constant 32 : i32
      %div3A_614 = arith.divsi %scan3A_522, %jit3A_613 : i32
      %sign3A_615 = arith.constant 0 : i32
      %sign3A_616 = arith.cmpi sgt, %scan3A_522, %sign3A_615 : i32
      %sign3A_617 = arith.extui %sign3A_616 : i1 to i32
      %sign3A_618 = arith.constant 0 : i32
      %sign3A_619 = arith.cmpi slt, %scan3A_522, %sign3A_618 : i32
      %sign3A_620 = arith.extui %sign3A_619 : i1 to i32
      %sign3A_621 = arith.subi %sign3A_617, %sign3A_620 : i32
      %sign3A_622 = arith.constant 0 : i32
      %sign3A_623 = arith.cmpi sgt, %jit3A_613, %sign3A_622 : i32
      %sign3A_624 = arith.extui %sign3A_623 : i1 to i32
      %sign3A_625 = arith.constant 0 : i32
      %sign3A_626 = arith.cmpi slt, %jit3A_613, %sign3A_625 : i32
      %sign3A_627 = arith.extui %sign3A_626 : i1 to i32
      %sign3A_628 = arith.subi %sign3A_624, %sign3A_627 : i32
      %ne3A_629 = arith.cmpi ne, %sign3A_621, %sign3A_628 : i32
      %rem3A_630 = arith.remsi %scan3A_522, %jit3A_613 : i32
      %ne3A_631 = arith.constant 0 : i32
      %ne3A_632 = arith.cmpi ne, %rem3A_630, %ne3A_631 : i32
      %and3A_633 = arith.andi %ne3A_629, %ne3A_632 : i1
      %sub3A_634 = arith.constant 1 : i32
      %sub3A_635 = arith.subi %div3A_614, %sub3A_634 : i32
      %select_n3A_636 = arith.select %and3A_633, %sub3A_635, %div3A_614 : i32
      %jit3A_637 = arith.constant 32 : i32
      %eq3A_638 = arith.constant 0 : i32
      %eq3A_639 = arith.cmpi eq, %jit3A_637, %eq3A_638 : i32
      %jit3A_640 = arith.constant 1 : i32
      %select_n3A_641 = arith.select %eq3A_639, %jit3A_640, %jit3A_637 : i32
      %rem3A_642 = arith.remsi %scan3A_522, %select_n3A_641 : i32
      %ne3A_643 = arith.constant 0 : i32
      %ne3A_644 = arith.cmpi ne, %rem3A_642, %ne3A_643 : i32
      %lt3A_645 = arith.constant 0 : i32
      %lt3A_646 = arith.cmpi slt, %rem3A_642, %lt3A_645 : i32
      %lt3A_647 = arith.constant 0 : i32
      %lt3A_648 = arith.cmpi slt, %select_n3A_641, %lt3A_647 : i32
      %ne3A_649 = arith.xori %lt3A_646, %lt3A_648 : i1
      %and3A_650 = arith.andi %ne3A_649, %ne3A_644 : i1
      %add3A_651 = arith.addi %rem3A_642, %select_n3A_641 : i32
      %select_n3A_652 = arith.select %and3A_650, %add3A_651, %rem3A_642 : i32
      %mul3A_653 = arith.constant 16 : i32
      %mul3A_654 = arith.muli %select_n3A_652, %mul3A_653 : i32
      %swap3A_655 = arith.constant 0 : i32
      %swap3A_656 = arith.index_cast %swap3A_655 : i32 to index
      %swap3A_657 = arith.index_cast %select_n3A_636 : i32 to index
      %swap3A_658 = arith.index_cast %mul3A_654 : i32 to index
      %swap3A_659 = tpu.vector_load %arg7[%swap3A_656, %swap3A_657, %swap3A_658] {strides = array<i32>} : memref<2x5x512xi32, #tpu.memory_space<vmem>>, vector<1x1x16xi32>,
      %swap3A_660 = vector.shape_cast %swap3A_659 : vector<1x1x16xi32> to vector<16xi32>
      %swap3A_661 = vector.shape_cast %select_n3A_572 : vector<16xi32> to vector<1x1x16xi32>
      tpu.vector_store %arg7[%swap3A_656, %swap3A_657, %swap3A_658], %swap3A_661 {strides = array<i32>} : memref<2x5x512xi32, #tpu.memory_space<vmem>>, vector<1x1x16xi32>,
      %swap3A_662 = arith.constant 0 : i32
      %swap3A_663 = arith.index_cast %swap3A_662 : i32 to index
      %swap3A_664 = arith.index_cast %select_n3A_636 : i32 to index
      %swap3A_665 = arith.index_cast %mul3A_654 : i32 to index
      %swap3A_666 = tpu.vector_load %arg8[%swap3A_663, %swap3A_664, %swap3A_665] {strides = array<i32>} : memref<2x5x512xi32, #tpu.memory_space<vmem>>, vector<1x1x16xi32>,
      %swap3A_667 = vector.shape_cast %swap3A_666 : vector<1x1x16xi32> to vector<16xi32>
      %swap3A_668 = vector.shape_cast %select_n3A_612 : vector<16xi32> to vector<1x1x16xi32>
      tpu.vector_store %arg8[%swap3A_663, %swap3A_664, %swap3A_665], %swap3A_668 {strides = array<i32>} : memref<2x5x512xi32, #tpu.memory_space<vmem>>, vector<1x1x16xi32>,
    }
    %scan3A_9 = arith.constant 160 : i32
    %dma_start3A = arith.constant 0 : i32
    %dma_start3A_10 = arith.constant 0 : i32
    %dma_start3A_11 = arith.constant 0 : i32
    %dma_start3A_12 = arith.constant 0 : i32
    %dma_start3A_13 = arith.constant 0 : i32
    %dma_start3A_14 = tpu.memref_slice %arg9[%dma_start3A_11, %dma_start3A_12, %dma_start3A_13] : memref<2x2560x16xf32, #tpu.memory_space<vmem>> -> memref<1x512x16xf32, #tpu.memory_space<vmem>>
    %dma_start3A_15 = tpu.memref_squeeze %dma_start3A_14 : memref<1x512x16xf32, #tpu.memory_space<vmem>> -> memref<512x16xf32, #tpu.memory_space<vmem>>
    %dma_start3A_16 = arith.constant 0 : i32
    %dma_start3A_17 = tpu.memref_slice %arg7[%dma_start3A, %dma_start3A_10, %dma_start3A_16] : memref<2x5x512xi32, #tpu.memory_space<vmem>> -> memref<1x1x512xi32, #tpu.memory_space<vmem>>
    %dma_start3A_18 = tpu.memref_squeeze %dma_start3A_17 : memref<1x1x512xi32, #tpu.memory_space<vmem>> -> memref<512xi32, #tpu.memory_space<vmem>>
    %dma_start3A_19 = arith.constant 0 : i32
    %dma_start3A_20 = arith.constant 0 : i32
    %dma_start3A_21 = tpu.memref_slice %arg3[%dma_start3A_19, %dma_start3A_20] : memref<1000000x16xf32, #tpu.memory_space<hbm>> -> memref<1000000x16xf32, #tpu.memory_space<hbm>>
    tpu.enqueue_indirect_dma source(%dma_start3A_21 : memref<1000000x16xf32, #tpu.memory_space<hbm>>) target(%dma_start3A_15 : memref<512x16xf32, #tpu.memory_space<vmem>>) offsets(%dma_start3A_18 : memref<512xi32, #tpu.memory_space<vmem>>) semaphore(%arg10 : memref<!tpu.dma_semaphore, #tpu.memory_space<semaphore_mem>>)
    %dma_start3A_22 = arith.constant 0 : i32
    %dma_start3A_23 = arith.constant 1 : i32
    %dma_start3A_24 = arith.constant 0 : i32
    %dma_start3A_25 = arith.constant 512 : i32
    %dma_start3A_26 = arith.constant 0 : i32
    %dma_start3A_27 = tpu.memref_slice %arg9[%dma_start3A_24, %dma_start3A_25, %dma_start3A_26] : memref<2x2560x16xf32, #tpu.memory_space<vmem>> -> memref<1x512x16xf32, #tpu.memory_space<vmem>>
    %dma_start3A_28 = tpu.memref_squeeze %dma_start3A_27 : memref<1x512x16xf32, #tpu.memory_space<vmem>> -> memref<512x16xf32, #tpu.memory_space<vmem>>
    %dma_start3A_29 = arith.constant 0 : i32
    %dma_start3A_30 = tpu.memref_slice %arg7[%dma_start3A_22, %dma_start3A_23, %dma_start3A_29] : memref<2x5x512xi32, #tpu.memory_space<vmem>> -> memref<1x1x512xi32, #tpu.memory_space<vmem>>
    %dma_start3A_31 = tpu.memref_squeeze %dma_start3A_30 : memref<1x1x512xi32, #tpu.memory_space<vmem>> -> memref<512xi32, #tpu.memory_space<vmem>>
    %dma_start3A_32 = arith.constant 0 : i32
    %dma_start3A_33 = arith.constant 0 : i32
    %dma_start3A_34 = tpu.memref_slice %arg3[%dma_start3A_32, %dma_start3A_33] : memref<1000000x16xf32, #tpu.memory_space<hbm>> -> memref<1000000x16xf32, #tpu.memory_space<hbm>>
    tpu.enqueue_indirect_dma source(%dma_start3A_34 : memref<1000000x16xf32, #tpu.memory_space<hbm>>) target(%dma_start3A_28 : memref<512x16xf32, #tpu.memory_space<vmem>>) offsets(%dma_start3A_31 : memref<512xi32, #tpu.memory_space<vmem>>) semaphore(%arg10 : memref<!tpu.dma_semaphore, #tpu.memory_space<semaphore_mem>>)
    %dma_start3A_35 = arith.constant 0 : i32
    %dma_start3A_36 = arith.constant 2 : i32
    %dma_start3A_37 = arith.constant 0 : i32
    %dma_start3A_38 = arith.constant 1024 : i32
    %dma_start3A_39 = arith.constant 0 : i32
    %dma_start3A_40 = tpu.memref_slice %arg9[%dma_start3A_37, %dma_start3A_38, %dma_start3A_39] : memref<2x2560x16xf32, #tpu.memory_space<vmem>> -> memref<1x512x16xf32, #tpu.memory_space<vmem>>
    %dma_start3A_41 = tpu.memref_squeeze %dma_start3A_40 : memref<1x512x16xf32, #tpu.memory_space<vmem>> -> memref<512x16xf32, #tpu.memory_space<vmem>>
    %dma_start3A_42 = arith.constant 0 : i32
    %dma_start3A_43 = tpu.memref_slice %arg8[%dma_start3A_35, %dma_start3A_36, %dma_start3A_42] : memref<2x5x512xi32, #tpu.memory_space<vmem>> -> memref<1x1x512xi32, #tpu.memory_space<vmem>>
    %dma_start3A_44 = tpu.memref_squeeze %dma_start3A_43 : memref<1x1x512xi32, #tpu.memory_space<vmem>> -> memref<512xi32, #tpu.memory_space<vmem>>
    %dma_start3A_45 = arith.constant 0 : i32
    %dma_start3A_46 = arith.constant 0 : i32
    %dma_start3A_47 = tpu.memref_slice %arg4[%dma_start3A_45, %dma_start3A_46] : memref<1000000x16xf32, #tpu.memory_space<hbm>> -> memref<1000000x16xf32, #tpu.memory_space<hbm>>
    tpu.enqueue_indirect_dma source(%dma_start3A_47 : memref<1000000x16xf32, #tpu.memory_space<hbm>>) target(%dma_start3A_41 : memref<512x16xf32, #tpu.memory_space<vmem>>) offsets(%dma_start3A_44 : memref<512xi32, #tpu.memory_space<vmem>>) semaphore(%arg10 : memref<!tpu.dma_semaphore, #tpu.memory_space<semaphore_mem>>)
    %dma_start3A_48 = arith.constant 0 : i32
    %dma_start3A_49 = arith.constant 3 : i32
    %dma_start3A_50 = arith.constant 0 : i32
    %dma_start3A_51 = arith.constant 1536 : i32
    %dma_start3A_52 = arith.constant 0 : i32
    %dma_start3A_53 = tpu.memref_slice %arg9[%dma_start3A_50, %dma_start3A_51, %dma_start3A_52] : memref<2x2560x16xf32, #tpu.memory_space<vmem>> -> memref<1x512x16xf32, #tpu.memory_space<vmem>>
    %dma_start3A_54 = tpu.memref_squeeze %dma_start3A_53 : memref<1x512x16xf32, #tpu.memory_space<vmem>> -> memref<512x16xf32, #tpu.memory_space<vmem>>
    %dma_start3A_55 = arith.constant 0 : i32
    %dma_start3A_56 = tpu.memref_slice %arg8[%dma_start3A_48, %dma_start3A_49, %dma_start3A_55] : memref<2x5x512xi32, #tpu.memory_space<vmem>> -> memref<1x1x512xi32, #tpu.memory_space<vmem>>
    %dma_start3A_57 = tpu.memref_squeeze %dma_start3A_56 : memref<1x1x512xi32, #tpu.memory_space<vmem>> -> memref<512xi32, #tpu.memory_space<vmem>>
    %dma_start3A_58 = arith.constant 0 : i32
    %dma_start3A_59 = arith.constant 0 : i32
    %dma_start3A_60 = tpu.memref_slice %arg4[%dma_start3A_58, %dma_start3A_59] : memref<1000000x16xf32, #tpu.memory_space<hbm>> -> memref<1000000x16xf32, #tpu.memory_space<hbm>>
    tpu.enqueue_indirect_dma source(%dma_start3A_60 : memref<1000000x16xf32, #tpu.memory_space<hbm>>) target(%dma_start3A_54 : memref<512x16xf32, #tpu.memory_space<vmem>>) offsets(%dma_start3A_57 : memref<512xi32, #tpu.memory_space<vmem>>) semaphore(%arg10 : memref<!tpu.dma_semaphore, #tpu.memory_space<semaphore_mem>>)
    %dma_start3A_61 = arith.constant 0 : i32
    %dma_start3A_62 = arith.constant 4 : i32
    %dma_start3A_63 = arith.constant 0 : i32
    %dma_start3A_64 = arith.constant 2048 : i32
    %dma_start3A_65 = arith.constant 0 : i32
    %dma_start3A_66 = tpu.memref_slice %arg9[%dma_start3A_63, %dma_start3A_64, %dma_start3A_65] : memref<2x2560x16xf32, #tpu.memory_space<vmem>> -> memref<1x512x16xf32, #tpu.memory_space<vmem>>
    %dma_start3A_67 = tpu.memref_squeeze %dma_start3A_66 : memref<1x512x16xf32, #tpu.memory_space<vmem>> -> memref<512x16xf32, #tpu.memory_space<vmem>>
    %dma_start3A_68 = arith.constant 0 : i32
    %dma_start3A_69 = tpu.memref_slice %arg8[%dma_start3A_61, %dma_start3A_62, %dma_start3A_68] : memref<2x5x512xi32, #tpu.memory_space<vmem>> -> memref<1x1x512xi32, #tpu.memory_space<vmem>>
    %dma_start3A_70 = tpu.memref_squeeze %dma_start3A_69 : memref<1x1x512xi32, #tpu.memory_space<vmem>> -> memref<512xi32, #tpu.memory_space<vmem>>
    %dma_start3A_71 = arith.constant 0 : i32
    %dma_start3A_72 = arith.constant 0 : i32
    %dma_start3A_73 = tpu.memref_slice %arg4[%dma_start3A_71, %dma_start3A_72] : memref<1000000x16xf32, #tpu.memory_space<hbm>> -> memref<1000000x16xf32, #tpu.memory_space<hbm>>
    tpu.enqueue_indirect_dma source(%dma_start3A_73 : memref<1000000x16xf32, #tpu.memory_space<hbm>>) target(%dma_start3A_67 : memref<512x16xf32, #tpu.memory_space<vmem>>) offsets(%dma_start3A_70 : memref<512xi32, #tpu.memory_space<vmem>>) semaphore(%arg10 : memref<!tpu.dma_semaphore, #tpu.memory_space<semaphore_mem>>)
    %scan3A_74 = arith.constant 0 : i32
    %scan3A_75 = arith.constant 0 : i32
    %scan3A_76 = arith.constant 20 : i32
    %scan3A_77 = arith.addi %scan3A_75, %scan3A_76 : i32
    %scan3A_78 = arith.constant 1 : i32
    scf.for %scan3A_94 = %scan3A_75 to %scan3A_77 step %scan3A_78  : i32 {
      %mul3A_95 = arith.constant 2 : i32
      %mul3A_96 = arith.muli %mul3A_95, %scan3A_94 : i32
      %lt3A = arith.constant 39 : i32
      %lt3A_97 = arith.cmpi slt, %mul3A_96, %lt3A : i32
      %convert_element_type3A = arith.extui %lt3A_97 : i1 to i32
      %cond3A = arith.constant 0 : i32
      %cond3A_98 = arith.cmpi ne, %convert_element_type3A, %cond3A : i32
      scf.if %cond3A_98 {
        %add3A_549 = arith.constant 1 : i32
        %add3A_550 = arith.addi %mul3A_96, %add3A_549 : i32
        %mul3A_551 = arith.constant 2560 : i32
        %mul3A_552 = arith.muli %add3A_550, %mul3A_551 : i32
        %add3A_553 = arith.addi %mul3A_2, %mul3A_552 : i32
        %run_scoped3A_554 = arith.constant 1 : i32
        "tpu.region"() ({
          %run_scoped3A_561 = tpu.sem_alloc : memref<!tpu.dma_semaphore, #tpu.memory_space<semaphore_mem>>
          %dma_start3A_562 = arith.constant 0 : i32
          %dma_start3A_563 = tpu.memref_slice %arg6[%run_scoped3A_554, %dma_start3A_562] : memref<2x2560xi32, #tpu.memory_space<vmem>> -> memref<1x2560xi32, #tpu.memory_space<vmem>>
          %dma_start3A_564 = tpu.memref_squeeze %dma_start3A_563 : memref<1x2560xi32, #tpu.memory_space<vmem>> -> memref<2560xi32, #tpu.memory_space<vmem>>
          %dma_start3A_565 = tpu.memref_slice %arg2[%add3A_553] : memref<3276800xi32, #tpu.memory_space<hbm>> -> memref<2560xi32, #tpu.memory_space<hbm>>
          %dma_start3A_566 = arith.constant 0 : i32
          %dma_start3A_567 = tpu.memref_slice %arg6[%run_scoped3A_554, %dma_start3A_566] : memref<2x2560xi32, #tpu.memory_space<vmem>> -> memref<1x2560xi32, #tpu.memory_space<vmem>>
          %dma_start3A_568 = tpu.memref_squeeze %dma_start3A_567 : memref<1x2560xi32, #tpu.memory_space<vmem>> -> memref<2560xi32, #tpu.memory_space<vmem>>
          %dma_start3A_569 = tpu.memref_slice %arg2[%add3A_553] : memref<3276800xi32, #tpu.memory_space<hbm>> -> memref<2560xi32, #tpu.memory_space<hbm>>
          tpu.enqueue_dma source(%dma_start3A_569 : memref<2560xi32, #tpu.memory_space<hbm>>) target(%dma_start3A_568 : memref<2560xi32, #tpu.memory_space<vmem>>) target_semaphore(%run_scoped3A_561 : memref<!tpu.dma_semaphore, #tpu.memory_space<semaphore_mem>>)
          %dma_wait3A_570 = arith.constant 0 : i32
          %dma_wait3A_571 = tpu.memref_slice %arg6[%run_scoped3A_554, %dma_wait3A_570] : memref<2x2560xi32, #tpu.memory_space<vmem>> -> memref<1x2560xi32, #tpu.memory_space<vmem>>
          %dma_wait3A_572 = tpu.memref_squeeze %dma_wait3A_571 : memref<1x2560xi32, #tpu.memory_space<vmem>> -> memref<2560xi32, #tpu.memory_space<vmem>>
          %dma_wait3A_573 = tpu.memref_slice %arg2[%add3A_553] : memref<3276800xi32, #tpu.memory_space<hbm>> -> memref<2560xi32, #tpu.memory_space<hbm>>
          %dma_wait3A_574 = arith.constant 0 : i32
          %dma_wait3A_575 = tpu.memref_slice %arg6[%run_scoped3A_554, %dma_wait3A_574] : memref<2x2560xi32, #tpu.memory_space<vmem>> -> memref<1x2560xi32, #tpu.memory_space<vmem>>
          %dma_wait3A_576 = tpu.memref_squeeze %dma_wait3A_575 : memref<1x2560xi32, #tpu.memory_space<vmem>> -> memref<2560xi32, #tpu.memory_space<vmem>>
          %dma_wait3A_577 = tpu.memref_slice %arg2[%add3A_553] : memref<3276800xi32, #tpu.memory_space<hbm>> -> memref<2560xi32, #tpu.memory_space<hbm>>
          tpu.wait_dma2 semaphore(%run_scoped3A_561 : memref<!tpu.dma_semaphore, #tpu.memory_space<semaphore_mem>>) src(%dma_wait3A_577 : memref<2560xi32, #tpu.memory_space<hbm>>) dst(%dma_wait3A_576 : memref<2560xi32, #tpu.memory_space<vmem>>)
          tpu.yield
        }) : () -> ()
        %scan3A_555 = arith.constant 0 : i32
        %scan3A_556 = arith.constant 0 : i32
        %scan3A_557 = arith.constant 160 : i32
        %scan3A_558 = arith.addi %scan3A_556, %scan3A_557 : i32
        %scan3A_559 = arith.constant 4 : i32
        scf.for %scan3A_561 = %scan3A_556 to %scan3A_558 step %scan3A_559  : i32 {
          %mul3A_562 = arith.constant 16 : i32
          %mul3A_563 = arith.muli %scan3A_561, %mul3A_562 : i32
          %get3A = arith.constant 1 : i32
          %get3A_564 = arith.index_cast %get3A : i32 to index
          %get3A_565 = arith.index_cast %mul3A_563 : i32 to index
          %get3A_566 = tpu.vector_load %arg6[%get3A_564, %get3A_565] {strides = array<i32>} : memref<2x2560xi32, #tpu.memory_space<vmem>>, vector<1x16xi32>,
          %get3A_567 = vector.shape_cast %get3A_566 : vector<1x16xi32> to vector<16xi32>
          %mul3A_568 = arith.constant -1640531535 : i32
          %mul3A_569 = vector.broadcast %mul3A_568 : i32 to vector<16xi32>
          %mul3A_570 = arith.muli %get3A_567, %mul3A_569 : vector<16xi32>
          %xor3A = arith.constant -1640531527 : i32
          %xor3A_571 = vector.broadcast %xor3A : i32 to vector<16xi32>
          %xor3A_572 = arith.xori %mul3A_570, %xor3A_571 : vector<16xi32>
          %shift_right_logical3A = arith.constant 16 : i32
          %shift_right_logical3A_573 = vector.broadcast %shift_right_logical3A : i32 to vector<16xi32>
          %shift_right_logical3A_574 = arith.shrui %xor3A_572, %shift_right_logical3A_573 : vector<16xi32>
          %xor3A_575 = arith.xori %xor3A_572, %shift_right_logical3A_574 : vector<16xi32>
          %mul3A_576 = arith.constant -2048144789 : i32
          %mul3A_577 = vector.broadcast %mul3A_576 : i32 to vector<16xi32>
          %mul3A_578 = arith.muli %xor3A_575, %mul3A_577 : vector<16xi32>
          %shift_right_logical3A_579 = arith.constant 13 : i32
          %shift_right_logical3A_580 = vector.broadcast %shift_right_logical3A_579 : i32 to vector<16xi32>
          %shift_right_logical3A_581 = arith.shrui %mul3A_578, %shift_right_logical3A_580 : vector<16xi32>
          %xor3A_582 = arith.xori %mul3A_578, %shift_right_logical3A_581 : vector<16xi32>
          %shift_right_logical3A_583 = arith.constant 16 : i32
          %shift_right_logical3A_584 = vector.broadcast %shift_right_logical3A_583 : i32 to vector<16xi32>
          %shift_right_logical3A_585 = arith.shrui %xor3A_582, %shift_right_logical3A_584 : vector<16xi32>
          %convert_element_type3A_586 = arith.sitofp %shift_right_logical3A_585 : vector<16xi32> to vector<16xf32>
          %mul3A_587 = arith.constant 6.553600e-02 : f32
          %mul3A_588 = vector.broadcast %mul3A_587 : f32 to vector<16xf32>
          %mul3A_589 = arith.mulf %convert_element_type3A_586, %mul3A_588 : vector<16xf32>
          %convert_element_type3A_590 = arith.fptosi %mul3A_589 : vector<16xf32> to vector<16xi32>
          %mul3A_591 = arith.constant 1000000 : i32
          %mul3A_592 = vector.broadcast %mul3A_591 : i32 to vector<16xi32>
          %mul3A_593 = arith.muli %convert_element_type3A_590, %mul3A_592 : vector<16xi32>
          %sub3A = arith.subi %xor3A_582, %mul3A_593 : vector<16xi32>
          %lt3A_594 = arith.constant 0 : i32
          %lt3A_595 = vector.broadcast %lt3A_594 : i32 to vector<16xi32>
          %lt3A_596 = arith.cmpi slt, %sub3A, %lt3A_595 : vector<16xi32>
          %add3A_597 = arith.constant 1000000 : i32
          %add3A_598 = vector.broadcast %add3A_597 : i32 to vector<16xi32>
          %add3A_599 = arith.addi %sub3A, %add3A_598 : vector<16xi32>
          %select_n3A = arith.select %lt3A_596, %add3A_599, %sub3A : vector<16xi1>, vector<16xi32>
          %ge3A = arith.constant 1000000 : i32
          %ge3A_600 = vector.broadcast %ge3A : i32 to vector<16xi32>
          %ge3A_601 = arith.cmpi sge, %select_n3A, %ge3A_600 : vector<16xi32>
          %sub3A_602 = arith.constant 1000000 : i32
          %sub3A_603 = vector.broadcast %sub3A_602 : i32 to vector<16xi32>
          %sub3A_604 = arith.subi %select_n3A, %sub3A_603 : vector<16xi32>
          %select_n3A_605 = arith.select %ge3A_601, %sub3A_604, %select_n3A : vector<16xi1>, vector<16xi32>
          %xor3A_606 = arith.constant 1013904242 : i32
          %xor3A_607 = vector.broadcast %xor3A_606 : i32 to vector<16xi32>
          %xor3A_608 = arith.xori %mul3A_570, %xor3A_607 : vector<16xi32>
          %shift_right_logical3A_609 = arith.constant 16 : i32
          %shift_right_logical3A_610 = vector.broadcast %shift_right_logical3A_609 : i32 to vector<16xi32>
          %shift_right_logical3A_611 = arith.shrui %xor3A_608, %shift_right_logical3A_610 : vector<16xi32>
          %xor3A_612 = arith.xori %xor3A_608, %shift_right_logical3A_611 : vector<16xi32>
          %mul3A_613 = arith.constant -2048144789 : i32
          %mul3A_614 = vector.broadcast %mul3A_613 : i32 to vector<16xi32>
          %mul3A_615 = arith.muli %xor3A_612, %mul3A_614 : vector<16xi32>
          %shift_right_logical3A_616 = arith.constant 13 : i32
          %shift_right_logical3A_617 = vector.broadcast %shift_right_logical3A_616 : i32 to vector<16xi32>
          %shift_right_logical3A_618 = arith.shrui %mul3A_615, %shift_right_logical3A_617 : vector<16xi32>
          %xor3A_619 = arith.xori %mul3A_615, %shift_right_logical3A_618 : vector<16xi32>
          %shift_right_logical3A_620 = arith.constant 16 : i32
          %shift_right_logical3A_621 = vector.broadcast %shift_right_logical3A_620 : i32 to vector<16xi32>
          %shift_right_logical3A_622 = arith.shrui %xor3A_619, %shift_right_logical3A_621 : vector<16xi32>
          %convert_element_type3A_623 = arith.sitofp %shift_right_logical3A_622 : vector<16xi32> to vector<16xf32>
          %mul3A_624 = arith.constant 6.553600e-02 : f32
          %mul3A_625 = vector.broadcast %mul3A_624 : f32 to vector<16xf32>
          %mul3A_626 = arith.mulf %convert_element_type3A_623, %mul3A_625 : vector<16xf32>
          %convert_element_type3A_627 = arith.fptosi %mul3A_626 : vector<16xf32> to vector<16xi32>
          %mul3A_628 = arith.constant 1000000 : i32
          %mul3A_629 = vector.broadcast %mul3A_628 : i32 to vector<16xi32>
          %mul3A_630 = arith.muli %convert_element_type3A_627, %mul3A_629 : vector<16xi32>
          %sub3A_631 = arith.subi %xor3A_619, %mul3A_630 : vector<16xi32>
          %lt3A_632 = arith.constant 0 : i32
          %lt3A_633 = vector.broadcast %lt3A_632 : i32 to vector<16xi32>
          %lt3A_634 = arith.cmpi slt, %sub3A_631, %lt3A_633 : vector<16xi32>
          %add3A_635 = arith.constant 1000000 : i32
          %add3A_636 = vector.broadcast %add3A_635 : i32 to vector<16xi32>
          %add3A_637 = arith.addi %sub3A_631, %add3A_636 : vector<16xi32>
          %select_n3A_638 = arith.select %lt3A_634, %add3A_637, %sub3A_631 : vector<16xi1>, vector<16xi32>
          %ge3A_639 = arith.constant 1000000 : i32
          %ge3A_640 = vector.broadcast %ge3A_639 : i32 to vector<16xi32>
          %ge3A_641 = arith.cmpi sge, %select_n3A_638, %ge3A_640 : vector<16xi32>
          %sub3A_642 = arith.constant 1000000 : i32
          %sub3A_643 = vector.broadcast %sub3A_642 : i32 to vector<16xi32>
          %sub3A_644 = arith.subi %select_n3A_638, %sub3A_643 : vector<16xi32>
          %select_n3A_645 = arith.select %ge3A_641, %sub3A_644, %select_n3A_638 : vector<16xi1>, vector<16xi32>
          %jit3A = arith.constant 32 : i32
          %div3A = arith.divsi %scan3A_561, %jit3A : i32
          %sign3A = arith.constant 0 : i32
          %sign3A_646 = arith.cmpi sgt, %scan3A_561, %sign3A : i32
          %sign3A_647 = arith.extui %sign3A_646 : i1 to i32
          %sign3A_648 = arith.constant 0 : i32
          %sign3A_649 = arith.cmpi slt, %scan3A_561, %sign3A_648 : i32
          %sign3A_650 = arith.extui %sign3A_649 : i1 to i32
          %sign3A_651 = arith.subi %sign3A_647, %sign3A_650 : i32
          %sign3A_652 = arith.constant 0 : i32
          %sign3A_653 = arith.cmpi sgt, %jit3A, %sign3A_652 : i32
          %sign3A_654 = arith.extui %sign3A_653 : i1 to i32
          %sign3A_655 = arith.constant 0 : i32
          %sign3A_656 = arith.cmpi slt, %jit3A, %sign3A_655 : i32
          %sign3A_657 = arith.extui %sign3A_656 : i1 to i32
          %sign3A_658 = arith.subi %sign3A_654, %sign3A_657 : i32
          %ne3A = arith.cmpi ne, %sign3A_651, %sign3A_658 : i32
          %rem3A = arith.remsi %scan3A_561, %jit3A : i32
          %ne3A_659 = arith.constant 0 : i32
          %ne3A_660 = arith.cmpi ne, %rem3A, %ne3A_659 : i32
          %and3A = arith.andi %ne3A, %ne3A_660 : i1
          %sub3A_661 = arith.constant 1 : i32
          %sub3A_662 = arith.subi %div3A, %sub3A_661 : i32
          %select_n3A_663 = arith.select %and3A, %sub3A_662, %div3A : i32
          %jit3A_664 = arith.constant 32 : i32
          %eq3A = arith.constant 0 : i32
          %eq3A_665 = arith.cmpi eq, %jit3A_664, %eq3A : i32
          %jit3A_666 = arith.constant 1 : i32
          %select_n3A_667 = arith.select %eq3A_665, %jit3A_666, %jit3A_664 : i32
          %rem3A_668 = arith.remsi %scan3A_561, %select_n3A_667 : i32
          %ne3A_669 = arith.constant 0 : i32
          %ne3A_670 = arith.cmpi ne, %rem3A_668, %ne3A_669 : i32
          %lt3A_671 = arith.constant 0 : i32
          %lt3A_672 = arith.cmpi slt, %rem3A_668, %lt3A_671 : i32
          %lt3A_673 = arith.constant 0 : i32
          %lt3A_674 = arith.cmpi slt, %select_n3A_667, %lt3A_673 : i32
          %ne3A_675 = arith.xori %lt3A_672, %lt3A_674 : i1
          %and3A_676 = arith.andi %ne3A_675, %ne3A_670 : i1
          %add3A_677 = arith.addi %rem3A_668, %select_n3A_667 : i32
          %select_n3A_678 = arith.select %and3A_676, %add3A_677, %rem3A_668 : i32
          %mul3A_679 = arith.constant 16 : i32
          %mul3A_680 = arith.muli %select_n3A_678, %mul3A_679 : i32
          %swap3A = arith.constant 1 : i32
          %swap3A_681 = arith.index_cast %swap3A : i32 to index
          %swap3A_682 = arith.index_cast %select_n3A_663 : i32 to index
          %swap3A_683 = arith.index_cast %mul3A_680 : i32 to index
          %swap3A_684 = tpu.vector_load %arg7[%swap3A_681, %swap3A_682, %swap3A_683] {strides = array<i32>} : memref<2x5x512xi32, #tpu.memory_space<vmem>>, vector<1x1x16xi32>,
          %swap3A_685 = vector.shape_cast %swap3A_684 : vector<1x1x16xi32> to vector<16xi32>
          %swap3A_686 = vector.shape_cast %select_n3A_605 : vector<16xi32> to vector<1x1x16xi32>
          tpu.vector_store %arg7[%swap3A_681, %swap3A_682, %swap3A_683], %swap3A_686 {strides = array<i32>} : memref<2x5x512xi32, #tpu.memory_space<vmem>>, vector<1x1x16xi32>,
          %swap3A_687 = arith.constant 1 : i32
          %swap3A_688 = arith.index_cast %swap3A_687 : i32 to index
          %swap3A_689 = arith.index_cast %select_n3A_663 : i32 to index
          %swap3A_690 = arith.index_cast %mul3A_680 : i32 to index
          %swap3A_691 = tpu.vector_load %arg8[%swap3A_688, %swap3A_689, %swap3A_690] {strides = array<i32>} : memref<2x5x512xi32, #tpu.memory_space<vmem>>, vector<1x1x16xi32>,
          %swap3A_692 = vector.shape_cast %swap3A_691 : vector<1x1x16xi32> to vector<16xi32>
          %swap3A_693 = vector.shape_cast %select_n3A_645 : vector<16xi32> to vector<1x1x16xi32>
          tpu.vector_store %arg8[%swap3A_688, %swap3A_689, %swap3A_690], %swap3A_693 {strides = array<i32>} : memref<2x5x512xi32, #tpu.memory_space<vmem>>, vector<1x1x16xi32>,
          %scan3A_694 = arith.constant 1 : i32
          %scan3A_695 = arith.addi %scan3A_561, %scan3A_694 : i32
          %mul3A_696 = arith.constant 16 : i32
          %mul3A_697 = arith.muli %scan3A_695, %mul3A_696 : i32
          %get3A_698 = arith.constant 1 : i32
          %get3A_699 = arith.index_cast %get3A_698 : i32 to index
          %get3A_700 = arith.index_cast %mul3A_697 : i32 to index
          %get3A_701 = tpu.vector_load %arg6[%get3A_699, %get3A_700] {strides = array<i32>} : memref<2x2560xi32, #tpu.memory_space<vmem>>, vector<1x16xi32>,
          %get3A_702 = vector.shape_cast %get3A_701 : vector<1x16xi32> to vector<16xi32>
          %mul3A_703 = arith.constant -1640531535 : i32
          %mul3A_704 = vector.broadcast %mul3A_703 : i32 to vector<16xi32>
          %mul3A_705 = arith.muli %get3A_702, %mul3A_704 : vector<16xi32>
          %xor3A_706 = arith.constant -1640531527 : i32
          %xor3A_707 = vector.broadcast %xor3A_706 : i32 to vector<16xi32>
          %xor3A_708 = arith.xori %mul3A_705, %xor3A_707 : vector<16xi32>
          %shift_right_logical3A_709 = arith.constant 16 : i32
          %shift_right_logical3A_710 = vector.broadcast %shift_right_logical3A_709 : i32 to vector<16xi32>
          %shift_right_logical3A_711 = arith.shrui %xor3A_708, %shift_right_logical3A_710 : vector<16xi32>
          %xor3A_712 = arith.xori %xor3A_708, %shift_right_logical3A_711 : vector<16xi32>
          %mul3A_713 = arith.constant -2048144789 : i32
          %mul3A_714 = vector.broadcast %mul3A_713 : i32 to vector<16xi32>
          %mul3A_715 = arith.muli %xor3A_712, %mul3A_714 : vector<16xi32>
          %shift_right_logical3A_716 = arith.constant 13 : i32
          %shift_right_logical3A_717 = vector.broadcast %shift_right_logical3A_716 : i32 to vector<16xi32>
          %shift_right_logical3A_718 = arith.shrui %mul3A_715, %shift_right_logical3A_717 : vector<16xi32>
          %xor3A_719 = arith.xori %mul3A_715, %shift_right_logical3A_718 : vector<16xi32>
          %shift_right_logical3A_720 = arith.constant 16 : i32
          %shift_right_logical3A_721 = vector.broadcast %shift_right_logical3A_720 : i32 to vector<16xi32>
          %shift_right_logical3A_722 = arith.shrui %xor3A_719, %shift_right_logical3A_721 : vector<16xi32>
          %convert_element_type3A_723 = arith.sitofp %shift_right_logical3A_722 : vector<16xi32> to vector<16xf32>
          %mul3A_724 = arith.constant 6.553600e-02 : f32
          %mul3A_725 = vector.broadcast %mul3A_724 : f32 to vector<16xf32>
          %mul3A_726 = arith.mulf %convert_element_type3A_723, %mul3A_725 : vector<16xf32>
          %convert_element_type3A_727 = arith.fptosi %mul3A_726 : vector<16xf32> to vector<16xi32>
          %mul3A_728 = arith.constant 1000000 : i32
          %mul3A_729 = vector.broadcast %mul3A_728 : i32 to vector<16xi32>
          %mul3A_730 = arith.muli %convert_element_type3A_727, %mul3A_729 : vector<16xi32>
          %sub3A_731 = arith.subi %xor3A_719, %mul3A_730 : vector<16xi32>
          %lt3A_732 = arith.constant 0 : i32
          %lt3A_733 = vector.broadcast %lt3A_732 : i32 to vector<16xi32>
          %lt3A_734 = arith.cmpi slt, %sub3A_731, %lt3A_733 : vector<16xi32>
          %add3A_735 = arith.constant 1000000 : i32
          %add3A_736 = vector.broadcast %add3A_735 : i32 to vector<16xi32>
          %add3A_737 = arith.addi %sub3A_731, %add3A_736 : vector<16xi32>
          %select_n3A_738 = arith.select %lt3A_734, %add3A_737, %sub3A_731 : vector<16xi1>, vector<16xi32>
          %ge3A_739 = arith.constant 1000000 : i32
          %ge3A_740 = vector.broadcast %ge3A_739 : i32 to vector<16xi32>
          %ge3A_741 = arith.cmpi sge, %select_n3A_738, %ge3A_740 : vector<16xi32>
          %sub3A_742 = arith.constant 1000000 : i32
          %sub3A_743 = vector.broadcast %sub3A_742 : i32 to vector<16xi32>
          %sub3A_744 = arith.subi %select_n3A_738, %sub3A_743 : vector<16xi32>
          %select_n3A_745 = arith.select %ge3A_741, %sub3A_744, %select_n3A_738 : vector<16xi1>, vector<16xi32>
          %xor3A_746 = arith.constant 1013904242 : i32
          %xor3A_747 = vector.broadcast %xor3A_746 : i32 to vector<16xi32>
          %xor3A_748 = arith.xori %mul3A_705, %xor3A_747 : vector<16xi32>
          %shift_right_logical3A_749 = arith.constant 16 : i32
          %shift_right_logical3A_750 = vector.broadcast %shift_right_logical3A_749 : i32 to vector<16xi32>
          %shift_right_logical3A_751 = arith.shrui %xor3A_748, %shift_right_logical3A_750 : vector<16xi32>
          %xor3A_752 = arith.xori %xor3A_748, %shift_right_logical3A_751 : vector<16xi32>
          %mul3A_753 = arith.constant -2048144789 : i32
          %mul3A_754 = vector.broadcast %mul3A_753 : i32 to vector<16xi32>
          %mul3A_755 = arith.muli %xor3A_752, %mul3A_754 : vector<16xi32>
          %shift_right_logical3A_756 = arith.constant 13 : i32
          %shift_right_logical3A_757 = vector.broadcast %shift_right_logical3A_756 : i32 to vector<16xi32>
          %shift_right_logical3A_758 = arith.shrui %mul3A_755, %shift_right_logical3A_757 : vector<16xi32>
          %xor3A_759 = arith.xori %mul3A_755, %shift_right_logical3A_758 : vector<16xi32>
          %shift_right_logical3A_760 = arith.constant 16 : i32
          %shift_right_logical3A_761 = vector.broadcast %shift_right_logical3A_760 : i32 to vector<16xi32>
          %shift_right_logical3A_762 = arith.shrui %xor3A_759, %shift_right_logical3A_761 : vector<16xi32>
          %convert_element_type3A_763 = arith.sitofp %shift_right_logical3A_762 : vector<16xi32> to vector<16xf32>
          %mul3A_764 = arith.constant 6.553600e-02 : f32
          %mul3A_765 = vector.broadcast %mul3A_764 : f32 to vector<16xf32>
          %mul3A_766 = arith.mulf %convert_element_type3A_763, %mul3A_765 : vector<16xf32>
          %convert_element_type3A_767 = arith.fptosi %mul3A_766 : vector<16xf32> to vector<16xi32>
          %mul3A_768 = arith.constant 1000000 : i32
          %mul3A_769 = vector.broadcast %mul3A_768 : i32 to vector<16xi32>
          %mul3A_770 = arith.muli %convert_element_type3A_767, %mul3A_769 : vector<16xi32>
          %sub3A_771 = arith.subi %xor3A_759, %mul3A_770 : vector<16xi32>
          %lt3A_772 = arith.constant 0 : i32
          %lt3A_773 = vector.broadcast %lt3A_772 : i32 to vector<16xi32>
          %lt3A_774 = arith.cmpi slt, %sub3A_771, %lt3A_773 : vector<16xi32>
          %add3A_775 = arith.constant 1000000 : i32
          %add3A_776 = vector.broadcast %add3A_775 : i32 to vector<16xi32>
          %add3A_777 = arith.addi %sub3A_771, %add3A_776 : vector<16xi32>
          %select_n3A_778 = arith.select %lt3A_774, %add3A_777, %sub3A_771 : vector<16xi1>, vector<16xi32>
          %ge3A_779 = arith.constant 1000000 : i32
          %ge3A_780 = vector.broadcast %ge3A_779 : i32 to vector<16xi32>
          %ge3A_781 = arith.cmpi sge, %select_n3A_778, %ge3A_780 : vector<16xi32>
          %sub3A_782 = arith.constant 1000000 : i32
          %sub3A_783 = vector.broadcast %sub3A_782 : i32 to vector<16xi32>
          %sub3A_784 = arith.subi %select_n3A_778, %sub3A_783 : vector<16xi32>
          %select_n3A_785 = arith.select %ge3A_781, %sub3A_784, %select_n3A_778 : vector<16xi1>, vector<16xi32>
          %jit3A_786 = arith.constant 32 : i32
          %div3A_787 = arith.divsi %scan3A_695, %jit3A_786 : i32
          %sign3A_788 = arith.constant 0 : i32
          %sign3A_789 = arith.cmpi sgt, %scan3A_695, %sign3A_788 : i32
          %sign3A_790 = arith.extui %sign3A_789 : i1 to i32
          %sign3A_791 = arith.constant 0 : i32
          %sign3A_792 = arith.cmpi slt, %scan3A_695, %sign3A_791 : i32
          %sign3A_793 = arith.extui %sign3A_792 : i1 to i32
          %sign3A_794 = arith.subi %sign3A_790, %sign3A_793 : i32
          %sign3A_795 = arith.constant 0 : i32
          %sign3A_796 = arith.cmpi sgt, %jit3A_786, %sign3A_795 : i32
          %sign3A_797 = arith.extui %sign3A_796 : i1 to i32
          %sign3A_798 = arith.constant 0 : i32
          %sign3A_799 = arith.cmpi slt, %jit3A_786, %sign3A_798 : i32
          %sign3A_800 = arith.extui %sign3A_799 : i1 to i32
          %sign3A_801 = arith.subi %sign3A_797, %sign3A_800 : i32
          %ne3A_802 = arith.cmpi ne, %sign3A_794, %sign3A_801 : i32
          %rem3A_803 = arith.remsi %scan3A_695, %jit3A_786 : i32
          %ne3A_804 = arith.constant 0 : i32
          %ne3A_805 = arith.cmpi ne, %rem3A_803, %ne3A_804 : i32
          %and3A_806 = arith.andi %ne3A_802, %ne3A_805 : i1
          %sub3A_807 = arith.constant 1 : i32
          %sub3A_808 = arith.subi %div3A_787, %sub3A_807 : i32
          %select_n3A_809 = arith.select %and3A_806, %sub3A_808, %div3A_787 : i32
          %jit3A_810 = arith.constant 32 : i32
          %eq3A_811 = arith.constant 0 : i32
          %eq3A_812 = arith.cmpi eq, %jit3A_810, %eq3A_811 : i32
          %jit3A_813 = arith.constant 1 : i32
          %select_n3A_814 = arith.select %eq3A_812, %jit3A_813, %jit3A_810 : i32
          %rem3A_815 = arith.remsi %scan3A_695, %select_n3A_814 : i32
          %ne3A_816 = arith.constant 0 : i32
          %ne3A_817 = arith.cmpi ne, %rem3A_815, %ne3A_816 : i32
          %lt3A_818 = arith.constant 0 : i32
          %lt3A_819 = arith.cmpi slt, %rem3A_815, %lt3A_818 : i32
          %lt3A_820 = arith.constant 0 : i32
          %lt3A_821 = arith.cmpi slt, %select_n3A_814, %lt3A_820 : i32
          %ne3A_822 = arith.xori %lt3A_819, %lt3A_821 : i1
          %and3A_823 = arith.andi %ne3A_822, %ne3A_817 : i1
          %add3A_824 = arith.addi %rem3A_815, %select_n3A_814 : i32
          %select_n3A_825 = arith.select %and3A_823, %add3A_824, %rem3A_815 : i32
          %mul3A_826 = arith.constant 16 : i32
          %mul3A_827 = arith.muli %select_n3A_825, %mul3A_826 : i32
          %swap3A_828 = arith.constant 1 : i32
          %swap3A_829 = arith.index_cast %swap3A_828 : i32 to index
          %swap3A_830 = arith.index_cast %select_n3A_809 : i32 to index
          %swap3A_831 = arith.index_cast %mul3A_827 : i32 to index
          %swap3A_832 = tpu.vector_load %arg7[%swap3A_829, %swap3A_830, %swap3A_831] {strides = array<i32>} : memref<2x5x512xi32, #tpu.memory_space<vmem>>, vector<1x1x16xi32>,
          %swap3A_833 = vector.shape_cast %swap3A_832 : vector<1x1x16xi32> to vector<16xi32>
          %swap3A_834 = vector.shape_cast %select_n3A_745 : vector<16xi32> to vector<1x1x16xi32>
          tpu.vector_store %arg7[%swap3A_829, %swap3A_830, %swap3A_831], %swap3A_834 {strides = array<i32>} : memref<2x5x512xi32, #tpu.memory_space<vmem>>, vector<1x1x16xi32>,
          %swap3A_835 = arith.constant 1 : i32
          %swap3A_836 = arith.index_cast %swap3A_835 : i32 to index
          %swap3A_837 = arith.index_cast %select_n3A_809 : i32 to index
          %swap3A_838 = arith.index_cast %mul3A_827 : i32 to index
          %swap3A_839 = tpu.vector_load %arg8[%swap3A_836, %swap3A_837, %swap3A_838] {strides = array<i32>} : memref<2x5x512xi32, #tpu.memory_space<vmem>>, vector<1x1x16xi32>,
          %swap3A_840 = vector.shape_cast %swap3A_839 : vector<1x1x16xi32> to vector<16xi32>
          %swap3A_841 = vector.shape_cast %select_n3A_785 : vector<16xi32> to vector<1x1x16xi32>
          tpu.vector_store %arg8[%swap3A_836, %swap3A_837, %swap3A_838], %swap3A_841 {strides = array<i32>} : memref<2x5x512xi32, #tpu.memory_space<vmem>>, vector<1x1x16xi32>,
          %scan3A_842 = arith.constant 2 : i32
          %scan3A_843 = arith.addi %scan3A_561, %scan3A_842 : i32
          %mul3A_844 = arith.constant 16 : i32
          %mul3A_845 = arith.muli %scan3A_843, %mul3A_844 : i32
          %get3A_846 = arith.constant 1 : i32
          %get3A_847 = arith.index_cast %get3A_846 : i32 to index
          %get3A_848 = arith.index_cast %mul3A_845 : i32 to index
          %get3A_849 = tpu.vector_load %arg6[%get3A_847, %get3A_848] {strides = array<i32>} : memref<2x2560xi32, #tpu.memory_space<vmem>>, vector<1x16xi32>,
          %get3A_850 = vector.shape_cast %get3A_849 : vector<1x16xi32> to vector<16xi32>
          %mul3A_851 = arith.constant -1640531535 : i32
          %mul3A_852 = vector.broadcast %mul3A_851 : i32 to vector<16xi32>
          %mul3A_853 = arith.muli %get3A_850, %mul3A_852 : vector<16xi32>
          %xor3A_854 = arith.constant -1640531527 : i32
          %xor3A_855 = vector.broadcast %xor3A_854 : i32 to vector<16xi32>
          %xor3A_856 = arith.xori %mul3A_853, %xor3A_855 : vector<16xi32>
          %shift_right_logical3A_857 = arith.constant 16 : i32
          %shift_right_logical3A_858 = vector.broadcast %shift_right_logical3A_857 : i32 to vector<16xi32>
          %shift_right_logical3A_859 = arith.shrui %xor3A_856, %shift_right_logical3A_858 : vector<16xi32>
          %xor3A_860 = arith.xori %xor3A_856, %shift_right_logical3A_859 : vector<16xi32>
          %mul3A_861 = arith.constant -2048144789 : i32
          %mul3A_862 = vector.broadcast %mul3A_861 : i32 to vector<16xi32>
          %mul3A_863 = arith.muli %xor3A_860, %mul3A_862 : vector<16xi32>
          %shift_right_logical3A_864 = arith.constant 13 : i32
          %shift_right_logical3A_865 = vector.broadcast %shift_right_logical3A_864 : i32 to vector<16xi32>
          %shift_right_logical3A_866 = arith.shrui %mul3A_863, %shift_right_logical3A_865 : vector<16xi32>
          %xor3A_867 = arith.xori %mul3A_863, %shift_right_logical3A_866 : vector<16xi32>
          %shift_right_logical3A_868 = arith.constant 16 : i32
          %shift_right_logical3A_869 = vector.broadcast %shift_right_logical3A_868 : i32 to vector<16xi32>
          %shift_right_logical3A_870 = arith.shrui %xor3A_867, %shift_right_logical3A_869 : vector<16xi32>
          %convert_element_type3A_871 = arith.sitofp %shift_right_logical3A_870 : vector<16xi32> to vector<16xf32>
          %mul3A_872 = arith.constant 6.553600e-02 : f32
          %mul3A_873 = vector.broadcast %mul3A_872 : f32 to vector<16xf32>
          %mul3A_874 = arith.mulf %convert_element_type3A_871, %mul3A_873 : vector<16xf32>
          %convert_element_type3A_875 = arith.fptosi %mul3A_874 : vector<16xf32> to vector<16xi32>
          %mul3A_876 = arith.constant 1000000 : i32
          %mul3A_877 = vector.broadcast %mul3A_876 : i32 to vector<16xi32>
          %mul3A_878 = arith.muli %convert_element_type3A_875, %mul3A_877 : vector<16xi32>
          %sub3A_879 = arith.subi %xor3A_867, %mul3A_878 : vector<16xi32>
          %lt3A_880 = arith.constant 0 : i32
          %lt3A_881 = vector.broadcast %lt3A_880 : i32 to vector<16xi32>
          %lt3A_882 = arith.cmpi slt, %sub3A_879, %lt3A_881 : vector<16xi32>
          %add3A_883 = arith.constant 1000000 : i32
          %add3A_884 = vector.broadcast %add3A_883 : i32 to vector<16xi32>
          %add3A_885 = arith.addi %sub3A_879, %add3A_884 : vector<16xi32>
          %select_n3A_886 = arith.select %lt3A_882, %add3A_885, %sub3A_879 : vector<16xi1>, vector<16xi32>
          %ge3A_887 = arith.constant 1000000 : i32
          %ge3A_888 = vector.broadcast %ge3A_887 : i32 to vector<16xi32>
          %ge3A_889 = arith.cmpi sge, %select_n3A_886, %ge3A_888 : vector<16xi32>
          %sub3A_890 = arith.constant 1000000 : i32
          %sub3A_891 = vector.broadcast %sub3A_890 : i32 to vector<16xi32>
          %sub3A_892 = arith.subi %select_n3A_886, %sub3A_891 : vector<16xi32>
          %select_n3A_893 = arith.select %ge3A_889, %sub3A_892, %select_n3A_886 : vector<16xi1>, vector<16xi32>
          %xor3A_894 = arith.constant 1013904242 : i32
          %xor3A_895 = vector.broadcast %xor3A_894 : i32 to vector<16xi32>
          %xor3A_896 = arith.xori %mul3A_853, %xor3A_895 : vector<16xi32>
          %shift_right_logical3A_897 = arith.constant 16 : i32
          %shift_right_logical3A_898 = vector.broadcast %shift_right_logical3A_897 : i32 to vector<16xi32>
          %shift_right_logical3A_899 = arith.shrui %xor3A_896, %shift_right_logical3A_898 : vector<16xi32>
          %xor3A_900 = arith.xori %xor3A_896, %shift_right_logical3A_899 : vector<16xi32>
          %mul3A_901 = arith.constant -2048144789 : i32
          %mul3A_902 = vector.broadcast %mul3A_901 : i32 to vector<16xi32>
          %mul3A_903 = arith.muli %xor3A_900, %mul3A_902 : vector<16xi32>
          %shift_right_logical3A_904 = arith.constant 13 : i32
          %shift_right_logical3A_905 = vector.broadcast %shift_right_logical3A_904 : i32 to vector<16xi32>
          %shift_right_logical3A_906 = arith.shrui %mul3A_903, %shift_right_logical3A_905 : vector<16xi32>
          %xor3A_907 = arith.xori %mul3A_903, %shift_right_logical3A_906 : vector<16xi32>
          %shift_right_logical3A_908 = arith.constant 16 : i32
          %shift_right_logical3A_909 = vector.broadcast %shift_right_logical3A_908 : i32 to vector<16xi32>
          %shift_right_logical3A_910 = arith.shrui %xor3A_907, %shift_right_logical3A_909 : vector<16xi32>
          %convert_element_type3A_911 = arith.sitofp %shift_right_logical3A_910 : vector<16xi32> to vector<16xf32>
          %mul3A_912 = arith.constant 6.553600e-02 : f32
          %mul3A_913 = vector.broadcast %mul3A_912 : f32 to vector<16xf32>
          %mul3A_914 = arith.mulf %convert_element_type3A_911, %mul3A_913 : vector<16xf32>
          %convert_element_type3A_915 = arith.fptosi %mul3A_914 : vector<16xf32> to vector<16xi32>
          %mul3A_916 = arith.constant 1000000 : i32
          %mul3A_917 = vector.broadcast %mul3A_916 : i32 to vector<16xi32>
          %mul3A_918 = arith.muli %convert_element_type3A_915, %mul3A_917 : vector<16xi32>
          %sub3A_919 = arith.subi %xor3A_907, %mul3A_918 : vector<16xi32>
          %lt3A_920 = arith.constant 0 : i32
          %lt3A_921 = vector.broadcast %lt3A_920 : i32 to vector<16xi32>
          %lt3A_922 = arith.cmpi slt, %sub3A_919, %lt3A_921 : vector<16xi32>
          %add3A_923 = arith.constant 1000000 : i32
          %add3A_924 = vector.broadcast %add3A_923 : i32 to vector<16xi32>
          %add3A_925 = arith.addi %sub3A_919, %add3A_924 : vector<16xi32>
          %select_n3A_926 = arith.select %lt3A_922, %add3A_925, %sub3A_919 : vector<16xi1>, vector<16xi32>
          %ge3A_927 = arith.constant 1000000 : i32
          %ge3A_928 = vector.broadcast %ge3A_927 : i32 to vector<16xi32>
          %ge3A_929 = arith.cmpi sge, %select_n3A_926, %ge3A_928 : vector<16xi32>
          %sub3A_930 = arith.constant 1000000 : i32
          %sub3A_931 = vector.broadcast %sub3A_930 : i32 to vector<16xi32>
          %sub3A_932 = arith.subi %select_n3A_926, %sub3A_931 : vector<16xi32>
          %select_n3A_933 = arith.select %ge3A_929, %sub3A_932, %select_n3A_926 : vector<16xi1>, vector<16xi32>
          %jit3A_934 = arith.constant 32 : i32
          %div3A_935 = arith.divsi %scan3A_843, %jit3A_934 : i32
          %sign3A_936 = arith.constant 0 : i32
          %sign3A_937 = arith.cmpi sgt, %scan3A_843, %sign3A_936 : i32
          %sign3A_938 = arith.extui %sign3A_937 : i1 to i32
          %sign3A_939 = arith.constant 0 : i32
          %sign3A_940 = arith.cmpi slt, %scan3A_843, %sign3A_939 : i32
          %sign3A_941 = arith.extui %sign3A_940 : i1 to i32
          %sign3A_942 = arith.subi %sign3A_938, %sign3A_941 : i32
          %sign3A_943 = arith.constant 0 : i32
          %sign3A_944 = arith.cmpi sgt, %jit3A_934, %sign3A_943 : i32
          %sign3A_945 = arith.extui %sign3A_944 : i1 to i32
          %sign3A_946 = arith.constant 0 : i32
          %sign3A_947 = arith.cmpi slt, %jit3A_934, %sign3A_946 : i32
          %sign3A_948 = arith.extui %sign3A_947 : i1 to i32
          %sign3A_949 = arith.subi %sign3A_945, %sign3A_948 : i32
          %ne3A_950 = arith.cmpi ne, %sign3A_942, %sign3A_949 : i32
          %rem3A_951 = arith.remsi %scan3A_843, %jit3A_934 : i32
          %ne3A_952 = arith.constant 0 : i32
          %ne3A_953 = arith.cmpi ne, %rem3A_951, %ne3A_952 : i32
          %and3A_954 = arith.andi %ne3A_950, %ne3A_953 : i1
          %sub3A_955 = arith.constant 1 : i32
          %sub3A_956 = arith.subi %div3A_935, %sub3A_955 : i32
          %select_n3A_957 = arith.select %and3A_954, %sub3A_956, %div3A_935 : i32
          %jit3A_958 = arith.constant 32 : i32
          %eq3A_959 = arith.constant 0 : i32
          %eq3A_960 = arith.cmpi eq, %jit3A_958, %eq3A_959 : i32
          %jit3A_961 = arith.constant 1 : i32
          %select_n3A_962 = arith.select %eq3A_960, %jit3A_961, %jit3A_958 : i32
          %rem3A_963 = arith.remsi %scan3A_843, %select_n3A_962 : i32
          %ne3A_964 = arith.constant 0 : i32
          %ne3A_965 = arith.cmpi ne, %rem3A_963, %ne3A_964 : i32
          %lt3A_966 = arith.constant 0 : i32
          %lt3A_967 = arith.cmpi slt, %rem3A_963, %lt3A_966 : i32
          %lt3A_968 = arith.constant 0 : i32
          %lt3A_969 = arith.cmpi slt, %select_n3A_962, %lt3A_968 : i32
          %ne3A_970 = arith.xori %lt3A_967, %lt3A_969 : i1
          %and3A_971 = arith.andi %ne3A_970, %ne3A_965 : i1
          %add3A_972 = arith.addi %rem3A_963, %select_n3A_962 : i32
          %select_n3A_973 = arith.select %and3A_971, %add3A_972, %rem3A_963 : i32
          %mul3A_974 = arith.constant 16 : i32
          %mul3A_975 = arith.muli %select_n3A_973, %mul3A_974 : i32
          %swap3A_976 = arith.constant 1 : i32
          %swap3A_977 = arith.index_cast %swap3A_976 : i32 to index
          %swap3A_978 = arith.index_cast %select_n3A_957 : i32 to index
          %swap3A_979 = arith.index_cast %mul3A_975 : i32 to index
          %swap3A_980 = tpu.vector_load %arg7[%swap3A_977, %swap3A_978, %swap3A_979] {strides = array<i32>} : memref<2x5x512xi32, #tpu.memory_space<vmem>>, vector<1x1x16xi32>,
          %swap3A_981 = vector.shape_cast %swap3A_980 : vector<1x1x16xi32> to vector<16xi32>
          %swap3A_982 = vector.shape_cast %select_n3A_893 : vector<16xi32> to vector<1x1x16xi32>
          tpu.vector_store %arg7[%swap3A_977, %swap3A_978, %swap3A_979], %swap3A_982 {strides = array<i32>} : memref<2x5x512xi32, #tpu.memory_space<vmem>>, vector<1x1x16xi32>,
          %swap3A_983 = arith.constant 1 : i32
          %swap3A_984 = arith.index_cast %swap3A_983 : i32 to index
          %swap3A_985 = arith.index_cast %select_n3A_957 : i32 to index
          %swap3A_986 = arith.index_cast %mul3A_975 : i32 to index
          %swap3A_987 = tpu.vector_load %arg8[%swap3A_984, %swap3A_985, %swap3A_986] {strides = array<i32>} : memref<2x5x512xi32, #tpu.memory_space<vmem>>, vector<1x1x16xi32>,
          %swap3A_988 = vector.shape_cast %swap3A_987 : vector<1x1x16xi32> to vector<16xi32>
          %swap3A_989 = vector.shape_cast %select_n3A_933 : vector<16xi32> to vector<1x1x16xi32>
          tpu.vector_store %arg8[%swap3A_984, %swap3A_985, %swap3A_986], %swap3A_989 {strides = array<i32>} : memref<2x5x512xi32, #tpu.memory_space<vmem>>, vector<1x1x16xi32>,
          %scan3A_990 = arith.constant 3 : i32
          %scan3A_991 = arith.addi %scan3A_561, %scan3A_990 : i32
          %mul3A_992 = arith.constant 16 : i32
          %mul3A_993 = arith.muli %scan3A_991, %mul3A_992 : i32
          %get3A_994 = arith.constant 1 : i32
          %get3A_995 = arith.index_cast %get3A_994 : i32 to index
          %get3A_996 = arith.index_cast %mul3A_993 : i32 to index
          %get3A_997 = tpu.vector_load %arg6[%get3A_995, %get3A_996] {strides = array<i32>} : memref<2x2560xi32, #tpu.memory_space<vmem>>, vector<1x16xi32>,
          %get3A_998 = vector.shape_cast %get3A_997 : vector<1x16xi32> to vector<16xi32>
          %mul3A_999 = arith.constant -1640531535 : i32
          %mul3A_1000 = vector.broadcast %mul3A_999 : i32 to vector<16xi32>
          %mul3A_1001 = arith.muli %get3A_998, %mul3A_1000 : vector<16xi32>
          %xor3A_1002 = arith.constant -1640531527 : i32
          %xor3A_1003 = vector.broadcast %xor3A_1002 : i32 to vector<16xi32>
          %xor3A_1004 = arith.xori %mul3A_1001, %xor3A_1003 : vector<16xi32>
          %shift_right_logical3A_1005 = arith.constant 16 : i32
          %shift_right_logical3A_1006 = vector.broadcast %shift_right_logical3A_1005 : i32 to vector<16xi32>
          %shift_right_logical3A_1007 = arith.shrui %xor3A_1004, %shift_right_logical3A_1006 : vector<16xi32>
          %xor3A_1008 = arith.xori %xor3A_1004, %shift_right_logical3A_1007 : vector<16xi32>
          %mul3A_1009 = arith.constant -2048144789 : i32
          %mul3A_1010 = vector.broadcast %mul3A_1009 : i32 to vector<16xi32>
          %mul3A_1011 = arith.muli %xor3A_1008, %mul3A_1010 : vector<16xi32>
          %shift_right_logical3A_1012 = arith.constant 13 : i32
          %shift_right_logical3A_1013 = vector.broadcast %shift_right_logical3A_1012 : i32 to vector<16xi32>
          %shift_right_logical3A_1014 = arith.shrui %mul3A_1011, %shift_right_logical3A_1013 : vector<16xi32>
          %xor3A_1015 = arith.xori %mul3A_1011, %shift_right_logical3A_1014 : vector<16xi32>
          %shift_right_logical3A_1016 = arith.constant 16 : i32
          %shift_right_logical3A_1017 = vector.broadcast %shift_right_logical3A_1016 : i32 to vector<16xi32>
          %shift_right_logical3A_1018 = arith.shrui %xor3A_1015, %shift_right_logical3A_1017 : vector<16xi32>
          %convert_element_type3A_1019 = arith.sitofp %shift_right_logical3A_1018 : vector<16xi32> to vector<16xf32>
          %mul3A_1020 = arith.constant 6.553600e-02 : f32
          %mul3A_1021 = vector.broadcast %mul3A_1020 : f32 to vector<16xf32>
          %mul3A_1022 = arith.mulf %convert_element_type3A_1019, %mul3A_1021 : vector<16xf32>
          %convert_element_type3A_1023 = arith.fptosi %mul3A_1022 : vector<16xf32> to vector<16xi32>
          %mul3A_1024 = arith.constant 1000000 : i32
          %mul3A_1025 = vector.broadcast %mul3A_1024 : i32 to vector<16xi32>
          %mul3A_1026 = arith.muli %convert_element_type3A_1023, %mul3A_1025 : vector<16xi32>
          %sub3A_1027 = arith.subi %xor3A_1015, %mul3A_1026 : vector<16xi32>
          %lt3A_1028 = arith.constant 0 : i32
          %lt3A_1029 = vector.broadcast %lt3A_1028 : i32 to vector<16xi32>
          %lt3A_1030 = arith.cmpi slt, %sub3A_1027, %lt3A_1029 : vector<16xi32>
          %add3A_1031 = arith.constant 1000000 : i32
          %add3A_1032 = vector.broadcast %add3A_1031 : i32 to vector<16xi32>
          %add3A_1033 = arith.addi %sub3A_1027, %add3A_1032 : vector<16xi32>
          %select_n3A_1034 = arith.select %lt3A_1030, %add3A_1033, %sub3A_1027 : vector<16xi1>, vector<16xi32>
          %ge3A_1035 = arith.constant 1000000 : i32
          %ge3A_1036 = vector.broadcast %ge3A_1035 : i32 to vector<16xi32>
          %ge3A_1037 = arith.cmpi sge, %select_n3A_1034, %ge3A_1036 : vector<16xi32>
          %sub3A_1038 = arith.constant 1000000 : i32
          %sub3A_1039 = vector.broadcast %sub3A_1038 : i32 to vector<16xi32>
          %sub3A_1040 = arith.subi %select_n3A_1034, %sub3A_1039 : vector<16xi32>
          %select_n3A_1041 = arith.select %ge3A_1037, %sub3A_1040, %select_n3A_1034 : vector<16xi1>, vector<16xi32>
          %xor3A_1042 = arith.constant 1013904242 : i32
          %xor3A_1043 = vector.broadcast %xor3A_1042 : i32 to vector<16xi32>
          %xor3A_1044 = arith.xori %mul3A_1001, %xor3A_1043 : vector<16xi32>
          %shift_right_logical3A_1045 = arith.constant 16 : i32
          %shift_right_logical3A_1046 = vector.broadcast %shift_right_logical3A_1045 : i32 to vector<16xi32>
          %shift_right_logical3A_1047 = arith.shrui %xor3A_1044, %shift_right_logical3A_1046 : vector<16xi32>
          %xor3A_1048 = arith.xori %xor3A_1044, %shift_right_logical3A_1047 : vector<16xi32>
          %mul3A_1049 = arith.constant -2048144789 : i32
          %mul3A_1050 = vector.broadcast %mul3A_1049 : i32 to vector<16xi32>
          %mul3A_1051 = arith.muli %xor3A_1048, %mul3A_1050 : vector<16xi32>
          %shift_right_logical3A_1052 = arith.constant 13 : i32
          %shift_right_logical3A_1053 = vector.broadcast %shift_right_logical3A_1052 : i32 to vector<16xi32>
          %shift_right_logical3A_1054 = arith.shrui %mul3A_1051, %shift_right_logical3A_1053 : vector<16xi32>
          %xor3A_1055 = arith.xori %mul3A_1051, %shift_right_logical3A_1054 : vector<16xi32>
          %shift_right_logical3A_1056 = arith.constant 16 : i32
          %shift_right_logical3A_1057 = vector.broadcast %shift_right_logical3A_1056 : i32 to vector<16xi32>
          %shift_right_logical3A_1058 = arith.shrui %xor3A_1055, %shift_right_logical3A_1057 : vector<16xi32>
          %convert_element_type3A_1059 = arith.sitofp %shift_right_logical3A_1058 : vector<16xi32> to vector<16xf32>
          %mul3A_1060 = arith.constant 6.553600e-02 : f32
          %mul3A_1061 = vector.broadcast %mul3A_1060 : f32 to vector<16xf32>
          %mul3A_1062 = arith.mulf %convert_element_type3A_1059, %mul3A_1061 : vector<16xf32>
          %convert_element_type3A_1063 = arith.fptosi %mul3A_1062 : vector<16xf32> to vector<16xi32>
          %mul3A_1064 = arith.constant 1000000 : i32
          %mul3A_1065 = vector.broadcast %mul3A_1064 : i32 to vector<16xi32>
          %mul3A_1066 = arith.muli %convert_element_type3A_1063, %mul3A_1065 : vector<16xi32>
          %sub3A_1067 = arith.subi %xor3A_1055, %mul3A_1066 : vector<16xi32>
          %lt3A_1068 = arith.constant 0 : i32
          %lt3A_1069 = vector.broadcast %lt3A_1068 : i32 to vector<16xi32>
          %lt3A_1070 = arith.cmpi slt, %sub3A_1067, %lt3A_1069 : vector<16xi32>
          %add3A_1071 = arith.constant 1000000 : i32
          %add3A_1072 = vector.broadcast %add3A_1071 : i32 to vector<16xi32>
          %add3A_1073 = arith.addi %sub3A_1067, %add3A_1072 : vector<16xi32>
          %select_n3A_1074 = arith.select %lt3A_1070, %add3A_1073, %sub3A_1067 : vector<16xi1>, vector<16xi32>
          %ge3A_1075 = arith.constant 1000000 : i32
          %ge3A_1076 = vector.broadcast %ge3A_1075 : i32 to vector<16xi32>
          %ge3A_1077 = arith.cmpi sge, %select_n3A_1074, %ge3A_1076 : vector<16xi32>
          %sub3A_1078 = arith.constant 1000000 : i32
          %sub3A_1079 = vector.broadcast %sub3A_1078 : i32 to vector<16xi32>
          %sub3A_1080 = arith.subi %select_n3A_1074, %sub3A_1079 : vector<16xi32>
          %select_n3A_1081 = arith.select %ge3A_1077, %sub3A_1080, %select_n3A_1074 : vector<16xi1>, vector<16xi32>
          %jit3A_1082 = arith.constant 32 : i32
          %div3A_1083 = arith.divsi %scan3A_991, %jit3A_1082 : i32
          %sign3A_1084 = arith.constant 0 : i32
          %sign3A_1085 = arith.cmpi sgt, %scan3A_991, %sign3A_1084 : i32
          %sign3A_1086 = arith.extui %sign3A_1085 : i1 to i32
          %sign3A_1087 = arith.constant 0 : i32
          %sign3A_1088 = arith.cmpi slt, %scan3A_991, %sign3A_1087 : i32
          %sign3A_1089 = arith.extui %sign3A_1088 : i1 to i32
          %sign3A_1090 = arith.subi %sign3A_1086, %sign3A_1089 : i32
          %sign3A_1091 = arith.constant 0 : i32
          %sign3A_1092 = arith.cmpi sgt, %jit3A_1082, %sign3A_1091 : i32
          %sign3A_1093 = arith.extui %sign3A_1092 : i1 to i32
          %sign3A_1094 = arith.constant 0 : i32
          %sign3A_1095 = arith.cmpi slt, %jit3A_1082, %sign3A_1094 : i32
          %sign3A_1096 = arith.extui %sign3A_1095 : i1 to i32
          %sign3A_1097 = arith.subi %sign3A_1093, %sign3A_1096 : i32
          %ne3A_1098 = arith.cmpi ne, %sign3A_1090, %sign3A_1097 : i32
          %rem3A_1099 = arith.remsi %scan3A_991, %jit3A_1082 : i32
          %ne3A_1100 = arith.constant 0 : i32
          %ne3A_1101 = arith.cmpi ne, %rem3A_1099, %ne3A_1100 : i32
          %and3A_1102 = arith.andi %ne3A_1098, %ne3A_1101 : i1
          %sub3A_1103 = arith.constant 1 : i32
          %sub3A_1104 = arith.subi %div3A_1083, %sub3A_1103 : i32
          %select_n3A_1105 = arith.select %and3A_1102, %sub3A_1104, %div3A_1083 : i32
          %jit3A_1106 = arith.constant 32 : i32
          %eq3A_1107 = arith.constant 0 : i32
          %eq3A_1108 = arith.cmpi eq, %jit3A_1106, %eq3A_1107 : i32
          %jit3A_1109 = arith.constant 1 : i32
          %select_n3A_1110 = arith.select %eq3A_1108, %jit3A_1109, %jit3A_1106 : i32
          %rem3A_1111 = arith.remsi %scan3A_991, %select_n3A_1110 : i32
          %ne3A_1112 = arith.constant 0 : i32
          %ne3A_1113 = arith.cmpi ne, %rem3A_1111, %ne3A_1112 : i32
          %lt3A_1114 = arith.constant 0 : i32
          %lt3A_1115 = arith.cmpi slt, %rem3A_1111, %lt3A_1114 : i32
          %lt3A_1116 = arith.constant 0 : i32
          %lt3A_1117 = arith.cmpi slt, %select_n3A_1110, %lt3A_1116 : i32
          %ne3A_1118 = arith.xori %lt3A_1115, %lt3A_1117 : i1
          %and3A_1119 = arith.andi %ne3A_1118, %ne3A_1113 : i1
          %add3A_1120 = arith.addi %rem3A_1111, %select_n3A_1110 : i32
          %select_n3A_1121 = arith.select %and3A_1119, %add3A_1120, %rem3A_1111 : i32
          %mul3A_1122 = arith.constant 16 : i32
          %mul3A_1123 = arith.muli %select_n3A_1121, %mul3A_1122 : i32
          %swap3A_1124 = arith.constant 1 : i32
          %swap3A_1125 = arith.index_cast %swap3A_1124 : i32 to index
          %swap3A_1126 = arith.index_cast %select_n3A_1105 : i32 to index
          %swap3A_1127 = arith.index_cast %mul3A_1123 : i32 to index
          %swap3A_1128 = tpu.vector_load %arg7[%swap3A_1125, %swap3A_1126, %swap3A_1127] {strides = array<i32>} : memref<2x5x512xi32, #tpu.memory_space<vmem>>, vector<1x1x16xi32>,
          %swap3A_1129 = vector.shape_cast %swap3A_1128 : vector<1x1x16xi32> to vector<16xi32>
          %swap3A_1130 = vector.shape_cast %select_n3A_1041 : vector<16xi32> to vector<1x1x16xi32>
          tpu.vector_store %arg7[%swap3A_1125, %swap3A_1126, %swap3A_1127], %swap3A_1130 {strides = array<i32>} : memref<2x5x512xi32, #tpu.memory_space<vmem>>, vector<1x1x16xi32>,
          %swap3A_1131 = arith.constant 1 : i32
          %swap3A_1132 = arith.index_cast %swap3A_1131 : i32 to index
          %swap3A_1133 = arith.index_cast %select_n3A_1105 : i32 to index
          %swap3A_1134 = arith.index_cast %mul3A_1123 : i32 to index
          %swap3A_1135 = tpu.vector_load %arg8[%swap3A_1132, %swap3A_1133, %swap3A_1134] {strides = array<i32>} : memref<2x5x512xi32, #tpu.memory_space<vmem>>, vector<1x1x16xi32>,
          %swap3A_1136 = vector.shape_cast %swap3A_1135 : vector<1x1x16xi32> to vector<16xi32>
          %swap3A_1137 = vector.shape_cast %select_n3A_1081 : vector<16xi32> to vector<1x1x16xi32>
          tpu.vector_store %arg8[%swap3A_1132, %swap3A_1133, %swap3A_1134], %swap3A_1137 {strides = array<i32>} : memref<2x5x512xi32, #tpu.memory_space<vmem>>, vector<1x1x16xi32>,
        }
        %scan3A_560 = arith.constant 160 : i32
      } else {
      }
      %gt3A = arith.constant 0 : i32
      %gt3A_99 = arith.cmpi sgt, %mul3A_96, %gt3A : i32
      %convert_element_type3A_100 = arith.extui %gt3A_99 : i1 to i32
      %cond3A_101 = arith.constant 0 : i32
      %cond3A_102 = arith.cmpi ne, %convert_element_type3A_100, %cond3A_101 : i32
      scf.if %cond3A_102 {
        %sub3A = arith.constant 1 : i32
        %sub3A_549 = arith.subi %mul3A_96, %sub3A : i32
        %mul3A_550 = arith.constant 2560 : i32
        %mul3A_551 = arith.muli %sub3A_549, %mul3A_550 : i32
        %add3A_552 = arith.addi %mul3A_2, %mul3A_551 : i32
        %dma_wait3A_553 = arith.constant 1 : i32
        %dma_wait3A_554 = arith.constant 0 : i32
        %dma_wait3A_555 = arith.constant 0 : i32
        %dma_wait3A_556 = tpu.memref_slice %arg9[%dma_wait3A_553, %dma_wait3A_554, %dma_wait3A_555] : memref<2x2560x16xf32, #tpu.memory_space<vmem>> -> memref<1x2560x16xf32, #tpu.memory_space<vmem>>
        %dma_wait3A_557 = tpu.memref_squeeze %dma_wait3A_556 : memref<1x2560x16xf32, #tpu.memory_space<vmem>> -> memref<2560x16xf32, #tpu.memory_space<vmem>>
        %dma_wait3A_558 = arith.constant 0 : i32
        %dma_wait3A_559 = tpu.memref_slice %arg5[%add3A_552, %dma_wait3A_558] : memref<3276800x16xf32, #tpu.memory_space<hbm>> -> memref<2560x16xf32, #tpu.memory_space<hbm>>
        %dma_wait3A_560 = arith.constant 0 : i32
        %dma_wait3A_561 = tpu.memref_slice %arg5[%add3A_552, %dma_wait3A_560] : memref<3276800x16xf32, #tpu.memory_space<hbm>> -> memref<2560x16xf32, #tpu.memory_space<hbm>>
        %dma_wait3A_562 = arith.constant 0 : i32
        %dma_wait3A_563 = arith.constant 0 : i32
        %dma_wait3A_564 = tpu.memref_slice %arg9[%dma_wait3A_553, %dma_wait3A_562, %dma_wait3A_563] : memref<2x2560x16xf32, #tpu.memory_space<vmem>> -> memref<1x2560x16xf32, #tpu.memory_space<vmem>>
        %dma_wait3A_565 = tpu.memref_squeeze %dma_wait3A_564 : memref<1x2560x16xf32, #tpu.memory_space<vmem>> -> memref<2560x16xf32, #tpu.memory_space<vmem>>
        tpu.wait_dma2 semaphore(%arg15 : memref<!tpu.dma_semaphore, #tpu.memory_space<semaphore_mem>>) src(%dma_wait3A_565 : memref<2560x16xf32, #tpu.memory_space<vmem>>) dst(%dma_wait3A_561 : memref<2560x16xf32, #tpu.memory_space<hbm>>)
      } else {
      }
      %lt3A_103 = arith.constant 39 : i32
      %lt3A_104 = arith.cmpi slt, %mul3A_96, %lt3A_103 : i32
      %convert_element_type3A_105 = arith.extui %lt3A_104 : i1 to i32
      %cond3A_106 = arith.constant 0 : i32
      %cond3A_107 = arith.cmpi ne, %convert_element_type3A_105, %cond3A_106 : i32
      scf.if %cond3A_107 {
        %add3A_549 = arith.constant 1 : i32
        %add3A_550 = arith.addi %mul3A_96, %add3A_549 : i32
        %dma_start3A_551 = arith.constant 1 : i32
        %dma_start3A_552 = arith.constant 0 : i32
        %dma_start3A_553 = arith.constant 1 : i32
        %dma_start3A_554 = arith.constant 0 : i32
        %dma_start3A_555 = arith.constant 0 : i32
        %dma_start3A_556 = tpu.memref_slice %arg9[%dma_start3A_553, %dma_start3A_554, %dma_start3A_555] : memref<2x2560x16xf32, #tpu.memory_space<vmem>> -> memref<1x512x16xf32, #tpu.memory_space<vmem>>
        %dma_start3A_557 = tpu.memref_squeeze %dma_start3A_556 : memref<1x512x16xf32, #tpu.memory_space<vmem>> -> memref<512x16xf32, #tpu.memory_space<vmem>>
        %dma_start3A_558 = arith.constant 0 : i32
        %dma_start3A_559 = tpu.memref_slice %arg7[%dma_start3A_551, %dma_start3A_552, %dma_start3A_558] : memref<2x5x512xi32, #tpu.memory_space<vmem>> -> memref<1x1x512xi32, #tpu.memory_space<vmem>>
        %dma_start3A_560 = tpu.memref_squeeze %dma_start3A_559 : memref<1x1x512xi32, #tpu.memory_space<vmem>> -> memref<512xi32, #tpu.memory_space<vmem>>
        %dma_start3A_561 = arith.constant 0 : i32
        %dma_start3A_562 = arith.constant 0 : i32
        %dma_start3A_563 = tpu.memref_slice %arg3[%dma_start3A_561, %dma_start3A_562] : memref<1000000x16xf32, #tpu.memory_space<hbm>> -> memref<1000000x16xf32, #tpu.memory_space<hbm>>
        tpu.enqueue_indirect_dma source(%dma_start3A_563 : memref<1000000x16xf32, #tpu.memory_space<hbm>>) target(%dma_start3A_557 : memref<512x16xf32, #tpu.memory_space<vmem>>) offsets(%dma_start3A_560 : memref<512xi32, #tpu.memory_space<vmem>>) semaphore(%arg11 : memref<!tpu.dma_semaphore, #tpu.memory_space<semaphore_mem>>)
        %dma_start3A_564 = arith.constant 1 : i32
        %dma_start3A_565 = arith.constant 1 : i32
        %dma_start3A_566 = arith.constant 1 : i32
        %dma_start3A_567 = arith.constant 512 : i32
        %dma_start3A_568 = arith.constant 0 : i32
        %dma_start3A_569 = tpu.memref_slice %arg9[%dma_start3A_566, %dma_start3A_567, %dma_start3A_568] : memref<2x2560x16xf32, #tpu.memory_space<vmem>> -> memref<1x512x16xf32, #tpu.memory_space<vmem>>
        %dma_start3A_570 = tpu.memref_squeeze %dma_start3A_569 : memref<1x512x16xf32, #tpu.memory_space<vmem>> -> memref<512x16xf32, #tpu.memory_space<vmem>>
        %dma_start3A_571 = arith.constant 0 : i32
        %dma_start3A_572 = tpu.memref_slice %arg7[%dma_start3A_564, %dma_start3A_565, %dma_start3A_571] : memref<2x5x512xi32, #tpu.memory_space<vmem>> -> memref<1x1x512xi32, #tpu.memory_space<vmem>>
        %dma_start3A_573 = tpu.memref_squeeze %dma_start3A_572 : memref<1x1x512xi32, #tpu.memory_space<vmem>> -> memref<512xi32, #tpu.memory_space<vmem>>
        %dma_start3A_574 = arith.constant 0 : i32
        %dma_start3A_575 = arith.constant 0 : i32
        %dma_start3A_576 = tpu.memref_slice %arg3[%dma_start3A_574, %dma_start3A_575] : memref<1000000x16xf32, #tpu.memory_space<hbm>> -> memref<1000000x16xf32, #tpu.memory_space<hbm>>
        tpu.enqueue_indirect_dma source(%dma_start3A_576 : memref<1000000x16xf32, #tpu.memory_space<hbm>>) target(%dma_start3A_570 : memref<512x16xf32, #tpu.memory_space<vmem>>) offsets(%dma_start3A_573 : memref<512xi32, #tpu.memory_space<vmem>>) semaphore(%arg11 : memref<!tpu.dma_semaphore, #tpu.memory_space<semaphore_mem>>)
        %dma_start3A_577 = arith.constant 1 : i32
        %dma_start3A_578 = arith.constant 2 : i32
        %dma_start3A_579 = arith.constant 1 : i32
        %dma_start3A_580 = arith.constant 1024 : i32
        %dma_start3A_581 = arith.constant 0 : i32
        %dma_start3A_582 = tpu.memref_slice %arg9[%dma_start3A_579, %dma_start3A_580, %dma_start3A_581] : memref<2x2560x16xf32, #tpu.memory_space<vmem>> -> memref<1x512x16xf32, #tpu.memory_space<vmem>>
        %dma_start3A_583 = tpu.memref_squeeze %dma_start3A_582 : memref<1x512x16xf32, #tpu.memory_space<vmem>> -> memref<512x16xf32, #tpu.memory_space<vmem>>
        %dma_start3A_584 = arith.constant 0 : i32
        %dma_start3A_585 = tpu.memref_slice %arg8[%dma_start3A_577, %dma_start3A_578, %dma_start3A_584] : memref<2x5x512xi32, #tpu.memory_space<vmem>> -> memref<1x1x512xi32, #tpu.memory_space<vmem>>
        %dma_start3A_586 = tpu.memref_squeeze %dma_start3A_585 : memref<1x1x512xi32, #tpu.memory_space<vmem>> -> memref<512xi32, #tpu.memory_space<vmem>>
        %dma_start3A_587 = arith.constant 0 : i32
        %dma_start3A_588 = arith.constant 0 : i32
        %dma_start3A_589 = tpu.memref_slice %arg4[%dma_start3A_587, %dma_start3A_588] : memref<1000000x16xf32, #tpu.memory_space<hbm>> -> memref<1000000x16xf32, #tpu.memory_space<hbm>>
        tpu.enqueue_indirect_dma source(%dma_start3A_589 : memref<1000000x16xf32, #tpu.memory_space<hbm>>) target(%dma_start3A_583 : memref<512x16xf32, #tpu.memory_space<vmem>>) offsets(%dma_start3A_586 : memref<512xi32, #tpu.memory_space<vmem>>) semaphore(%arg11 : memref<!tpu.dma_semaphore, #tpu.memory_space<semaphore_mem>>)
        %dma_start3A_590 = arith.constant 1 : i32
        %dma_start3A_591 = arith.constant 3 : i32
        %dma_start3A_592 = arith.constant 1 : i32
        %dma_start3A_593 = arith.constant 1536 : i32
        %dma_start3A_594 = arith.constant 0 : i32
        %dma_start3A_595 = tpu.memref_slice %arg9[%dma_start3A_592, %dma_start3A_593, %dma_start3A_594] : memref<2x2560x16xf32, #tpu.memory_space<vmem>> -> memref<1x512x16xf32, #tpu.memory_space<vmem>>
        %dma_start3A_596 = tpu.memref_squeeze %dma_start3A_595 : memref<1x512x16xf32, #tpu.memory_space<vmem>> -> memref<512x16xf32, #tpu.memory_space<vmem>>
        %dma_start3A_597 = arith.constant 0 : i32
        %dma_start3A_598 = tpu.memref_slice %arg8[%dma_start3A_590, %dma_start3A_591, %dma_start3A_597] : memref<2x5x512xi32, #tpu.memory_space<vmem>> -> memref<1x1x512xi32, #tpu.memory_space<vmem>>
        %dma_start3A_599 = tpu.memref_squeeze %dma_start3A_598 : memref<1x1x512xi32, #tpu.memory_space<vmem>> -> memref<512xi32, #tpu.memory_space<vmem>>
        %dma_start3A_600 = arith.constant 0 : i32
        %dma_start3A_601 = arith.constant 0 : i32
        %dma_start3A_602 = tpu.memref_slice %arg4[%dma_start3A_600, %dma_start3A_601] : memref<1000000x16xf32, #tpu.memory_space<hbm>> -> memref<1000000x16xf32, #tpu.memory_space<hbm>>
        tpu.enqueue_indirect_dma source(%dma_start3A_602 : memref<1000000x16xf32, #tpu.memory_space<hbm>>) target(%dma_start3A_596 : memref<512x16xf32, #tpu.memory_space<vmem>>) offsets(%dma_start3A_599 : memref<512xi32, #tpu.memory_space<vmem>>) semaphore(%arg11 : memref<!tpu.dma_semaphore, #tpu.memory_space<semaphore_mem>>)
        %dma_start3A_603 = arith.constant 1 : i32
        %dma_start3A_604 = arith.constant 4 : i32
        %dma_start3A_605 = arith.constant 1 : i32
        %dma_start3A_606 = arith.constant 2048 : i32
        %dma_start3A_607 = arith.constant 0 : i32
        %dma_start3A_608 = tpu.memref_slice %arg9[%dma_start3A_605, %dma_start3A_606, %dma_start3A_607] : memref<2x2560x16xf32, #tpu.memory_space<vmem>> -> memref<1x512x16xf32, #tpu.memory_space<vmem>>
        %dma_start3A_609 = tpu.memref_squeeze %dma_start3A_608 : memref<1x512x16xf32, #tpu.memory_space<vmem>> -> memref<512x16xf32, #tpu.memory_space<vmem>>
        %dma_start3A_610 = arith.constant 0 : i32
        %dma_start3A_611 = tpu.memref_slice %arg8[%dma_start3A_603, %dma_start3A_604, %dma_start3A_610] : memref<2x5x512xi32, #tpu.memory_space<vmem>> -> memref<1x1x512xi32, #tpu.memory_space<vmem>>
        %dma_start3A_612 = tpu.memref_squeeze %dma_start3A_611 : memref<1x1x512xi32, #tpu.memory_space<vmem>> -> memref<512xi32, #tpu.memory_space<vmem>>
        %dma_start3A_613 = arith.constant 0 : i32
        %dma_start3A_614 = arith.constant 0 : i32
        %dma_start3A_615 = tpu.memref_slice %arg4[%dma_start3A_613, %dma_start3A_614] : memref<1000000x16xf32, #tpu.memory_space<hbm>> -> memref<1000000x16xf32, #tpu.memory_space<hbm>>
        tpu.enqueue_indirect_dma source(%dma_start3A_615 : memref<1000000x16xf32, #tpu.memory_space<hbm>>) target(%dma_start3A_609 : memref<512x16xf32, #tpu.memory_space<vmem>>) offsets(%dma_start3A_612 : memref<512xi32, #tpu.memory_space<vmem>>) semaphore(%arg11 : memref<!tpu.dma_semaphore, #tpu.memory_space<semaphore_mem>>)
      } else {
      }
      %dma_wait3A_108 = arith.constant 0 : i32
      %dma_wait3A_109 = arith.constant 0 : i32
      %dma_wait3A_110 = arith.constant 0 : i32
      %dma_wait3A_111 = arith.constant 0 : i32
      %dma_wait3A_112 = arith.constant 0 : i32
      %dma_wait3A_113 = tpu.memref_slice %arg9[%dma_wait3A_110, %dma_wait3A_111, %dma_wait3A_112] : memref<2x2560x16xf32, #tpu.memory_space<vmem>> -> memref<1x512x16xf32, #tpu.memory_space<vmem>>
      %dma_wait3A_114 = tpu.memref_squeeze %dma_wait3A_113 : memref<1x512x16xf32, #tpu.memory_space<vmem>> -> memref<512x16xf32, #tpu.memory_space<vmem>>
      %dma_wait3A_115 = arith.constant 0 : i32
      %dma_wait3A_116 = tpu.memref_slice %arg7[%dma_wait3A_108, %dma_wait3A_109, %dma_wait3A_115] : memref<2x5x512xi32, #tpu.memory_space<vmem>> -> memref<1x1x512xi32, #tpu.memory_space<vmem>>
      %dma_wait3A_117 = tpu.memref_squeeze %dma_wait3A_116 : memref<1x1x512xi32, #tpu.memory_space<vmem>> -> memref<512xi32, #tpu.memory_space<vmem>>
      %dma_wait3A_118 = arith.constant 0 : i32
      %dma_wait3A_119 = arith.constant 0 : i32
      %dma_wait3A_120 = tpu.memref_slice %arg3[%dma_wait3A_118, %dma_wait3A_119] : memref<1000000x16xf32, #tpu.memory_space<hbm>> -> memref<1000000x16xf32, #tpu.memory_space<hbm>>
      tpu.wait_indirect_dma semaphore(%arg10 : memref<!tpu.dma_semaphore, #tpu.memory_space<semaphore_mem>>) src(%dma_wait3A_120 : memref<1000000x16xf32, #tpu.memory_space<hbm>>) dst(%dma_wait3A_114 : memref<512x16xf32, #tpu.memory_space<vmem>>)
      %dma_start3A_121 = arith.constant 0 : i32
      %dma_start3A_122 = arith.constant 0 : i32
      %dma_start3A_123 = arith.constant 0 : i32
      %dma_start3A_124 = arith.constant 0 : i32
      %dma_start3A_125 = arith.constant 0 : i32
      %dma_start3A_126 = tpu.memref_slice %arg9[%dma_start3A_123, %dma_start3A_124, %dma_start3A_125] : memref<2x2560x16xf32, #tpu.memory_space<vmem>> -> memref<1x512x16xf32, #tpu.memory_space<vmem>>
      %dma_start3A_127 = tpu.memref_squeeze %dma_start3A_126 : memref<1x512x16xf32, #tpu.memory_space<vmem>> -> memref<512x16xf32, #tpu.memory_space<vmem>>
      %dma_start3A_128 = arith.constant 0 : i32
      %dma_start3A_129 = tpu.memref_slice %arg8[%dma_start3A_121, %dma_start3A_122, %dma_start3A_128] : memref<2x5x512xi32, #tpu.memory_space<vmem>> -> memref<1x1x512xi32, #tpu.memory_space<vmem>>
      %dma_start3A_130 = tpu.memref_squeeze %dma_start3A_129 : memref<1x1x512xi32, #tpu.memory_space<vmem>> -> memref<512xi32, #tpu.memory_space<vmem>>
      %dma_start3A_131 = arith.constant 0 : i32
      %dma_start3A_132 = arith.constant 0 : i32
      %dma_start3A_133 = tpu.memref_slice %arg4[%dma_start3A_131, %dma_start3A_132] : memref<1000000x16xf32, #tpu.memory_space<hbm>> -> memref<1000000x16xf32, #tpu.memory_space<hbm>>
      tpu.enqueue_indirect_dma source(%dma_start3A_133 : memref<1000000x16xf32, #tpu.memory_space<hbm>>) target(%dma_start3A_127 : memref<512x16xf32, #tpu.memory_space<vmem>>) offsets(%dma_start3A_130 : memref<512xi32, #tpu.memory_space<vmem>>) semaphore(%arg12 : memref<!tpu.dma_semaphore, #tpu.memory_space<semaphore_mem>>) {add = true}
      %dma_wait3A_134 = arith.constant 0 : i32
      %dma_wait3A_135 = arith.constant 1 : i32
      %dma_wait3A_136 = arith.constant 0 : i32
      %dma_wait3A_137 = arith.constant 512 : i32
      %dma_wait3A_138 = arith.constant 0 : i32
      %dma_wait3A_139 = tpu.memref_slice %arg9[%dma_wait3A_136, %dma_wait3A_137, %dma_wait3A_138] : memref<2x2560x16xf32, #tpu.memory_space<vmem>> -> memref<1x512x16xf32, #tpu.memory_space<vmem>>
      %dma_wait3A_140 = tpu.memref_squeeze %dma_wait3A_139 : memref<1x512x16xf32, #tpu.memory_space<vmem>> -> memref<512x16xf32, #tpu.memory_space<vmem>>
      %dma_wait3A_141 = arith.constant 0 : i32
      %dma_wait3A_142 = tpu.memref_slice %arg7[%dma_wait3A_134, %dma_wait3A_135, %dma_wait3A_141] : memref<2x5x512xi32, #tpu.memory_space<vmem>> -> memref<1x1x512xi32, #tpu.memory_space<vmem>>
      %dma_wait3A_143 = tpu.memref_squeeze %dma_wait3A_142 : memref<1x1x512xi32, #tpu.memory_space<vmem>> -> memref<512xi32, #tpu.memory_space<vmem>>
      %dma_wait3A_144 = arith.constant 0 : i32
      %dma_wait3A_145 = arith.constant 0 : i32
      %dma_wait3A_146 = tpu.memref_slice %arg3[%dma_wait3A_144, %dma_wait3A_145] : memref<1000000x16xf32, #tpu.memory_space<hbm>> -> memref<1000000x16xf32, #tpu.memory_space<hbm>>
      tpu.wait_indirect_dma semaphore(%arg10 : memref<!tpu.dma_semaphore, #tpu.memory_space<semaphore_mem>>) src(%dma_wait3A_146 : memref<1000000x16xf32, #tpu.memory_space<hbm>>) dst(%dma_wait3A_140 : memref<512x16xf32, #tpu.memory_space<vmem>>)
      %dma_start3A_147 = arith.constant 0 : i32
      %dma_start3A_148 = arith.constant 1 : i32
      %dma_start3A_149 = arith.constant 0 : i32
      %dma_start3A_150 = arith.constant 512 : i32
      %dma_start3A_151 = arith.constant 0 : i32
      %dma_start3A_152 = tpu.memref_slice %arg9[%dma_start3A_149, %dma_start3A_150, %dma_start3A_151] : memref<2x2560x16xf32, #tpu.memory_space<vmem>> -> memref<1x512x16xf32, #tpu.memory_space<vmem>>
      %dma_start3A_153 = tpu.memref_squeeze %dma_start3A_152 : memref<1x512x16xf32, #tpu.memory_space<vmem>> -> memref<512x16xf32, #tpu.memory_space<vmem>>
      %dma_start3A_154 = arith.constant 0 : i32
      %dma_start3A_155 = tpu.memref_slice %arg8[%dma_start3A_147, %dma_start3A_148, %dma_start3A_154] : memref<2x5x512xi32, #tpu.memory_space<vmem>> -> memref<1x1x512xi32, #tpu.memory_space<vmem>>
      %dma_start3A_156 = tpu.memref_squeeze %dma_start3A_155 : memref<1x1x512xi32, #tpu.memory_space<vmem>> -> memref<512xi32, #tpu.memory_space<vmem>>
      %dma_start3A_157 = arith.constant 0 : i32
      %dma_start3A_158 = arith.constant 0 : i32
      %dma_start3A_159 = tpu.memref_slice %arg4[%dma_start3A_157, %dma_start3A_158] : memref<1000000x16xf32, #tpu.memory_space<hbm>> -> memref<1000000x16xf32, #tpu.memory_space<hbm>>
      tpu.enqueue_indirect_dma source(%dma_start3A_159 : memref<1000000x16xf32, #tpu.memory_space<hbm>>) target(%dma_start3A_153 : memref<512x16xf32, #tpu.memory_space<vmem>>) offsets(%dma_start3A_156 : memref<512xi32, #tpu.memory_space<vmem>>) semaphore(%arg12 : memref<!tpu.dma_semaphore, #tpu.memory_space<semaphore_mem>>) {add = true}
      %dma_wait3A_160 = arith.constant 0 : i32
      %dma_wait3A_161 = arith.constant 2 : i32
      %dma_wait3A_162 = arith.constant 0 : i32
      %dma_wait3A_163 = arith.constant 1024 : i32
      %dma_wait3A_164 = arith.constant 0 : i32
      %dma_wait3A_165 = tpu.memref_slice %arg9[%dma_wait3A_162, %dma_wait3A_163, %dma_wait3A_164] : memref<2x2560x16xf32, #tpu.memory_space<vmem>> -> memref<1x512x16xf32, #tpu.memory_space<vmem>>
      %dma_wait3A_166 = tpu.memref_squeeze %dma_wait3A_165 : memref<1x512x16xf32, #tpu.memory_space<vmem>> -> memref<512x16xf32, #tpu.memory_space<vmem>>
      %dma_wait3A_167 = arith.constant 0 : i32
      %dma_wait3A_168 = tpu.memref_slice %arg8[%dma_wait3A_160, %dma_wait3A_161, %dma_wait3A_167] : memref<2x5x512xi32, #tpu.memory_space<vmem>> -> memref<1x1x512xi32, #tpu.memory_space<vmem>>
      %dma_wait3A_169 = tpu.memref_squeeze %dma_wait3A_168 : memref<1x1x512xi32, #tpu.memory_space<vmem>> -> memref<512xi32, #tpu.memory_space<vmem>>
      %dma_wait3A_170 = arith.constant 0 : i32
      %dma_wait3A_171 = arith.constant 0 : i32
      %dma_wait3A_172 = tpu.memref_slice %arg4[%dma_wait3A_170, %dma_wait3A_171] : memref<1000000x16xf32, #tpu.memory_space<hbm>> -> memref<1000000x16xf32, #tpu.memory_space<hbm>>
      tpu.wait_indirect_dma semaphore(%arg10 : memref<!tpu.dma_semaphore, #tpu.memory_space<semaphore_mem>>) src(%dma_wait3A_172 : memref<1000000x16xf32, #tpu.memory_space<hbm>>) dst(%dma_wait3A_166 : memref<512x16xf32, #tpu.memory_space<vmem>>)
      %dma_start3A_173 = arith.constant 0 : i32
      %dma_start3A_174 = arith.constant 2 : i32
      %dma_start3A_175 = arith.constant 0 : i32
      %dma_start3A_176 = arith.constant 1024 : i32
      %dma_start3A_177 = arith.constant 0 : i32
      %dma_start3A_178 = tpu.memref_slice %arg9[%dma_start3A_175, %dma_start3A_176, %dma_start3A_177] : memref<2x2560x16xf32, #tpu.memory_space<vmem>> -> memref<1x512x16xf32, #tpu.memory_space<vmem>>
      %dma_start3A_179 = tpu.memref_squeeze %dma_start3A_178 : memref<1x512x16xf32, #tpu.memory_space<vmem>> -> memref<512x16xf32, #tpu.memory_space<vmem>>
      %dma_start3A_180 = arith.constant 0 : i32
      %dma_start3A_181 = tpu.memref_slice %arg7[%dma_start3A_173, %dma_start3A_174, %dma_start3A_180] : memref<2x5x512xi32, #tpu.memory_space<vmem>> -> memref<1x1x512xi32, #tpu.memory_space<vmem>>
      %dma_start3A_182 = tpu.memref_squeeze %dma_start3A_181 : memref<1x1x512xi32, #tpu.memory_space<vmem>> -> memref<512xi32, #tpu.memory_space<vmem>>
      %dma_start3A_183 = arith.constant 0 : i32
      %dma_start3A_184 = arith.constant 0 : i32
      %dma_start3A_185 = tpu.memref_slice %arg3[%dma_start3A_183, %dma_start3A_184] : memref<1000000x16xf32, #tpu.memory_space<hbm>> -> memref<1000000x16xf32, #tpu.memory_space<hbm>>
      tpu.enqueue_indirect_dma source(%dma_start3A_185 : memref<1000000x16xf32, #tpu.memory_space<hbm>>) target(%dma_start3A_179 : memref<512x16xf32, #tpu.memory_space<vmem>>) offsets(%dma_start3A_182 : memref<512xi32, #tpu.memory_space<vmem>>) semaphore(%arg12 : memref<!tpu.dma_semaphore, #tpu.memory_space<semaphore_mem>>) {add = true}
      %dma_wait3A_186 = arith.constant 0 : i32
      %dma_wait3A_187 = arith.constant 3 : i32
      %dma_wait3A_188 = arith.constant 0 : i32
      %dma_wait3A_189 = arith.constant 1536 : i32
      %dma_wait3A_190 = arith.constant 0 : i32
      %dma_wait3A_191 = tpu.memref_slice %arg9[%dma_wait3A_188, %dma_wait3A_189, %dma_wait3A_190] : memref<2x2560x16xf32, #tpu.memory_space<vmem>> -> memref<1x512x16xf32, #tpu.memory_space<vmem>>
      %dma_wait3A_192 = tpu.memref_squeeze %dma_wait3A_191 : memref<1x512x16xf32, #tpu.memory_space<vmem>> -> memref<512x16xf32, #tpu.memory_space<vmem>>
      %dma_wait3A_193 = arith.constant 0 : i32
      %dma_wait3A_194 = tpu.memref_slice %arg8[%dma_wait3A_186, %dma_wait3A_187, %dma_wait3A_193] : memref<2x5x512xi32, #tpu.memory_space<vmem>> -> memref<1x1x512xi32, #tpu.memory_space<vmem>>
      %dma_wait3A_195 = tpu.memref_squeeze %dma_wait3A_194 : memref<1x1x512xi32, #tpu.memory_space<vmem>> -> memref<512xi32, #tpu.memory_space<vmem>>
      %dma_wait3A_196 = arith.constant 0 : i32
      %dma_wait3A_197 = arith.constant 0 : i32
      %dma_wait3A_198 = tpu.memref_slice %arg4[%dma_wait3A_196, %dma_wait3A_197] : memref<1000000x16xf32, #tpu.memory_space<hbm>> -> memref<1000000x16xf32, #tpu.memory_space<hbm>>
      tpu.wait_indirect_dma semaphore(%arg10 : memref<!tpu.dma_semaphore, #tpu.memory_space<semaphore_mem>>) src(%dma_wait3A_198 : memref<1000000x16xf32, #tpu.memory_space<hbm>>) dst(%dma_wait3A_192 : memref<512x16xf32, #tpu.memory_space<vmem>>)
      %dma_start3A_199 = arith.constant 0 : i32
      %dma_start3A_200 = arith.constant 3 : i32
      %dma_start3A_201 = arith.constant 0 : i32
      %dma_start3A_202 = arith.constant 1536 : i32
      %dma_start3A_203 = arith.constant 0 : i32
      %dma_start3A_204 = tpu.memref_slice %arg9[%dma_start3A_201, %dma_start3A_202, %dma_start3A_203] : memref<2x2560x16xf32, #tpu.memory_space<vmem>> -> memref<1x512x16xf32, #tpu.memory_space<vmem>>
      %dma_start3A_205 = tpu.memref_squeeze %dma_start3A_204 : memref<1x512x16xf32, #tpu.memory_space<vmem>> -> memref<512x16xf32, #tpu.memory_space<vmem>>
      %dma_start3A_206 = arith.constant 0 : i32
      %dma_start3A_207 = tpu.memref_slice %arg7[%dma_start3A_199, %dma_start3A_200, %dma_start3A_206] : memref<2x5x512xi32, #tpu.memory_space<vmem>> -> memref<1x1x512xi32, #tpu.memory_space<vmem>>
      %dma_start3A_208 = tpu.memref_squeeze %dma_start3A_207 : memref<1x1x512xi32, #tpu.memory_space<vmem>> -> memref<512xi32, #tpu.memory_space<vmem>>
      %dma_start3A_209 = arith.constant 0 : i32
      %dma_start3A_210 = arith.constant 0 : i32
      %dma_start3A_211 = tpu.memref_slice %arg3[%dma_start3A_209, %dma_start3A_210] : memref<1000000x16xf32, #tpu.memory_space<hbm>> -> memref<1000000x16xf32, #tpu.memory_space<hbm>>
      tpu.enqueue_indirect_dma source(%dma_start3A_211 : memref<1000000x16xf32, #tpu.memory_space<hbm>>) target(%dma_start3A_205 : memref<512x16xf32, #tpu.memory_space<vmem>>) offsets(%dma_start3A_208 : memref<512xi32, #tpu.memory_space<vmem>>) semaphore(%arg12 : memref<!tpu.dma_semaphore, #tpu.memory_space<semaphore_mem>>) {add = true}
      %dma_wait3A_212 = arith.constant 0 : i32
      %dma_wait3A_213 = arith.constant 4 : i32
      %dma_wait3A_214 = arith.constant 0 : i32
      %dma_wait3A_215 = arith.constant 2048 : i32
      %dma_wait3A_216 = arith.constant 0 : i32
      %dma_wait3A_217 = tpu.memref_slice %arg9[%dma_wait3A_214, %dma_wait3A_215, %dma_wait3A_216] : memref<2x2560x16xf32, #tpu.memory_space<vmem>> -> memref<1x512x16xf32, #tpu.memory_space<vmem>>
      %dma_wait3A_218 = tpu.memref_squeeze %dma_wait3A_217 : memref<1x512x16xf32, #tpu.memory_space<vmem>> -> memref<512x16xf32, #tpu.memory_space<vmem>>
      %dma_wait3A_219 = arith.constant 0 : i32
      %dma_wait3A_220 = tpu.memref_slice %arg8[%dma_wait3A_212, %dma_wait3A_213, %dma_wait3A_219] : memref<2x5x512xi32, #tpu.memory_space<vmem>> -> memref<1x1x512xi32, #tpu.memory_space<vmem>>
      %dma_wait3A_221 = tpu.memref_squeeze %dma_wait3A_220 : memref<1x1x512xi32, #tpu.memory_space<vmem>> -> memref<512xi32, #tpu.memory_space<vmem>>
      %dma_wait3A_222 = arith.constant 0 : i32
      %dma_wait3A_223 = arith.constant 0 : i32
      %dma_wait3A_224 = tpu.memref_slice %arg4[%dma_wait3A_222, %dma_wait3A_223] : memref<1000000x16xf32, #tpu.memory_space<hbm>> -> memref<1000000x16xf32, #tpu.memory_space<hbm>>
      tpu.wait_indirect_dma semaphore(%arg10 : memref<!tpu.dma_semaphore, #tpu.memory_space<semaphore_mem>>) src(%dma_wait3A_224 : memref<1000000x16xf32, #tpu.memory_space<hbm>>) dst(%dma_wait3A_218 : memref<512x16xf32, #tpu.memory_space<vmem>>)
      %dma_start3A_225 = arith.constant 0 : i32
      %dma_start3A_226 = arith.constant 4 : i32
      %dma_start3A_227 = arith.constant 0 : i32
      %dma_start3A_228 = arith.constant 2048 : i32
      %dma_start3A_229 = arith.constant 0 : i32
      %dma_start3A_230 = tpu.memref_slice %arg9[%dma_start3A_227, %dma_start3A_228, %dma_start3A_229] : memref<2x2560x16xf32, #tpu.memory_space<vmem>> -> memref<1x512x16xf32, #tpu.memory_space<vmem>>
      %dma_start3A_231 = tpu.memref_squeeze %dma_start3A_230 : memref<1x512x16xf32, #tpu.memory_space<vmem>> -> memref<512x16xf32, #tpu.memory_space<vmem>>
      %dma_start3A_232 = arith.constant 0 : i32
      %dma_start3A_233 = tpu.memref_slice %arg7[%dma_start3A_225, %dma_start3A_226, %dma_start3A_232] : memref<2x5x512xi32, #tpu.memory_space<vmem>> -> memref<1x1x512xi32, #tpu.memory_space<vmem>>
      %dma_start3A_234 = tpu.memref_squeeze %dma_start3A_233 : memref<1x1x512xi32, #tpu.memory_space<vmem>> -> memref<512xi32, #tpu.memory_space<vmem>>
      %dma_start3A_235 = arith.constant 0 : i32
      %dma_start3A_236 = arith.constant 0 : i32
      %dma_start3A_237 = tpu.memref_slice %arg3[%dma_start3A_235, %dma_start3A_236] : memref<1000000x16xf32, #tpu.memory_space<hbm>> -> memref<1000000x16xf32, #tpu.memory_space<hbm>>
      tpu.enqueue_indirect_dma source(%dma_start3A_237 : memref<1000000x16xf32, #tpu.memory_space<hbm>>) target(%dma_start3A_231 : memref<512x16xf32, #tpu.memory_space<vmem>>) offsets(%dma_start3A_234 : memref<512xi32, #tpu.memory_space<vmem>>) semaphore(%arg12 : memref<!tpu.dma_semaphore, #tpu.memory_space<semaphore_mem>>) {add = true}
      %dma_wait3A_238 = arith.constant 0 : i32
      %dma_wait3A_239 = arith.constant 0 : i32
      %dma_wait3A_240 = arith.constant 0 : i32
      %dma_wait3A_241 = arith.constant 0 : i32
      %dma_wait3A_242 = arith.constant 0 : i32
      %dma_wait3A_243 = tpu.memref_slice %arg9[%dma_wait3A_240, %dma_wait3A_241, %dma_wait3A_242] : memref<2x2560x16xf32, #tpu.memory_space<vmem>> -> memref<1x512x16xf32, #tpu.memory_space<vmem>>
      %dma_wait3A_244 = tpu.memref_squeeze %dma_wait3A_243 : memref<1x512x16xf32, #tpu.memory_space<vmem>> -> memref<512x16xf32, #tpu.memory_space<vmem>>
      %dma_wait3A_245 = arith.constant 0 : i32
      %dma_wait3A_246 = tpu.memref_slice %arg8[%dma_wait3A_238, %dma_wait3A_239, %dma_wait3A_245] : memref<2x5x512xi32, #tpu.memory_space<vmem>> -> memref<1x1x512xi32, #tpu.memory_space<vmem>>
      %dma_wait3A_247 = tpu.memref_squeeze %dma_wait3A_246 : memref<1x1x512xi32, #tpu.memory_space<vmem>> -> memref<512xi32, #tpu.memory_space<vmem>>
      %dma_wait3A_248 = arith.constant 0 : i32
      %dma_wait3A_249 = arith.constant 0 : i32
      %dma_wait3A_250 = tpu.memref_slice %arg4[%dma_wait3A_248, %dma_wait3A_249] : memref<1000000x16xf32, #tpu.memory_space<hbm>> -> memref<1000000x16xf32, #tpu.memory_space<hbm>>
      tpu.wait_indirect_dma semaphore(%arg12 : memref<!tpu.dma_semaphore, #tpu.memory_space<semaphore_mem>>) src(%dma_wait3A_250 : memref<1000000x16xf32, #tpu.memory_space<hbm>>) dst(%dma_wait3A_244 : memref<512x16xf32, #tpu.memory_space<vmem>>)
      %dma_wait3A_251 = arith.constant 0 : i32
      %dma_wait3A_252 = arith.constant 1 : i32
      %dma_wait3A_253 = arith.constant 0 : i32
      %dma_wait3A_254 = arith.constant 512 : i32
      %dma_wait3A_255 = arith.constant 0 : i32
      %dma_wait3A_256 = tpu.memref_slice %arg9[%dma_wait3A_253, %dma_wait3A_254, %dma_wait3A_255] : memref<2x2560x16xf32, #tpu.memory_space<vmem>> -> memref<1x512x16xf32, #tpu.memory_space<vmem>>
      %dma_wait3A_257 = tpu.memref_squeeze %dma_wait3A_256 : memref<1x512x16xf32, #tpu.memory_space<vmem>> -> memref<512x16xf32, #tpu.memory_space<vmem>>
      %dma_wait3A_258 = arith.constant 0 : i32
      %dma_wait3A_259 = tpu.memref_slice %arg8[%dma_wait3A_251, %dma_wait3A_252, %dma_wait3A_258] : memref<2x5x512xi32, #tpu.memory_space<vmem>> -> memref<1x1x512xi32, #tpu.memory_space<vmem>>
      %dma_wait3A_260 = tpu.memref_squeeze %dma_wait3A_259 : memref<1x1x512xi32, #tpu.memory_space<vmem>> -> memref<512xi32, #tpu.memory_space<vmem>>
      %dma_wait3A_261 = arith.constant 0 : i32
      %dma_wait3A_262 = arith.constant 0 : i32
      %dma_wait3A_263 = tpu.memref_slice %arg4[%dma_wait3A_261, %dma_wait3A_262] : memref<1000000x16xf32, #tpu.memory_space<hbm>> -> memref<1000000x16xf32, #tpu.memory_space<hbm>>
      tpu.wait_indirect_dma semaphore(%arg12 : memref<!tpu.dma_semaphore, #tpu.memory_space<semaphore_mem>>) src(%dma_wait3A_263 : memref<1000000x16xf32, #tpu.memory_space<hbm>>) dst(%dma_wait3A_257 : memref<512x16xf32, #tpu.memory_space<vmem>>)
      %dma_wait3A_264 = arith.constant 0 : i32
      %dma_wait3A_265 = arith.constant 2 : i32
      %dma_wait3A_266 = arith.constant 0 : i32
      %dma_wait3A_267 = arith.constant 1024 : i32
      %dma_wait3A_268 = arith.constant 0 : i32
      %dma_wait3A_269 = tpu.memref_slice %arg9[%dma_wait3A_266, %dma_wait3A_267, %dma_wait3A_268] : memref<2x2560x16xf32, #tpu.memory_space<vmem>> -> memref<1x512x16xf32, #tpu.memory_space<vmem>>
      %dma_wait3A_270 = tpu.memref_squeeze %dma_wait3A_269 : memref<1x512x16xf32, #tpu.memory_space<vmem>> -> memref<512x16xf32, #tpu.memory_space<vmem>>
      %dma_wait3A_271 = arith.constant 0 : i32
      %dma_wait3A_272 = tpu.memref_slice %arg7[%dma_wait3A_264, %dma_wait3A_265, %dma_wait3A_271] : memref<2x5x512xi32, #tpu.memory_space<vmem>> -> memref<1x1x512xi32, #tpu.memory_space<vmem>>
      %dma_wait3A_273 = tpu.memref_squeeze %dma_wait3A_272 : memref<1x1x512xi32, #tpu.memory_space<vmem>> -> memref<512xi32, #tpu.memory_space<vmem>>
      %dma_wait3A_274 = arith.constant 0 : i32
      %dma_wait3A_275 = arith.constant 0 : i32
      %dma_wait3A_276 = tpu.memref_slice %arg3[%dma_wait3A_274, %dma_wait3A_275] : memref<1000000x16xf32, #tpu.memory_space<hbm>> -> memref<1000000x16xf32, #tpu.memory_space<hbm>>
      tpu.wait_indirect_dma semaphore(%arg12 : memref<!tpu.dma_semaphore, #tpu.memory_space<semaphore_mem>>) src(%dma_wait3A_276 : memref<1000000x16xf32, #tpu.memory_space<hbm>>) dst(%dma_wait3A_270 : memref<512x16xf32, #tpu.memory_space<vmem>>)
      %dma_wait3A_277 = arith.constant 0 : i32
      %dma_wait3A_278 = arith.constant 3 : i32
      %dma_wait3A_279 = arith.constant 0 : i32
      %dma_wait3A_280 = arith.constant 1536 : i32
      %dma_wait3A_281 = arith.constant 0 : i32
      %dma_wait3A_282 = tpu.memref_slice %arg9[%dma_wait3A_279, %dma_wait3A_280, %dma_wait3A_281] : memref<2x2560x16xf32, #tpu.memory_space<vmem>> -> memref<1x512x16xf32, #tpu.memory_space<vmem>>
      %dma_wait3A_283 = tpu.memref_squeeze %dma_wait3A_282 : memref<1x512x16xf32, #tpu.memory_space<vmem>> -> memref<512x16xf32, #tpu.memory_space<vmem>>
      %dma_wait3A_284 = arith.constant 0 : i32
      %dma_wait3A_285 = tpu.memref_slice %arg7[%dma_wait3A_277, %dma_wait3A_278, %dma_wait3A_284] : memref<2x5x512xi32, #tpu.memory_space<vmem>> -> memref<1x1x512xi32, #tpu.memory_space<vmem>>
      %dma_wait3A_286 = tpu.memref_squeeze %dma_wait3A_285 : memref<1x1x512xi32, #tpu.memory_space<vmem>> -> memref<512xi32, #tpu.memory_space<vmem>>
      %dma_wait3A_287 = arith.constant 0 : i32
      %dma_wait3A_288 = arith.constant 0 : i32
      %dma_wait3A_289 = tpu.memref_slice %arg3[%dma_wait3A_287, %dma_wait3A_288] : memref<1000000x16xf32, #tpu.memory_space<hbm>> -> memref<1000000x16xf32, #tpu.memory_space<hbm>>
      tpu.wait_indirect_dma semaphore(%arg12 : memref<!tpu.dma_semaphore, #tpu.memory_space<semaphore_mem>>) src(%dma_wait3A_289 : memref<1000000x16xf32, #tpu.memory_space<hbm>>) dst(%dma_wait3A_283 : memref<512x16xf32, #tpu.memory_space<vmem>>)
      %dma_wait3A_290 = arith.constant 0 : i32
      %dma_wait3A_291 = arith.constant 4 : i32
      %dma_wait3A_292 = arith.constant 0 : i32
      %dma_wait3A_293 = arith.constant 2048 : i32
      %dma_wait3A_294 = arith.constant 0 : i32
      %dma_wait3A_295 = tpu.memref_slice %arg9[%dma_wait3A_292, %dma_wait3A_293, %dma_wait3A_294] : memref<2x2560x16xf32, #tpu.memory_space<vmem>> -> memref<1x512x16xf32, #tpu.memory_space<vmem>>
      %dma_wait3A_296 = tpu.memref_squeeze %dma_wait3A_295 : memref<1x512x16xf32, #tpu.memory_space<vmem>> -> memref<512x16xf32, #tpu.memory_space<vmem>>
      %dma_wait3A_297 = arith.constant 0 : i32
      %dma_wait3A_298 = tpu.memref_slice %arg7[%dma_wait3A_290, %dma_wait3A_291, %dma_wait3A_297] : memref<2x5x512xi32, #tpu.memory_space<vmem>> -> memref<1x1x512xi32, #tpu.memory_space<vmem>>
      %dma_wait3A_299 = tpu.memref_squeeze %dma_wait3A_298 : memref<1x1x512xi32, #tpu.memory_space<vmem>> -> memref<512xi32, #tpu.memory_space<vmem>>
      %dma_wait3A_300 = arith.constant 0 : i32
      %dma_wait3A_301 = arith.constant 0 : i32
      %dma_wait3A_302 = tpu.memref_slice %arg3[%dma_wait3A_300, %dma_wait3A_301] : memref<1000000x16xf32, #tpu.memory_space<hbm>> -> memref<1000000x16xf32, #tpu.memory_space<hbm>>
      tpu.wait_indirect_dma semaphore(%arg12 : memref<!tpu.dma_semaphore, #tpu.memory_space<semaphore_mem>>) src(%dma_wait3A_302 : memref<1000000x16xf32, #tpu.memory_space<hbm>>) dst(%dma_wait3A_296 : memref<512x16xf32, #tpu.memory_space<vmem>>)
      %mul3A_303 = arith.constant 2560 : i32
      %mul3A_304 = arith.muli %mul3A_96, %mul3A_303 : i32
      %add3A_305 = arith.addi %mul3A_2, %mul3A_304 : i32
      %dma_start3A_306 = arith.constant 0 : i32
      %dma_start3A_307 = arith.constant 0 : i32
      %dma_start3A_308 = arith.constant 0 : i32
      %dma_start3A_309 = tpu.memref_slice %arg9[%dma_start3A_306, %dma_start3A_307, %dma_start3A_308] : memref<2x2560x16xf32, #tpu.memory_space<vmem>> -> memref<1x2560x16xf32, #tpu.memory_space<vmem>>
      %dma_start3A_310 = tpu.memref_squeeze %dma_start3A_309 : memref<1x2560x16xf32, #tpu.memory_space<vmem>> -> memref<2560x16xf32, #tpu.memory_space<vmem>>
      %dma_start3A_311 = arith.constant 0 : i32
      %dma_start3A_312 = tpu.memref_slice %arg5[%add3A_305, %dma_start3A_311] : memref<3276800x16xf32, #tpu.memory_space<hbm>> -> memref<2560x16xf32, #tpu.memory_space<hbm>>
      %dma_start3A_313 = arith.constant 0 : i32
      %dma_start3A_314 = tpu.memref_slice %arg5[%add3A_305, %dma_start3A_313] : memref<3276800x16xf32, #tpu.memory_space<hbm>> -> memref<2560x16xf32, #tpu.memory_space<hbm>>
      %dma_start3A_315 = arith.constant 0 : i32
      %dma_start3A_316 = arith.constant 0 : i32
      %dma_start3A_317 = tpu.memref_slice %arg9[%dma_start3A_306, %dma_start3A_315, %dma_start3A_316] : memref<2x2560x16xf32, #tpu.memory_space<vmem>> -> memref<1x2560x16xf32, #tpu.memory_space<vmem>>
      %dma_start3A_318 = tpu.memref_squeeze %dma_start3A_317 : memref<1x2560x16xf32, #tpu.memory_space<vmem>> -> memref<2560x16xf32, #tpu.memory_space<vmem>>
      tpu.enqueue_dma source(%dma_start3A_318 : memref<2560x16xf32, #tpu.memory_space<vmem>>) target(%dma_start3A_314 : memref<2560x16xf32, #tpu.memory_space<hbm>>) target_semaphore(%arg14 : memref<!tpu.dma_semaphore, #tpu.memory_space<semaphore_mem>>)
      %mul3A_319 = arith.constant 2 : i32
      %mul3A_320 = arith.muli %mul3A_319, %scan3A_94 : i32
      %add3A_321 = arith.constant 1 : i32
      %add3A_322 = arith.addi %mul3A_320, %add3A_321 : i32
      %lt3A_323 = arith.constant 39 : i32
      %lt3A_324 = arith.cmpi slt, %add3A_322, %lt3A_323 : i32
      %convert_element_type3A_325 = arith.extui %lt3A_324 : i1 to i32
      %cond3A_326 = arith.constant 0 : i32
      %cond3A_327 = arith.cmpi ne, %convert_element_type3A_325, %cond3A_326 : i32
      scf.if %cond3A_327 {
        %add3A_549 = arith.constant 1 : i32
        %add3A_550 = arith.addi %add3A_322, %add3A_549 : i32
        %mul3A_551 = arith.constant 2560 : i32
        %mul3A_552 = arith.muli %add3A_550, %mul3A_551 : i32
        %add3A_553 = arith.addi %mul3A_2, %mul3A_552 : i32
        %run_scoped3A_554 = arith.constant 0 : i32
        "tpu.region"() ({
          %run_scoped3A_561 = tpu.sem_alloc : memref<!tpu.dma_semaphore, #tpu.memory_space<semaphore_mem>>
          %dma_start3A_562 = arith.constant 0 : i32
          %dma_start3A_563 = tpu.memref_slice %arg6[%run_scoped3A_554, %dma_start3A_562] : memref<2x2560xi32, #tpu.memory_space<vmem>> -> memref<1x2560xi32, #tpu.memory_space<vmem>>
          %dma_start3A_564 = tpu.memref_squeeze %dma_start3A_563 : memref<1x2560xi32, #tpu.memory_space<vmem>> -> memref<2560xi32, #tpu.memory_space<vmem>>
          %dma_start3A_565 = tpu.memref_slice %arg2[%add3A_553] : memref<3276800xi32, #tpu.memory_space<hbm>> -> memref<2560xi32, #tpu.memory_space<hbm>>
          %dma_start3A_566 = arith.constant 0 : i32
          %dma_start3A_567 = tpu.memref_slice %arg6[%run_scoped3A_554, %dma_start3A_566] : memref<2x2560xi32, #tpu.memory_space<vmem>> -> memref<1x2560xi32, #tpu.memory_space<vmem>>
          %dma_start3A_568 = tpu.memref_squeeze %dma_start3A_567 : memref<1x2560xi32, #tpu.memory_space<vmem>> -> memref<2560xi32, #tpu.memory_space<vmem>>
          %dma_start3A_569 = tpu.memref_slice %arg2[%add3A_553] : memref<3276800xi32, #tpu.memory_space<hbm>> -> memref<2560xi32, #tpu.memory_space<hbm>>
          tpu.enqueue_dma source(%dma_start3A_569 : memref<2560xi32, #tpu.memory_space<hbm>>) target(%dma_start3A_568 : memref<2560xi32, #tpu.memory_space<vmem>>) target_semaphore(%run_scoped3A_561 : memref<!tpu.dma_semaphore, #tpu.memory_space<semaphore_mem>>)
          %dma_wait3A_570 = arith.constant 0 : i32
          %dma_wait3A_571 = tpu.memref_slice %arg6[%run_scoped3A_554, %dma_wait3A_570] : memref<2x2560xi32, #tpu.memory_space<vmem>> -> memref<1x2560xi32, #tpu.memory_space<vmem>>
          %dma_wait3A_572 = tpu.memref_squeeze %dma_wait3A_571 : memref<1x2560xi32, #tpu.memory_space<vmem>> -> memref<2560xi32, #tpu.memory_space<vmem>>
          %dma_wait3A_573 = tpu.memref_slice %arg2[%add3A_553] : memref<3276800xi32, #tpu.memory_space<hbm>> -> memref<2560xi32, #tpu.memory_space<hbm>>
          %dma_wait3A_574 = arith.constant 0 : i32
          %dma_wait3A_575 = tpu.memref_slice %arg6[%run_scoped3A_554, %dma_wait3A_574] : memref<2x2560xi32, #tpu.memory_space<vmem>> -> memref<1x2560xi32, #tpu.memory_space<vmem>>
          %dma_wait3A_576 = tpu.memref_squeeze %dma_wait3A_575 : memref<1x2560xi32, #tpu.memory_space<vmem>> -> memref<2560xi32, #tpu.memory_space<vmem>>
          %dma_wait3A_577 = tpu.memref_slice %arg2[%add3A_553] : memref<3276800xi32, #tpu.memory_space<hbm>> -> memref<2560xi32, #tpu.memory_space<hbm>>
          tpu.wait_dma2 semaphore(%run_scoped3A_561 : memref<!tpu.dma_semaphore, #tpu.memory_space<semaphore_mem>>) src(%dma_wait3A_577 : memref<2560xi32, #tpu.memory_space<hbm>>) dst(%dma_wait3A_576 : memref<2560xi32, #tpu.memory_space<vmem>>)
          tpu.yield
        }) : () -> ()
        %scan3A_555 = arith.constant 0 : i32
        %scan3A_556 = arith.constant 0 : i32
        %scan3A_557 = arith.constant 160 : i32
        %scan3A_558 = arith.addi %scan3A_556, %scan3A_557 : i32
        %scan3A_559 = arith.constant 4 : i32
        scf.for %scan3A_561 = %scan3A_556 to %scan3A_558 step %scan3A_559  : i32 {
          %mul3A_562 = arith.constant 16 : i32
          %mul3A_563 = arith.muli %scan3A_561, %mul3A_562 : i32
          %get3A = arith.constant 0 : i32
          %get3A_564 = arith.index_cast %get3A : i32 to index
          %get3A_565 = arith.index_cast %mul3A_563 : i32 to index
          %get3A_566 = tpu.vector_load %arg6[%get3A_564, %get3A_565] {strides = array<i32>} : memref<2x2560xi32, #tpu.memory_space<vmem>>, vector<1x16xi32>,
          %get3A_567 = vector.shape_cast %get3A_566 : vector<1x16xi32> to vector<16xi32>
          %mul3A_568 = arith.constant -1640531535 : i32
          %mul3A_569 = vector.broadcast %mul3A_568 : i32 to vector<16xi32>
          %mul3A_570 = arith.muli %get3A_567, %mul3A_569 : vector<16xi32>
          %xor3A = arith.constant -1640531527 : i32
          %xor3A_571 = vector.broadcast %xor3A : i32 to vector<16xi32>
          %xor3A_572 = arith.xori %mul3A_570, %xor3A_571 : vector<16xi32>
          %shift_right_logical3A = arith.constant 16 : i32
          %shift_right_logical3A_573 = vector.broadcast %shift_right_logical3A : i32 to vector<16xi32>
          %shift_right_logical3A_574 = arith.shrui %xor3A_572, %shift_right_logical3A_573 : vector<16xi32>
          %xor3A_575 = arith.xori %xor3A_572, %shift_right_logical3A_574 : vector<16xi32>
          %mul3A_576 = arith.constant -2048144789 : i32
          %mul3A_577 = vector.broadcast %mul3A_576 : i32 to vector<16xi32>
          %mul3A_578 = arith.muli %xor3A_575, %mul3A_577 : vector<16xi32>
          %shift_right_logical3A_579 = arith.constant 13 : i32
          %shift_right_logical3A_580 = vector.broadcast %shift_right_logical3A_579 : i32 to vector<16xi32>
          %shift_right_logical3A_581 = arith.shrui %mul3A_578, %shift_right_logical3A_580 : vector<16xi32>
          %xor3A_582 = arith.xori %mul3A_578, %shift_right_logical3A_581 : vector<16xi32>
          %shift_right_logical3A_583 = arith.constant 16 : i32
          %shift_right_logical3A_584 = vector.broadcast %shift_right_logical3A_583 : i32 to vector<16xi32>
          %shift_right_logical3A_585 = arith.shrui %xor3A_582, %shift_right_logical3A_584 : vector<16xi32>
          %convert_element_type3A_586 = arith.sitofp %shift_right_logical3A_585 : vector<16xi32> to vector<16xf32>
          %mul3A_587 = arith.constant 6.553600e-02 : f32
          %mul3A_588 = vector.broadcast %mul3A_587 : f32 to vector<16xf32>
          %mul3A_589 = arith.mulf %convert_element_type3A_586, %mul3A_588 : vector<16xf32>
          %convert_element_type3A_590 = arith.fptosi %mul3A_589 : vector<16xf32> to vector<16xi32>
          %mul3A_591 = arith.constant 1000000 : i32
          %mul3A_592 = vector.broadcast %mul3A_591 : i32 to vector<16xi32>
          %mul3A_593 = arith.muli %convert_element_type3A_590, %mul3A_592 : vector<16xi32>
          %sub3A = arith.subi %xor3A_582, %mul3A_593 : vector<16xi32>
          %lt3A_594 = arith.constant 0 : i32
          %lt3A_595 = vector.broadcast %lt3A_594 : i32 to vector<16xi32>
          %lt3A_596 = arith.cmpi slt, %sub3A, %lt3A_595 : vector<16xi32>
          %add3A_597 = arith.constant 1000000 : i32
          %add3A_598 = vector.broadcast %add3A_597 : i32 to vector<16xi32>
          %add3A_599 = arith.addi %sub3A, %add3A_598 : vector<16xi32>
          %select_n3A = arith.select %lt3A_596, %add3A_599, %sub3A : vector<16xi1>, vector<16xi32>
          %ge3A = arith.constant 1000000 : i32
          %ge3A_600 = vector.broadcast %ge3A : i32 to vector<16xi32>
          %ge3A_601 = arith.cmpi sge, %select_n3A, %ge3A_600 : vector<16xi32>
          %sub3A_602 = arith.constant 1000000 : i32
          %sub3A_603 = vector.broadcast %sub3A_602 : i32 to vector<16xi32>
          %sub3A_604 = arith.subi %select_n3A, %sub3A_603 : vector<16xi32>
          %select_n3A_605 = arith.select %ge3A_601, %sub3A_604, %select_n3A : vector<16xi1>, vector<16xi32>
          %xor3A_606 = arith.constant 1013904242 : i32
          %xor3A_607 = vector.broadcast %xor3A_606 : i32 to vector<16xi32>
          %xor3A_608 = arith.xori %mul3A_570, %xor3A_607 : vector<16xi32>
          %shift_right_logical3A_609 = arith.constant 16 : i32
          %shift_right_logical3A_610 = vector.broadcast %shift_right_logical3A_609 : i32 to vector<16xi32>
          %shift_right_logical3A_611 = arith.shrui %xor3A_608, %shift_right_logical3A_610 : vector<16xi32>
          %xor3A_612 = arith.xori %xor3A_608, %shift_right_logical3A_611 : vector<16xi32>
          %mul3A_613 = arith.constant -2048144789 : i32
          %mul3A_614 = vector.broadcast %mul3A_613 : i32 to vector<16xi32>
          %mul3A_615 = arith.muli %xor3A_612, %mul3A_614 : vector<16xi32>
          %shift_right_logical3A_616 = arith.constant 13 : i32
          %shift_right_logical3A_617 = vector.broadcast %shift_right_logical3A_616 : i32 to vector<16xi32>
          %shift_right_logical3A_618 = arith.shrui %mul3A_615, %shift_right_logical3A_617 : vector<16xi32>
          %xor3A_619 = arith.xori %mul3A_615, %shift_right_logical3A_618 : vector<16xi32>
          %shift_right_logical3A_620 = arith.constant 16 : i32
          %shift_right_logical3A_621 = vector.broadcast %shift_right_logical3A_620 : i32 to vector<16xi32>
          %shift_right_logical3A_622 = arith.shrui %xor3A_619, %shift_right_logical3A_621 : vector<16xi32>
          %convert_element_type3A_623 = arith.sitofp %shift_right_logical3A_622 : vector<16xi32> to vector<16xf32>
          %mul3A_624 = arith.constant 6.553600e-02 : f32
          %mul3A_625 = vector.broadcast %mul3A_624 : f32 to vector<16xf32>
          %mul3A_626 = arith.mulf %convert_element_type3A_623, %mul3A_625 : vector<16xf32>
          %convert_element_type3A_627 = arith.fptosi %mul3A_626 : vector<16xf32> to vector<16xi32>
          %mul3A_628 = arith.constant 1000000 : i32
          %mul3A_629 = vector.broadcast %mul3A_628 : i32 to vector<16xi32>
          %mul3A_630 = arith.muli %convert_element_type3A_627, %mul3A_629 : vector<16xi32>
          %sub3A_631 = arith.subi %xor3A_619, %mul3A_630 : vector<16xi32>
          %lt3A_632 = arith.constant 0 : i32
          %lt3A_633 = vector.broadcast %lt3A_632 : i32 to vector<16xi32>
          %lt3A_634 = arith.cmpi slt, %sub3A_631, %lt3A_633 : vector<16xi32>
          %add3A_635 = arith.constant 1000000 : i32
          %add3A_636 = vector.broadcast %add3A_635 : i32 to vector<16xi32>
          %add3A_637 = arith.addi %sub3A_631, %add3A_636 : vector<16xi32>
          %select_n3A_638 = arith.select %lt3A_634, %add3A_637, %sub3A_631 : vector<16xi1>, vector<16xi32>
          %ge3A_639 = arith.constant 1000000 : i32
          %ge3A_640 = vector.broadcast %ge3A_639 : i32 to vector<16xi32>
          %ge3A_641 = arith.cmpi sge, %select_n3A_638, %ge3A_640 : vector<16xi32>
          %sub3A_642 = arith.constant 1000000 : i32
          %sub3A_643 = vector.broadcast %sub3A_642 : i32 to vector<16xi32>
          %sub3A_644 = arith.subi %select_n3A_638, %sub3A_643 : vector<16xi32>
          %select_n3A_645 = arith.select %ge3A_641, %sub3A_644, %select_n3A_638 : vector<16xi1>, vector<16xi32>
          %jit3A = arith.constant 32 : i32
          %div3A = arith.divsi %scan3A_561, %jit3A : i32
          %sign3A = arith.constant 0 : i32
          %sign3A_646 = arith.cmpi sgt, %scan3A_561, %sign3A : i32
          %sign3A_647 = arith.extui %sign3A_646 : i1 to i32
          %sign3A_648 = arith.constant 0 : i32
          %sign3A_649 = arith.cmpi slt, %scan3A_561, %sign3A_648 : i32
          %sign3A_650 = arith.extui %sign3A_649 : i1 to i32
          %sign3A_651 = arith.subi %sign3A_647, %sign3A_650 : i32
          %sign3A_652 = arith.constant 0 : i32
          %sign3A_653 = arith.cmpi sgt, %jit3A, %sign3A_652 : i32
          %sign3A_654 = arith.extui %sign3A_653 : i1 to i32
          %sign3A_655 = arith.constant 0 : i32
          %sign3A_656 = arith.cmpi slt, %jit3A, %sign3A_655 : i32
          %sign3A_657 = arith.extui %sign3A_656 : i1 to i32
          %sign3A_658 = arith.subi %sign3A_654, %sign3A_657 : i32
          %ne3A = arith.cmpi ne, %sign3A_651, %sign3A_658 : i32
          %rem3A = arith.remsi %scan3A_561, %jit3A : i32
          %ne3A_659 = arith.constant 0 : i32
          %ne3A_660 = arith.cmpi ne, %rem3A, %ne3A_659 : i32
          %and3A = arith.andi %ne3A, %ne3A_660 : i1
          %sub3A_661 = arith.constant 1 : i32
          %sub3A_662 = arith.subi %div3A, %sub3A_661 : i32
          %select_n3A_663 = arith.select %and3A, %sub3A_662, %div3A : i32
          %jit3A_664 = arith.constant 32 : i32
          %eq3A = arith.constant 0 : i32
          %eq3A_665 = arith.cmpi eq, %jit3A_664, %eq3A : i32
          %jit3A_666 = arith.constant 1 : i32
          %select_n3A_667 = arith.select %eq3A_665, %jit3A_666, %jit3A_664 : i32
          %rem3A_668 = arith.remsi %scan3A_561, %select_n3A_667 : i32
          %ne3A_669 = arith.constant 0 : i32
          %ne3A_670 = arith.cmpi ne, %rem3A_668, %ne3A_669 : i32
          %lt3A_671 = arith.constant 0 : i32
          %lt3A_672 = arith.cmpi slt, %rem3A_668, %lt3A_671 : i32
          %lt3A_673 = arith.constant 0 : i32
          %lt3A_674 = arith.cmpi slt, %select_n3A_667, %lt3A_673 : i32
          %ne3A_675 = arith.xori %lt3A_672, %lt3A_674 : i1
          %and3A_676 = arith.andi %ne3A_675, %ne3A_670 : i1
          %add3A_677 = arith.addi %rem3A_668, %select_n3A_667 : i32
          %select_n3A_678 = arith.select %and3A_676, %add3A_677, %rem3A_668 : i32
          %mul3A_679 = arith.constant 16 : i32
          %mul3A_680 = arith.muli %select_n3A_678, %mul3A_679 : i32
          %swap3A = arith.constant 0 : i32
          %swap3A_681 = arith.index_cast %swap3A : i32 to index
          %swap3A_682 = arith.index_cast %select_n3A_663 : i32 to index
          %swap3A_683 = arith.index_cast %mul3A_680 : i32 to index
          %swap3A_684 = tpu.vector_load %arg7[%swap3A_681, %swap3A_682, %swap3A_683] {strides = array<i32>} : memref<2x5x512xi32, #tpu.memory_space<vmem>>, vector<1x1x16xi32>,
          %swap3A_685 = vector.shape_cast %swap3A_684 : vector<1x1x16xi32> to vector<16xi32>
          %swap3A_686 = vector.shape_cast %select_n3A_605 : vector<16xi32> to vector<1x1x16xi32>
          tpu.vector_store %arg7[%swap3A_681, %swap3A_682, %swap3A_683], %swap3A_686 {strides = array<i32>} : memref<2x5x512xi32, #tpu.memory_space<vmem>>, vector<1x1x16xi32>,
          %swap3A_687 = arith.constant 0 : i32
          %swap3A_688 = arith.index_cast %swap3A_687 : i32 to index
          %swap3A_689 = arith.index_cast %select_n3A_663 : i32 to index
          %swap3A_690 = arith.index_cast %mul3A_680 : i32 to index
          %swap3A_691 = tpu.vector_load %arg8[%swap3A_688, %swap3A_689, %swap3A_690] {strides = array<i32>} : memref<2x5x512xi32, #tpu.memory_space<vmem>>, vector<1x1x16xi32>,
          %swap3A_692 = vector.shape_cast %swap3A_691 : vector<1x1x16xi32> to vector<16xi32>
          %swap3A_693 = vector.shape_cast %select_n3A_645 : vector<16xi32> to vector<1x1x16xi32>
          tpu.vector_store %arg8[%swap3A_688, %swap3A_689, %swap3A_690], %swap3A_693 {strides = array<i32>} : memref<2x5x512xi32, #tpu.memory_space<vmem>>, vector<1x1x16xi32>,
          %scan3A_694 = arith.constant 1 : i32
          %scan3A_695 = arith.addi %scan3A_561, %scan3A_694 : i32
          %mul3A_696 = arith.constant 16 : i32
          %mul3A_697 = arith.muli %scan3A_695, %mul3A_696 : i32
          %get3A_698 = arith.constant 0 : i32
          %get3A_699 = arith.index_cast %get3A_698 : i32 to index
          %get3A_700 = arith.index_cast %mul3A_697 : i32 to index
          %get3A_701 = tpu.vector_load %arg6[%get3A_699, %get3A_700] {strides = array<i32>} : memref<2x2560xi32, #tpu.memory_space<vmem>>, vector<1x16xi32>,
          %get3A_702 = vector.shape_cast %get3A_701 : vector<1x16xi32> to vector<16xi32>
          %mul3A_703 = arith.constant -1640531535 : i32
          %mul3A_704 = vector.broadcast %mul3A_703 : i32 to vector<16xi32>
          %mul3A_705 = arith.muli %get3A_702, %mul3A_704 : vector<16xi32>
          %xor3A_706 = arith.constant -1640531527 : i32
          %xor3A_707 = vector.broadcast %xor3A_706 : i32 to vector<16xi32>
          %xor3A_708 = arith.xori %mul3A_705, %xor3A_707 : vector<16xi32>
          %shift_right_logical3A_709 = arith.constant 16 : i32
          %shift_right_logical3A_710 = vector.broadcast %shift_right_logical3A_709 : i32 to vector<16xi32>
          %shift_right_logical3A_711 = arith.shrui %xor3A_708, %shift_right_logical3A_710 : vector<16xi32>
          %xor3A_712 = arith.xori %xor3A_708, %shift_right_logical3A_711 : vector<16xi32>
          %mul3A_713 = arith.constant -2048144789 : i32
          %mul3A_714 = vector.broadcast %mul3A_713 : i32 to vector<16xi32>
          %mul3A_715 = arith.muli %xor3A_712, %mul3A_714 : vector<16xi32>
          %shift_right_logical3A_716 = arith.constant 13 : i32
          %shift_right_logical3A_717 = vector.broadcast %shift_right_logical3A_716 : i32 to vector<16xi32>
          %shift_right_logical3A_718 = arith.shrui %mul3A_715, %shift_right_logical3A_717 : vector<16xi32>
          %xor3A_719 = arith.xori %mul3A_715, %shift_right_logical3A_718 : vector<16xi32>
          %shift_right_logical3A_720 = arith.constant 16 : i32
          %shift_right_logical3A_721 = vector.broadcast %shift_right_logical3A_720 : i32 to vector<16xi32>
          %shift_right_logical3A_722 = arith.shrui %xor3A_719, %shift_right_logical3A_721 : vector<16xi32>
          %convert_element_type3A_723 = arith.sitofp %shift_right_logical3A_722 : vector<16xi32> to vector<16xf32>
          %mul3A_724 = arith.constant 6.553600e-02 : f32
          %mul3A_725 = vector.broadcast %mul3A_724 : f32 to vector<16xf32>
          %mul3A_726 = arith.mulf %convert_element_type3A_723, %mul3A_725 : vector<16xf32>
          %convert_element_type3A_727 = arith.fptosi %mul3A_726 : vector<16xf32> to vector<16xi32>
          %mul3A_728 = arith.constant 1000000 : i32
          %mul3A_729 = vector.broadcast %mul3A_728 : i32 to vector<16xi32>
          %mul3A_730 = arith.muli %convert_element_type3A_727, %mul3A_729 : vector<16xi32>
          %sub3A_731 = arith.subi %xor3A_719, %mul3A_730 : vector<16xi32>
          %lt3A_732 = arith.constant 0 : i32
          %lt3A_733 = vector.broadcast %lt3A_732 : i32 to vector<16xi32>
          %lt3A_734 = arith.cmpi slt, %sub3A_731, %lt3A_733 : vector<16xi32>
          %add3A_735 = arith.constant 1000000 : i32
          %add3A_736 = vector.broadcast %add3A_735 : i32 to vector<16xi32>
          %add3A_737 = arith.addi %sub3A_731, %add3A_736 : vector<16xi32>
          %select_n3A_738 = arith.select %lt3A_734, %add3A_737, %sub3A_731 : vector<16xi1>, vector<16xi32>
          %ge3A_739 = arith.constant 1000000 : i32
          %ge3A_740 = vector.broadcast %ge3A_739 : i32 to vector<16xi32>
          %ge3A_741 = arith.cmpi sge, %select_n3A_738, %ge3A_740 : vector<16xi32>
          %sub3A_742 = arith.constant 1000000 : i32
          %sub3A_743 = vector.broadcast %sub3A_742 : i32 to vector<16xi32>
          %sub3A_744 = arith.subi %select_n3A_738, %sub3A_743 : vector<16xi32>
          %select_n3A_745 = arith.select %ge3A_741, %sub3A_744, %select_n3A_738 : vector<16xi1>, vector<16xi32>
          %xor3A_746 = arith.constant 1013904242 : i32
          %xor3A_747 = vector.broadcast %xor3A_746 : i32 to vector<16xi32>
          %xor3A_748 = arith.xori %mul3A_705, %xor3A_747 : vector<16xi32>
          %shift_right_logical3A_749 = arith.constant 16 : i32
          %shift_right_logical3A_750 = vector.broadcast %shift_right_logical3A_749 : i32 to vector<16xi32>
          %shift_right_logical3A_751 = arith.shrui %xor3A_748, %shift_right_logical3A_750 : vector<16xi32>
          %xor3A_752 = arith.xori %xor3A_748, %shift_right_logical3A_751 : vector<16xi32>
          %mul3A_753 = arith.constant -2048144789 : i32
          %mul3A_754 = vector.broadcast %mul3A_753 : i32 to vector<16xi32>
          %mul3A_755 = arith.muli %xor3A_752, %mul3A_754 : vector<16xi32>
          %shift_right_logical3A_756 = arith.constant 13 : i32
          %shift_right_logical3A_757 = vector.broadcast %shift_right_logical3A_756 : i32 to vector<16xi32>
          %shift_right_logical3A_758 = arith.shrui %mul3A_755, %shift_right_logical3A_757 : vector<16xi32>
          %xor3A_759 = arith.xori %mul3A_755, %shift_right_logical3A_758 : vector<16xi32>
          %shift_right_logical3A_760 = arith.constant 16 : i32
          %shift_right_logical3A_761 = vector.broadcast %shift_right_logical3A_760 : i32 to vector<16xi32>
          %shift_right_logical3A_762 = arith.shrui %xor3A_759, %shift_right_logical3A_761 : vector<16xi32>
          %convert_element_type3A_763 = arith.sitofp %shift_right_logical3A_762 : vector<16xi32> to vector<16xf32>
          %mul3A_764 = arith.constant 6.553600e-02 : f32
          %mul3A_765 = vector.broadcast %mul3A_764 : f32 to vector<16xf32>
          %mul3A_766 = arith.mulf %convert_element_type3A_763, %mul3A_765 : vector<16xf32>
          %convert_element_type3A_767 = arith.fptosi %mul3A_766 : vector<16xf32> to vector<16xi32>
          %mul3A_768 = arith.constant 1000000 : i32
          %mul3A_769 = vector.broadcast %mul3A_768 : i32 to vector<16xi32>
          %mul3A_770 = arith.muli %convert_element_type3A_767, %mul3A_769 : vector<16xi32>
          %sub3A_771 = arith.subi %xor3A_759, %mul3A_770 : vector<16xi32>
          %lt3A_772 = arith.constant 0 : i32
          %lt3A_773 = vector.broadcast %lt3A_772 : i32 to vector<16xi32>
          %lt3A_774 = arith.cmpi slt, %sub3A_771, %lt3A_773 : vector<16xi32>
          %add3A_775 = arith.constant 1000000 : i32
          %add3A_776 = vector.broadcast %add3A_775 : i32 to vector<16xi32>
          %add3A_777 = arith.addi %sub3A_771, %add3A_776 : vector<16xi32>
          %select_n3A_778 = arith.select %lt3A_774, %add3A_777, %sub3A_771 : vector<16xi1>, vector<16xi32>
          %ge3A_779 = arith.constant 1000000 : i32
          %ge3A_780 = vector.broadcast %ge3A_779 : i32 to vector<16xi32>
          %ge3A_781 = arith.cmpi sge, %select_n3A_778, %ge3A_780 : vector<16xi32>
          %sub3A_782 = arith.constant 1000000 : i32
          %sub3A_783 = vector.broadcast %sub3A_782 : i32 to vector<16xi32>
          %sub3A_784 = arith.subi %select_n3A_778, %sub3A_783 : vector<16xi32>
          %select_n3A_785 = arith.select %ge3A_781, %sub3A_784, %select_n3A_778 : vector<16xi1>, vector<16xi32>
          %jit3A_786 = arith.constant 32 : i32
          %div3A_787 = arith.divsi %scan3A_695, %jit3A_786 : i32
          %sign3A_788 = arith.constant 0 : i32
          %sign3A_789 = arith.cmpi sgt, %scan3A_695, %sign3A_788 : i32
          %sign3A_790 = arith.extui %sign3A_789 : i1 to i32
          %sign3A_791 = arith.constant 0 : i32
          %sign3A_792 = arith.cmpi slt, %scan3A_695, %sign3A_791 : i32
          %sign3A_793 = arith.extui %sign3A_792 : i1 to i32
          %sign3A_794 = arith.subi %sign3A_790, %sign3A_793 : i32
          %sign3A_795 = arith.constant 0 : i32
          %sign3A_796 = arith.cmpi sgt, %jit3A_786, %sign3A_795 : i32
          %sign3A_797 = arith.extui %sign3A_796 : i1 to i32
          %sign3A_798 = arith.constant 0 : i32
          %sign3A_799 = arith.cmpi slt, %jit3A_786, %sign3A_798 : i32
          %sign3A_800 = arith.extui %sign3A_799 : i1 to i32
          %sign3A_801 = arith.subi %sign3A_797, %sign3A_800 : i32
          %ne3A_802 = arith.cmpi ne, %sign3A_794, %sign3A_801 : i32
          %rem3A_803 = arith.remsi %scan3A_695, %jit3A_786 : i32
          %ne3A_804 = arith.constant 0 : i32
          %ne3A_805 = arith.cmpi ne, %rem3A_803, %ne3A_804 : i32
          %and3A_806 = arith.andi %ne3A_802, %ne3A_805 : i1
          %sub3A_807 = arith.constant 1 : i32
          %sub3A_808 = arith.subi %div3A_787, %sub3A_807 : i32
          %select_n3A_809 = arith.select %and3A_806, %sub3A_808, %div3A_787 : i32
          %jit3A_810 = arith.constant 32 : i32
          %eq3A_811 = arith.constant 0 : i32
          %eq3A_812 = arith.cmpi eq, %jit3A_810, %eq3A_811 : i32
          %jit3A_813 = arith.constant 1 : i32
          %select_n3A_814 = arith.select %eq3A_812, %jit3A_813, %jit3A_810 : i32
          %rem3A_815 = arith.remsi %scan3A_695, %select_n3A_814 : i32
          %ne3A_816 = arith.constant 0 : i32
          %ne3A_817 = arith.cmpi ne, %rem3A_815, %ne3A_816 : i32
          %lt3A_818 = arith.constant 0 : i32
          %lt3A_819 = arith.cmpi slt, %rem3A_815, %lt3A_818 : i32
          %lt3A_820 = arith.constant 0 : i32
          %lt3A_821 = arith.cmpi slt, %select_n3A_814, %lt3A_820 : i32
          %ne3A_822 = arith.xori %lt3A_819, %lt3A_821 : i1
          %and3A_823 = arith.andi %ne3A_822, %ne3A_817 : i1
          %add3A_824 = arith.addi %rem3A_815, %select_n3A_814 : i32
          %select_n3A_825 = arith.select %and3A_823, %add3A_824, %rem3A_815 : i32
          %mul3A_826 = arith.constant 16 : i32
          %mul3A_827 = arith.muli %select_n3A_825, %mul3A_826 : i32
          %swap3A_828 = arith.constant 0 : i32
          %swap3A_829 = arith.index_cast %swap3A_828 : i32 to index
          %swap3A_830 = arith.index_cast %select_n3A_809 : i32 to index
          %swap3A_831 = arith.index_cast %mul3A_827 : i32 to index
          %swap3A_832 = tpu.vector_load %arg7[%swap3A_829, %swap3A_830, %swap3A_831] {strides = array<i32>} : memref<2x5x512xi32, #tpu.memory_space<vmem>>, vector<1x1x16xi32>,
          %swap3A_833 = vector.shape_cast %swap3A_832 : vector<1x1x16xi32> to vector<16xi32>
          %swap3A_834 = vector.shape_cast %select_n3A_745 : vector<16xi32> to vector<1x1x16xi32>
          tpu.vector_store %arg7[%swap3A_829, %swap3A_830, %swap3A_831], %swap3A_834 {strides = array<i32>} : memref<2x5x512xi32, #tpu.memory_space<vmem>>, vector<1x1x16xi32>,
          %swap3A_835 = arith.constant 0 : i32
          %swap3A_836 = arith.index_cast %swap3A_835 : i32 to index
          %swap3A_837 = arith.index_cast %select_n3A_809 : i32 to index
          %swap3A_838 = arith.index_cast %mul3A_827 : i32 to index
          %swap3A_839 = tpu.vector_load %arg8[%swap3A_836, %swap3A_837, %swap3A_838] {strides = array<i32>} : memref<2x5x512xi32, #tpu.memory_space<vmem>>, vector<1x1x16xi32>,
          %swap3A_840 = vector.shape_cast %swap3A_839 : vector<1x1x16xi32> to vector<16xi32>
          %swap3A_841 = vector.shape_cast %select_n3A_785 : vector<16xi32> to vector<1x1x16xi32>
          tpu.vector_store %arg8[%swap3A_836, %swap3A_837, %swap3A_838], %swap3A_841 {strides = array<i32>} : memref<2x5x512xi32, #tpu.memory_space<vmem>>, vector<1x1x16xi32>,
          %scan3A_842 = arith.constant 2 : i32
          %scan3A_843 = arith.addi %scan3A_561, %scan3A_842 : i32
          %mul3A_844 = arith.constant 16 : i32
          %mul3A_845 = arith.muli %scan3A_843, %mul3A_844 : i32
          %get3A_846 = arith.constant 0 : i32
          %get3A_847 = arith.index_cast %get3A_846 : i32 to index
          %get3A_848 = arith.index_cast %mul3A_845 : i32 to index
          %get3A_849 = tpu.vector_load %arg6[%get3A_847, %get3A_848] {strides = array<i32>} : memref<2x2560xi32, #tpu.memory_space<vmem>>, vector<1x16xi32>,
          %get3A_850 = vector.shape_cast %get3A_849 : vector<1x16xi32> to vector<16xi32>
          %mul3A_851 = arith.constant -1640531535 : i32
          %mul3A_852 = vector.broadcast %mul3A_851 : i32 to vector<16xi32>
          %mul3A_853 = arith.muli %get3A_850, %mul3A_852 : vector<16xi32>
          %xor3A_854 = arith.constant -1640531527 : i32
          %xor3A_855 = vector.broadcast %xor3A_854 : i32 to vector<16xi32>
          %xor3A_856 = arith.xori %mul3A_853, %xor3A_855 : vector<16xi32>
          %shift_right_logical3A_857 = arith.constant 16 : i32
          %shift_right_logical3A_858 = vector.broadcast %shift_right_logical3A_857 : i32 to vector<16xi32>
          %shift_right_logical3A_859 = arith.shrui %xor3A_856, %shift_right_logical3A_858 : vector<16xi32>
          %xor3A_860 = arith.xori %xor3A_856, %shift_right_logical3A_859 : vector<16xi32>
          %mul3A_861 = arith.constant -2048144789 : i32
          %mul3A_862 = vector.broadcast %mul3A_861 : i32 to vector<16xi32>
          %mul3A_863 = arith.muli %xor3A_860, %mul3A_862 : vector<16xi32>
          %shift_right_logical3A_864 = arith.constant 13 : i32
          %shift_right_logical3A_865 = vector.broadcast %shift_right_logical3A_864 : i32 to vector<16xi32>
          %shift_right_logical3A_866 = arith.shrui %mul3A_863, %shift_right_logical3A_865 : vector<16xi32>
          %xor3A_867 = arith.xori %mul3A_863, %shift_right_logical3A_866 : vector<16xi32>
          %shift_right_logical3A_868 = arith.constant 16 : i32
          %shift_right_logical3A_869 = vector.broadcast %shift_right_logical3A_868 : i32 to vector<16xi32>
          %shift_right_logical3A_870 = arith.shrui %xor3A_867, %shift_right_logical3A_869 : vector<16xi32>
          %convert_element_type3A_871 = arith.sitofp %shift_right_logical3A_870 : vector<16xi32> to vector<16xf32>
          %mul3A_872 = arith.constant 6.553600e-02 : f32
          %mul3A_873 = vector.broadcast %mul3A_872 : f32 to vector<16xf32>
          %mul3A_874 = arith.mulf %convert_element_type3A_871, %mul3A_873 : vector<16xf32>
          %convert_element_type3A_875 = arith.fptosi %mul3A_874 : vector<16xf32> to vector<16xi32>
          %mul3A_876 = arith.constant 1000000 : i32
          %mul3A_877 = vector.broadcast %mul3A_876 : i32 to vector<16xi32>
          %mul3A_878 = arith.muli %convert_element_type3A_875, %mul3A_877 : vector<16xi32>
          %sub3A_879 = arith.subi %xor3A_867, %mul3A_878 : vector<16xi32>
          %lt3A_880 = arith.constant 0 : i32
          %lt3A_881 = vector.broadcast %lt3A_880 : i32 to vector<16xi32>
          %lt3A_882 = arith.cmpi slt, %sub3A_879, %lt3A_881 : vector<16xi32>
          %add3A_883 = arith.constant 1000000 : i32
          %add3A_884 = vector.broadcast %add3A_883 : i32 to vector<16xi32>
          %add3A_885 = arith.addi %sub3A_879, %add3A_884 : vector<16xi32>
          %select_n3A_886 = arith.select %lt3A_882, %add3A_885, %sub3A_879 : vector<16xi1>, vector<16xi32>
          %ge3A_887 = arith.constant 1000000 : i32
          %ge3A_888 = vector.broadcast %ge3A_887 : i32 to vector<16xi32>
          %ge3A_889 = arith.cmpi sge, %select_n3A_886, %ge3A_888 : vector<16xi32>
          %sub3A_890 = arith.constant 1000000 : i32
          %sub3A_891 = vector.broadcast %sub3A_890 : i32 to vector<16xi32>
          %sub3A_892 = arith.subi %select_n3A_886, %sub3A_891 : vector<16xi32>
          %select_n3A_893 = arith.select %ge3A_889, %sub3A_892, %select_n3A_886 : vector<16xi1>, vector<16xi32>
          %xor3A_894 = arith.constant 1013904242 : i32
          %xor3A_895 = vector.broadcast %xor3A_894 : i32 to vector<16xi32>
          %xor3A_896 = arith.xori %mul3A_853, %xor3A_895 : vector<16xi32>
          %shift_right_logical3A_897 = arith.constant 16 : i32
          %shift_right_logical3A_898 = vector.broadcast %shift_right_logical3A_897 : i32 to vector<16xi32>
          %shift_right_logical3A_899 = arith.shrui %xor3A_896, %shift_right_logical3A_898 : vector<16xi32>
          %xor3A_900 = arith.xori %xor3A_896, %shift_right_logical3A_899 : vector<16xi32>
          %mul3A_901 = arith.constant -2048144789 : i32
          %mul3A_902 = vector.broadcast %mul3A_901 : i32 to vector<16xi32>
          %mul3A_903 = arith.muli %xor3A_900, %mul3A_902 : vector<16xi32>
          %shift_right_logical3A_904 = arith.constant 13 : i32
          %shift_right_logical3A_905 = vector.broadcast %shift_right_logical3A_904 : i32 to vector<16xi32>
          %shift_right_logical3A_906 = arith.shrui %mul3A_903, %shift_right_logical3A_905 : vector<16xi32>
          %xor3A_907 = arith.xori %mul3A_903, %shift_right_logical3A_906 : vector<16xi32>
          %shift_right_logical3A_908 = arith.constant 16 : i32
          %shift_right_logical3A_909 = vector.broadcast %shift_right_logical3A_908 : i32 to vector<16xi32>
          %shift_right_logical3A_910 = arith.shrui %xor3A_907, %shift_right_logical3A_909 : vector<16xi32>
          %convert_element_type3A_911 = arith.sitofp %shift_right_logical3A_910 : vector<16xi32> to vector<16xf32>
          %mul3A_912 = arith.constant 6.553600e-02 : f32
          %mul3A_913 = vector.broadcast %mul3A_912 : f32 to vector<16xf32>
          %mul3A_914 = arith.mulf %convert_element_type3A_911, %mul3A_913 : vector<16xf32>
          %convert_element_type3A_915 = arith.fptosi %mul3A_914 : vector<16xf32> to vector<16xi32>
          %mul3A_916 = arith.constant 1000000 : i32
          %mul3A_917 = vector.broadcast %mul3A_916 : i32 to vector<16xi32>
          %mul3A_918 = arith.muli %convert_element_type3A_915, %mul3A_917 : vector<16xi32>
          %sub3A_919 = arith.subi %xor3A_907, %mul3A_918 : vector<16xi32>
          %lt3A_920 = arith.constant 0 : i32
          %lt3A_921 = vector.broadcast %lt3A_920 : i32 to vector<16xi32>
          %lt3A_922 = arith.cmpi slt, %sub3A_919, %lt3A_921 : vector<16xi32>
          %add3A_923 = arith.constant 1000000 : i32
          %add3A_924 = vector.broadcast %add3A_923 : i32 to vector<16xi32>
          %add3A_925 = arith.addi %sub3A_919, %add3A_924 : vector<16xi32>
          %select_n3A_926 = arith.select %lt3A_922, %add3A_925, %sub3A_919 : vector<16xi1>, vector<16xi32>
          %ge3A_927 = arith.constant 1000000 : i32
          %ge3A_928 = vector.broadcast %ge3A_927 : i32 to vector<16xi32>
          %ge3A_929 = arith.cmpi sge, %select_n3A_926, %ge3A_928 : vector<16xi32>
          %sub3A_930 = arith.constant 1000000 : i32
          %sub3A_931 = vector.broadcast %sub3A_930 : i32 to vector<16xi32>
          %sub3A_932 = arith.subi %select_n3A_926, %sub3A_931 : vector<16xi32>
          %select_n3A_933 = arith.select %ge3A_929, %sub3A_932, %select_n3A_926 : vector<16xi1>, vector<16xi32>
          %jit3A_934 = arith.constant 32 : i32
          %div3A_935 = arith.divsi %scan3A_843, %jit3A_934 : i32
          %sign3A_936 = arith.constant 0 : i32
          %sign3A_937 = arith.cmpi sgt, %scan3A_843, %sign3A_936 : i32
          %sign3A_938 = arith.extui %sign3A_937 : i1 to i32
          %sign3A_939 = arith.constant 0 : i32
          %sign3A_940 = arith.cmpi slt, %scan3A_843, %sign3A_939 : i32
          %sign3A_941 = arith.extui %sign3A_940 : i1 to i32
          %sign3A_942 = arith.subi %sign3A_938, %sign3A_941 : i32
          %sign3A_943 = arith.constant 0 : i32
          %sign3A_944 = arith.cmpi sgt, %jit3A_934, %sign3A_943 : i32
          %sign3A_945 = arith.extui %sign3A_944 : i1 to i32
          %sign3A_946 = arith.constant 0 : i32
          %sign3A_947 = arith.cmpi slt, %jit3A_934, %sign3A_946 : i32
          %sign3A_948 = arith.extui %sign3A_947 : i1 to i32
          %sign3A_949 = arith.subi %sign3A_945, %sign3A_948 : i32
          %ne3A_950 = arith.cmpi ne, %sign3A_942, %sign3A_949 : i32
          %rem3A_951 = arith.remsi %scan3A_843, %jit3A_934 : i32
          %ne3A_952 = arith.constant 0 : i32
          %ne3A_953 = arith.cmpi ne, %rem3A_951, %ne3A_952 : i32
          %and3A_954 = arith.andi %ne3A_950, %ne3A_953 : i1
          %sub3A_955 = arith.constant 1 : i32
          %sub3A_956 = arith.subi %div3A_935, %sub3A_955 : i32
          %select_n3A_957 = arith.select %and3A_954, %sub3A_956, %div3A_935 : i32
          %jit3A_958 = arith.constant 32 : i32
          %eq3A_959 = arith.constant 0 : i32
          %eq3A_960 = arith.cmpi eq, %jit3A_958, %eq3A_959 : i32
          %jit3A_961 = arith.constant 1 : i32
          %select_n3A_962 = arith.select %eq3A_960, %jit3A_961, %jit3A_958 : i32
          %rem3A_963 = arith.remsi %scan3A_843, %select_n3A_962 : i32
          %ne3A_964 = arith.constant 0 : i32
          %ne3A_965 = arith.cmpi ne, %rem3A_963, %ne3A_964 : i32
          %lt3A_966 = arith.constant 0 : i32
          %lt3A_967 = arith.cmpi slt, %rem3A_963, %lt3A_966 : i32
          %lt3A_968 = arith.constant 0 : i32
          %lt3A_969 = arith.cmpi slt, %select_n3A_962, %lt3A_968 : i32
          %ne3A_970 = arith.xori %lt3A_967, %lt3A_969 : i1
          %and3A_971 = arith.andi %ne3A_970, %ne3A_965 : i1
          %add3A_972 = arith.addi %rem3A_963, %select_n3A_962 : i32
          %select_n3A_973 = arith.select %and3A_971, %add3A_972, %rem3A_963 : i32
          %mul3A_974 = arith.constant 16 : i32
          %mul3A_975 = arith.muli %select_n3A_973, %mul3A_974 : i32
          %swap3A_976 = arith.constant 0 : i32
          %swap3A_977 = arith.index_cast %swap3A_976 : i32 to index
          %swap3A_978 = arith.index_cast %select_n3A_957 : i32 to index
          %swap3A_979 = arith.index_cast %mul3A_975 : i32 to index
          %swap3A_980 = tpu.vector_load %arg7[%swap3A_977, %swap3A_978, %swap3A_979] {strides = array<i32>} : memref<2x5x512xi32, #tpu.memory_space<vmem>>, vector<1x1x16xi32>,
          %swap3A_981 = vector.shape_cast %swap3A_980 : vector<1x1x16xi32> to vector<16xi32>
          %swap3A_982 = vector.shape_cast %select_n3A_893 : vector<16xi32> to vector<1x1x16xi32>
          tpu.vector_store %arg7[%swap3A_977, %swap3A_978, %swap3A_979], %swap3A_982 {strides = array<i32>} : memref<2x5x512xi32, #tpu.memory_space<vmem>>, vector<1x1x16xi32>,
          %swap3A_983 = arith.constant 0 : i32
          %swap3A_984 = arith.index_cast %swap3A_983 : i32 to index
          %swap3A_985 = arith.index_cast %select_n3A_957 : i32 to index
          %swap3A_986 = arith.index_cast %mul3A_975 : i32 to index
          %swap3A_987 = tpu.vector_load %arg8[%swap3A_984, %swap3A_985, %swap3A_986] {strides = array<i32>} : memref<2x5x512xi32, #tpu.memory_space<vmem>>, vector<1x1x16xi32>,
          %swap3A_988 = vector.shape_cast %swap3A_987 : vector<1x1x16xi32> to vector<16xi32>
          %swap3A_989 = vector.shape_cast %select_n3A_933 : vector<16xi32> to vector<1x1x16xi32>
          tpu.vector_store %arg8[%swap3A_984, %swap3A_985, %swap3A_986], %swap3A_989 {strides = array<i32>} : memref<2x5x512xi32, #tpu.memory_space<vmem>>, vector<1x1x16xi32>,
          %scan3A_990 = arith.constant 3 : i32
          %scan3A_991 = arith.addi %scan3A_561, %scan3A_990 : i32
          %mul3A_992 = arith.constant 16 : i32
          %mul3A_993 = arith.muli %scan3A_991, %mul3A_992 : i32
          %get3A_994 = arith.constant 0 : i32
          %get3A_995 = arith.index_cast %get3A_994 : i32 to index
          %get3A_996 = arith.index_cast %mul3A_993 : i32 to index
          %get3A_997 = tpu.vector_load %arg6[%get3A_995, %get3A_996] {strides = array<i32>} : memref<2x2560xi32, #tpu.memory_space<vmem>>, vector<1x16xi32>,
          %get3A_998 = vector.shape_cast %get3A_997 : vector<1x16xi32> to vector<16xi32>
          %mul3A_999 = arith.constant -1640531535 : i32
          %mul3A_1000 = vector.broadcast %mul3A_999 : i32 to vector<16xi32>
          %mul3A_1001 = arith.muli %get3A_998, %mul3A_1000 : vector<16xi32>
          %xor3A_1002 = arith.constant -1640531527 : i32
          %xor3A_1003 = vector.broadcast %xor3A_1002 : i32 to vector<16xi32>
          %xor3A_1004 = arith.xori %mul3A_1001, %xor3A_1003 : vector<16xi32>
          %shift_right_logical3A_1005 = arith.constant 16 : i32
          %shift_right_logical3A_1006 = vector.broadcast %shift_right_logical3A_1005 : i32 to vector<16xi32>
          %shift_right_logical3A_1007 = arith.shrui %xor3A_1004, %shift_right_logical3A_1006 : vector<16xi32>
          %xor3A_1008 = arith.xori %xor3A_1004, %shift_right_logical3A_1007 : vector<16xi32>
          %mul3A_1009 = arith.constant -2048144789 : i32
          %mul3A_1010 = vector.broadcast %mul3A_1009 : i32 to vector<16xi32>
          %mul3A_1011 = arith.muli %xor3A_1008, %mul3A_1010 : vector<16xi32>
          %shift_right_logical3A_1012 = arith.constant 13 : i32
          %shift_right_logical3A_1013 = vector.broadcast %shift_right_logical3A_1012 : i32 to vector<16xi32>
          %shift_right_logical3A_1014 = arith.shrui %mul3A_1011, %shift_right_logical3A_1013 : vector<16xi32>
          %xor3A_1015 = arith.xori %mul3A_1011, %shift_right_logical3A_1014 : vector<16xi32>
          %shift_right_logical3A_1016 = arith.constant 16 : i32
          %shift_right_logical3A_1017 = vector.broadcast %shift_right_logical3A_1016 : i32 to vector<16xi32>
          %shift_right_logical3A_1018 = arith.shrui %xor3A_1015, %shift_right_logical3A_1017 : vector<16xi32>
          %convert_element_type3A_1019 = arith.sitofp %shift_right_logical3A_1018 : vector<16xi32> to vector<16xf32>
          %mul3A_1020 = arith.constant 6.553600e-02 : f32
          %mul3A_1021 = vector.broadcast %mul3A_1020 : f32 to vector<16xf32>
          %mul3A_1022 = arith.mulf %convert_element_type3A_1019, %mul3A_1021 : vector<16xf32>
          %convert_element_type3A_1023 = arith.fptosi %mul3A_1022 : vector<16xf32> to vector<16xi32>
          %mul3A_1024 = arith.constant 1000000 : i32
          %mul3A_1025 = vector.broadcast %mul3A_1024 : i32 to vector<16xi32>
          %mul3A_1026 = arith.muli %convert_element_type3A_1023, %mul3A_1025 : vector<16xi32>
          %sub3A_1027 = arith.subi %xor3A_1015, %mul3A_1026 : vector<16xi32>
          %lt3A_1028 = arith.constant 0 : i32
          %lt3A_1029 = vector.broadcast %lt3A_1028 : i32 to vector<16xi32>
          %lt3A_1030 = arith.cmpi slt, %sub3A_1027, %lt3A_1029 : vector<16xi32>
          %add3A_1031 = arith.constant 1000000 : i32
          %add3A_1032 = vector.broadcast %add3A_1031 : i32 to vector<16xi32>
          %add3A_1033 = arith.addi %sub3A_1027, %add3A_1032 : vector<16xi32>
          %select_n3A_1034 = arith.select %lt3A_1030, %add3A_1033, %sub3A_1027 : vector<16xi1>, vector<16xi32>
          %ge3A_1035 = arith.constant 1000000 : i32
          %ge3A_1036 = vector.broadcast %ge3A_1035 : i32 to vector<16xi32>
          %ge3A_1037 = arith.cmpi sge, %select_n3A_1034, %ge3A_1036 : vector<16xi32>
          %sub3A_1038 = arith.constant 1000000 : i32
          %sub3A_1039 = vector.broadcast %sub3A_1038 : i32 to vector<16xi32>
          %sub3A_1040 = arith.subi %select_n3A_1034, %sub3A_1039 : vector<16xi32>
          %select_n3A_1041 = arith.select %ge3A_1037, %sub3A_1040, %select_n3A_1034 : vector<16xi1>, vector<16xi32>
          %xor3A_1042 = arith.constant 1013904242 : i32
          %xor3A_1043 = vector.broadcast %xor3A_1042 : i32 to vector<16xi32>
          %xor3A_1044 = arith.xori %mul3A_1001, %xor3A_1043 : vector<16xi32>
          %shift_right_logical3A_1045 = arith.constant 16 : i32
          %shift_right_logical3A_1046 = vector.broadcast %shift_right_logical3A_1045 : i32 to vector<16xi32>
          %shift_right_logical3A_1047 = arith.shrui %xor3A_1044, %shift_right_logical3A_1046 : vector<16xi32>
          %xor3A_1048 = arith.xori %xor3A_1044, %shift_right_logical3A_1047 : vector<16xi32>
          %mul3A_1049 = arith.constant -2048144789 : i32
          %mul3A_1050 = vector.broadcast %mul3A_1049 : i32 to vector<16xi32>
          %mul3A_1051 = arith.muli %xor3A_1048, %mul3A_1050 : vector<16xi32>
          %shift_right_logical3A_1052 = arith.constant 13 : i32
          %shift_right_logical3A_1053 = vector.broadcast %shift_right_logical3A_1052 : i32 to vector<16xi32>
          %shift_right_logical3A_1054 = arith.shrui %mul3A_1051, %shift_right_logical3A_1053 : vector<16xi32>
          %xor3A_1055 = arith.xori %mul3A_1051, %shift_right_logical3A_1054 : vector<16xi32>
          %shift_right_logical3A_1056 = arith.constant 16 : i32
          %shift_right_logical3A_1057 = vector.broadcast %shift_right_logical3A_1056 : i32 to vector<16xi32>
          %shift_right_logical3A_1058 = arith.shrui %xor3A_1055, %shift_right_logical3A_1057 : vector<16xi32>
          %convert_element_type3A_1059 = arith.sitofp %shift_right_logical3A_1058 : vector<16xi32> to vector<16xf32>
          %mul3A_1060 = arith.constant 6.553600e-02 : f32
          %mul3A_1061 = vector.broadcast %mul3A_1060 : f32 to vector<16xf32>
          %mul3A_1062 = arith.mulf %convert_element_type3A_1059, %mul3A_1061 : vector<16xf32>
          %convert_element_type3A_1063 = arith.fptosi %mul3A_1062 : vector<16xf32> to vector<16xi32>
          %mul3A_1064 = arith.constant 1000000 : i32
          %mul3A_1065 = vector.broadcast %mul3A_1064 : i32 to vector<16xi32>
          %mul3A_1066 = arith.muli %convert_element_type3A_1063, %mul3A_1065 : vector<16xi32>
          %sub3A_1067 = arith.subi %xor3A_1055, %mul3A_1066 : vector<16xi32>
          %lt3A_1068 = arith.constant 0 : i32
          %lt3A_1069 = vector.broadcast %lt3A_1068 : i32 to vector<16xi32>
          %lt3A_1070 = arith.cmpi slt, %sub3A_1067, %lt3A_1069 : vector<16xi32>
          %add3A_1071 = arith.constant 1000000 : i32
          %add3A_1072 = vector.broadcast %add3A_1071 : i32 to vector<16xi32>
          %add3A_1073 = arith.addi %sub3A_1067, %add3A_1072 : vector<16xi32>
          %select_n3A_1074 = arith.select %lt3A_1070, %add3A_1073, %sub3A_1067 : vector<16xi1>, vector<16xi32>
          %ge3A_1075 = arith.constant 1000000 : i32
          %ge3A_1076 = vector.broadcast %ge3A_1075 : i32 to vector<16xi32>
          %ge3A_1077 = arith.cmpi sge, %select_n3A_1074, %ge3A_1076 : vector<16xi32>
          %sub3A_1078 = arith.constant 1000000 : i32
          %sub3A_1079 = vector.broadcast %sub3A_1078 : i32 to vector<16xi32>
          %sub3A_1080 = arith.subi %select_n3A_1074, %sub3A_1079 : vector<16xi32>
          %select_n3A_1081 = arith.select %ge3A_1077, %sub3A_1080, %select_n3A_1074 : vector<16xi1>, vector<16xi32>
          %jit3A_1082 = arith.constant 32 : i32
          %div3A_1083 = arith.divsi %scan3A_991, %jit3A_1082 : i32
          %sign3A_1084 = arith.constant 0 : i32
          %sign3A_1085 = arith.cmpi sgt, %scan3A_991, %sign3A_1084 : i32
          %sign3A_1086 = arith.extui %sign3A_1085 : i1 to i32
          %sign3A_1087 = arith.constant 0 : i32
          %sign3A_1088 = arith.cmpi slt, %scan3A_991, %sign3A_1087 : i32
          %sign3A_1089 = arith.extui %sign3A_1088 : i1 to i32
          %sign3A_1090 = arith.subi %sign3A_1086, %sign3A_1089 : i32
          %sign3A_1091 = arith.constant 0 : i32
          %sign3A_1092 = arith.cmpi sgt, %jit3A_1082, %sign3A_1091 : i32
          %sign3A_1093 = arith.extui %sign3A_1092 : i1 to i32
          %sign3A_1094 = arith.constant 0 : i32
          %sign3A_1095 = arith.cmpi slt, %jit3A_1082, %sign3A_1094 : i32
          %sign3A_1096 = arith.extui %sign3A_1095 : i1 to i32
          %sign3A_1097 = arith.subi %sign3A_1093, %sign3A_1096 : i32
          %ne3A_1098 = arith.cmpi ne, %sign3A_1090, %sign3A_1097 : i32
          %rem3A_1099 = arith.remsi %scan3A_991, %jit3A_1082 : i32
          %ne3A_1100 = arith.constant 0 : i32
          %ne3A_1101 = arith.cmpi ne, %rem3A_1099, %ne3A_1100 : i32
          %and3A_1102 = arith.andi %ne3A_1098, %ne3A_1101 : i1
          %sub3A_1103 = arith.constant 1 : i32
          %sub3A_1104 = arith.subi %div3A_1083, %sub3A_1103 : i32
          %select_n3A_1105 = arith.select %and3A_1102, %sub3A_1104, %div3A_1083 : i32
          %jit3A_1106 = arith.constant 32 : i32
          %eq3A_1107 = arith.constant 0 : i32
          %eq3A_1108 = arith.cmpi eq, %jit3A_1106, %eq3A_1107 : i32
          %jit3A_1109 = arith.constant 1 : i32
          %select_n3A_1110 = arith.select %eq3A_1108, %jit3A_1109, %jit3A_1106 : i32
          %rem3A_1111 = arith.remsi %scan3A_991, %select_n3A_1110 : i32
          %ne3A_1112 = arith.constant 0 : i32
          %ne3A_1113 = arith.cmpi ne, %rem3A_1111, %ne3A_1112 : i32
          %lt3A_1114 = arith.constant 0 : i32
          %lt3A_1115 = arith.cmpi slt, %rem3A_1111, %lt3A_1114 : i32
          %lt3A_1116 = arith.constant 0 : i32
          %lt3A_1117 = arith.cmpi slt, %select_n3A_1110, %lt3A_1116 : i32
          %ne3A_1118 = arith.xori %lt3A_1115, %lt3A_1117 : i1
          %and3A_1119 = arith.andi %ne3A_1118, %ne3A_1113 : i1
          %add3A_1120 = arith.addi %rem3A_1111, %select_n3A_1110 : i32
          %select_n3A_1121 = arith.select %and3A_1119, %add3A_1120, %rem3A_1111 : i32
          %mul3A_1122 = arith.constant 16 : i32
          %mul3A_1123 = arith.muli %select_n3A_1121, %mul3A_1122 : i32
          %swap3A_1124 = arith.constant 0 : i32
          %swap3A_1125 = arith.index_cast %swap3A_1124 : i32 to index
          %swap3A_1126 = arith.index_cast %select_n3A_1105 : i32 to index
          %swap3A_1127 = arith.index_cast %mul3A_1123 : i32 to index
          %swap3A_1128 = tpu.vector_load %arg7[%swap3A_1125, %swap3A_1126, %swap3A_1127] {strides = array<i32>} : memref<2x5x512xi32, #tpu.memory_space<vmem>>, vector<1x1x16xi32>,
          %swap3A_1129 = vector.shape_cast %swap3A_1128 : vector<1x1x16xi32> to vector<16xi32>
          %swap3A_1130 = vector.shape_cast %select_n3A_1041 : vector<16xi32> to vector<1x1x16xi32>
          tpu.vector_store %arg7[%swap3A_1125, %swap3A_1126, %swap3A_1127], %swap3A_1130 {strides = array<i32>} : memref<2x5x512xi32, #tpu.memory_space<vmem>>, vector<1x1x16xi32>,
          %swap3A_1131 = arith.constant 0 : i32
          %swap3A_1132 = arith.index_cast %swap3A_1131 : i32 to index
          %swap3A_1133 = arith.index_cast %select_n3A_1105 : i32 to index
          %swap3A_1134 = arith.index_cast %mul3A_1123 : i32 to index
          %swap3A_1135 = tpu.vector_load %arg8[%swap3A_1132, %swap3A_1133, %swap3A_1134] {strides = array<i32>} : memref<2x5x512xi32, #tpu.memory_space<vmem>>, vector<1x1x16xi32>,
          %swap3A_1136 = vector.shape_cast %swap3A_1135 : vector<1x1x16xi32> to vector<16xi32>
          %swap3A_1137 = vector.shape_cast %select_n3A_1081 : vector<16xi32> to vector<1x1x16xi32>
          tpu.vector_store %arg8[%swap3A_1132, %swap3A_1133, %swap3A_1134], %swap3A_1137 {strides = array<i32>} : memref<2x5x512xi32, #tpu.memory_space<vmem>>, vector<1x1x16xi32>,
        }
        %scan3A_560 = arith.constant 160 : i32
      } else {
      }
      %gt3A_328 = arith.constant 0 : i32
      %gt3A_329 = arith.cmpi sgt, %add3A_322, %gt3A_328 : i32
      %convert_element_type3A_330 = arith.extui %gt3A_329 : i1 to i32
      %cond3A_331 = arith.constant 0 : i32
      %cond3A_332 = arith.cmpi ne, %convert_element_type3A_330, %cond3A_331 : i32
      scf.if %cond3A_332 {
        %sub3A = arith.constant 1 : i32
        %sub3A_549 = arith.subi %add3A_322, %sub3A : i32
        %mul3A_550 = arith.constant 2560 : i32
        %mul3A_551 = arith.muli %sub3A_549, %mul3A_550 : i32
        %add3A_552 = arith.addi %mul3A_2, %mul3A_551 : i32
        %dma_wait3A_553 = arith.constant 0 : i32
        %dma_wait3A_554 = arith.constant 0 : i32
        %dma_wait3A_555 = arith.constant 0 : i32
        %dma_wait3A_556 = tpu.memref_slice %arg9[%dma_wait3A_553, %dma_wait3A_554, %dma_wait3A_555] : memref<2x2560x16xf32, #tpu.memory_space<vmem>> -> memref<1x2560x16xf32, #tpu.memory_space<vmem>>
        %dma_wait3A_557 = tpu.memref_squeeze %dma_wait3A_556 : memref<1x2560x16xf32, #tpu.memory_space<vmem>> -> memref<2560x16xf32, #tpu.memory_space<vmem>>
        %dma_wait3A_558 = arith.constant 0 : i32
        %dma_wait3A_559 = tpu.memref_slice %arg5[%add3A_552, %dma_wait3A_558] : memref<3276800x16xf32, #tpu.memory_space<hbm>> -> memref<2560x16xf32, #tpu.memory_space<hbm>>
        %dma_wait3A_560 = arith.constant 0 : i32
        %dma_wait3A_561 = tpu.memref_slice %arg5[%add3A_552, %dma_wait3A_560] : memref<3276800x16xf32, #tpu.memory_space<hbm>> -> memref<2560x16xf32, #tpu.memory_space<hbm>>
        %dma_wait3A_562 = arith.constant 0 : i32
        %dma_wait3A_563 = arith.constant 0 : i32
        %dma_wait3A_564 = tpu.memref_slice %arg9[%dma_wait3A_553, %dma_wait3A_562, %dma_wait3A_563] : memref<2x2560x16xf32, #tpu.memory_space<vmem>> -> memref<1x2560x16xf32, #tpu.memory_space<vmem>>
        %dma_wait3A_565 = tpu.memref_squeeze %dma_wait3A_564 : memref<1x2560x16xf32, #tpu.memory_space<vmem>> -> memref<2560x16xf32, #tpu.memory_space<vmem>>
        tpu.wait_dma2 semaphore(%arg14 : memref<!tpu.dma_semaphore, #tpu.memory_space<semaphore_mem>>) src(%dma_wait3A_565 : memref<2560x16xf32, #tpu.memory_space<vmem>>) dst(%dma_wait3A_561 : memref<2560x16xf32, #tpu.memory_space<hbm>>)
      } else {
      }
      %lt3A_333 = arith.constant 39 : i32
      %lt3A_334 = arith.cmpi slt, %add3A_322, %lt3A_333 : i32
      %convert_element_type3A_335 = arith.extui %lt3A_334 : i1 to i32
      %cond3A_336 = arith.constant 0 : i32
      %cond3A_337 = arith.cmpi ne, %convert_element_type3A_335, %cond3A_336 : i32
      scf.if %cond3A_337 {
        %add3A_549 = arith.constant 1 : i32
        %add3A_550 = arith.addi %add3A_322, %add3A_549 : i32
        %dma_start3A_551 = arith.constant 0 : i32
        %dma_start3A_552 = arith.constant 0 : i32
        %dma_start3A_553 = arith.constant 0 : i32
        %dma_start3A_554 = arith.constant 0 : i32
        %dma_start3A_555 = arith.constant 0 : i32
        %dma_start3A_556 = tpu.memref_slice %arg9[%dma_start3A_553, %dma_start3A_554, %dma_start3A_555] : memref<2x2560x16xf32, #tpu.memory_space<vmem>> -> memref<1x512x16xf32, #tpu.memory_space<vmem>>
        %dma_start3A_557 = tpu.memref_squeeze %dma_start3A_556 : memref<1x512x16xf32, #tpu.memory_space<vmem>> -> memref<512x16xf32, #tpu.memory_space<vmem>>
        %dma_start3A_558 = arith.constant 0 : i32
        %dma_start3A_559 = tpu.memref_slice %arg7[%dma_start3A_551, %dma_start3A_552, %dma_start3A_558] : memref<2x5x512xi32, #tpu.memory_space<vmem>> -> memref<1x1x512xi32, #tpu.memory_space<vmem>>
        %dma_start3A_560 = tpu.memref_squeeze %dma_start3A_559 : memref<1x1x512xi32, #tpu.memory_space<vmem>> -> memref<512xi32, #tpu.memory_space<vmem>>
        %dma_start3A_561 = arith.constant 0 : i32
        %dma_start3A_562 = arith.constant 0 : i32
        %dma_start3A_563 = tpu.memref_slice %arg3[%dma_start3A_561, %dma_start3A_562] : memref<1000000x16xf32, #tpu.memory_space<hbm>> -> memref<1000000x16xf32, #tpu.memory_space<hbm>>
        tpu.enqueue_indirect_dma source(%dma_start3A_563 : memref<1000000x16xf32, #tpu.memory_space<hbm>>) target(%dma_start3A_557 : memref<512x16xf32, #tpu.memory_space<vmem>>) offsets(%dma_start3A_560 : memref<512xi32, #tpu.memory_space<vmem>>) semaphore(%arg10 : memref<!tpu.dma_semaphore, #tpu.memory_space<semaphore_mem>>)
        %dma_start3A_564 = arith.constant 0 : i32
        %dma_start3A_565 = arith.constant 1 : i32
        %dma_start3A_566 = arith.constant 0 : i32
        %dma_start3A_567 = arith.constant 512 : i32
        %dma_start3A_568 = arith.constant 0 : i32
        %dma_start3A_569 = tpu.memref_slice %arg9[%dma_start3A_566, %dma_start3A_567, %dma_start3A_568] : memref<2x2560x16xf32, #tpu.memory_space<vmem>> -> memref<1x512x16xf32, #tpu.memory_space<vmem>>
        %dma_start3A_570 = tpu.memref_squeeze %dma_start3A_569 : memref<1x512x16xf32, #tpu.memory_space<vmem>> -> memref<512x16xf32, #tpu.memory_space<vmem>>
        %dma_start3A_571 = arith.constant 0 : i32
        %dma_start3A_572 = tpu.memref_slice %arg7[%dma_start3A_564, %dma_start3A_565, %dma_start3A_571] : memref<2x5x512xi32, #tpu.memory_space<vmem>> -> memref<1x1x512xi32, #tpu.memory_space<vmem>>
        %dma_start3A_573 = tpu.memref_squeeze %dma_start3A_572 : memref<1x1x512xi32, #tpu.memory_space<vmem>> -> memref<512xi32, #tpu.memory_space<vmem>>
        %dma_start3A_574 = arith.constant 0 : i32
        %dma_start3A_575 = arith.constant 0 : i32
        %dma_start3A_576 = tpu.memref_slice %arg3[%dma_start3A_574, %dma_start3A_575] : memref<1000000x16xf32, #tpu.memory_space<hbm>> -> memref<1000000x16xf32, #tpu.memory_space<hbm>>
        tpu.enqueue_indirect_dma source(%dma_start3A_576 : memref<1000000x16xf32, #tpu.memory_space<hbm>>) target(%dma_start3A_570 : memref<512x16xf32, #tpu.memory_space<vmem>>) offsets(%dma_start3A_573 : memref<512xi32, #tpu.memory_space<vmem>>) semaphore(%arg10 : memref<!tpu.dma_semaphore, #tpu.memory_space<semaphore_mem>>)
        %dma_start3A_577 = arith.constant 0 : i32
        %dma_start3A_578 = arith.constant 2 : i32
        %dma_start3A_579 = arith.constant 0 : i32
        %dma_start3A_580 = arith.constant 1024 : i32
        %dma_start3A_581 = arith.constant 0 : i32
        %dma_start3A_582 = tpu.memref_slice %arg9[%dma_start3A_579, %dma_start3A_580, %dma_start3A_581] : memref<2x2560x16xf32, #tpu.memory_space<vmem>> -> memref<1x512x16xf32, #tpu.memory_space<vmem>>
        %dma_start3A_583 = tpu.memref_squeeze %dma_start3A_582 : memref<1x512x16xf32, #tpu.memory_space<vmem>> -> memref<512x16xf32, #tpu.memory_space<vmem>>
        %dma_start3A_584 = arith.constant 0 : i32
        %dma_start3A_585 = tpu.memref_slice %arg8[%dma_start3A_577, %dma_start3A_578, %dma_start3A_584] : memref<2x5x512xi32, #tpu.memory_space<vmem>> -> memref<1x1x512xi32, #tpu.memory_space<vmem>>
        %dma_start3A_586 = tpu.memref_squeeze %dma_start3A_585 : memref<1x1x512xi32, #tpu.memory_space<vmem>> -> memref<512xi32, #tpu.memory_space<vmem>>
        %dma_start3A_587 = arith.constant 0 : i32
        %dma_start3A_588 = arith.constant 0 : i32
        %dma_start3A_589 = tpu.memref_slice %arg4[%dma_start3A_587, %dma_start3A_588] : memref<1000000x16xf32, #tpu.memory_space<hbm>> -> memref<1000000x16xf32, #tpu.memory_space<hbm>>
        tpu.enqueue_indirect_dma source(%dma_start3A_589 : memref<1000000x16xf32, #tpu.memory_space<hbm>>) target(%dma_start3A_583 : memref<512x16xf32, #tpu.memory_space<vmem>>) offsets(%dma_start3A_586 : memref<512xi32, #tpu.memory_space<vmem>>) semaphore(%arg10 : memref<!tpu.dma_semaphore, #tpu.memory_space<semaphore_mem>>)
        %dma_start3A_590 = arith.constant 0 : i32
        %dma_start3A_591 = arith.constant 3 : i32
        %dma_start3A_592 = arith.constant 0 : i32
        %dma_start3A_593 = arith.constant 1536 : i32
        %dma_start3A_594 = arith.constant 0 : i32
        %dma_start3A_595 = tpu.memref_slice %arg9[%dma_start3A_592, %dma_start3A_593, %dma_start3A_594] : memref<2x2560x16xf32, #tpu.memory_space<vmem>> -> memref<1x512x16xf32, #tpu.memory_space<vmem>>
        %dma_start3A_596 = tpu.memref_squeeze %dma_start3A_595 : memref<1x512x16xf32, #tpu.memory_space<vmem>> -> memref<512x16xf32, #tpu.memory_space<vmem>>
        %dma_start3A_597 = arith.constant 0 : i32
        %dma_start3A_598 = tpu.memref_slice %arg8[%dma_start3A_590, %dma_start3A_591, %dma_start3A_597] : memref<2x5x512xi32, #tpu.memory_space<vmem>> -> memref<1x1x512xi32, #tpu.memory_space<vmem>>
        %dma_start3A_599 = tpu.memref_squeeze %dma_start3A_598 : memref<1x1x512xi32, #tpu.memory_space<vmem>> -> memref<512xi32, #tpu.memory_space<vmem>>
        %dma_start3A_600 = arith.constant 0 : i32
        %dma_start3A_601 = arith.constant 0 : i32
        %dma_start3A_602 = tpu.memref_slice %arg4[%dma_start3A_600, %dma_start3A_601] : memref<1000000x16xf32, #tpu.memory_space<hbm>> -> memref<1000000x16xf32, #tpu.memory_space<hbm>>
        tpu.enqueue_indirect_dma source(%dma_start3A_602 : memref<1000000x16xf32, #tpu.memory_space<hbm>>) target(%dma_start3A_596 : memref<512x16xf32, #tpu.memory_space<vmem>>) offsets(%dma_start3A_599 : memref<512xi32, #tpu.memory_space<vmem>>) semaphore(%arg10 : memref<!tpu.dma_semaphore, #tpu.memory_space<semaphore_mem>>)
        %dma_start3A_603 = arith.constant 0 : i32
        %dma_start3A_604 = arith.constant 4 : i32
        %dma_start3A_605 = arith.constant 0 : i32
        %dma_start3A_606 = arith.constant 2048 : i32
        %dma_start3A_607 = arith.constant 0 : i32
        %dma_start3A_608 = tpu.memref_slice %arg9[%dma_start3A_605, %dma_start3A_606, %dma_start3A_607] : memref<2x2560x16xf32, #tpu.memory_space<vmem>> -> memref<1x512x16xf32, #tpu.memory_space<vmem>>
        %dma_start3A_609 = tpu.memref_squeeze %dma_start3A_608 : memref<1x512x16xf32, #tpu.memory_space<vmem>> -> memref<512x16xf32, #tpu.memory_space<vmem>>
        %dma_start3A_610 = arith.constant 0 : i32
        %dma_start3A_611 = tpu.memref_slice %arg8[%dma_start3A_603, %dma_start3A_604, %dma_start3A_610] : memref<2x5x512xi32, #tpu.memory_space<vmem>> -> memref<1x1x512xi32, #tpu.memory_space<vmem>>
        %dma_start3A_612 = tpu.memref_squeeze %dma_start3A_611 : memref<1x1x512xi32, #tpu.memory_space<vmem>> -> memref<512xi32, #tpu.memory_space<vmem>>
        %dma_start3A_613 = arith.constant 0 : i32
        %dma_start3A_614 = arith.constant 0 : i32
        %dma_start3A_615 = tpu.memref_slice %arg4[%dma_start3A_613, %dma_start3A_614] : memref<1000000x16xf32, #tpu.memory_space<hbm>> -> memref<1000000x16xf32, #tpu.memory_space<hbm>>
        tpu.enqueue_indirect_dma source(%dma_start3A_615 : memref<1000000x16xf32, #tpu.memory_space<hbm>>) target(%dma_start3A_609 : memref<512x16xf32, #tpu.memory_space<vmem>>) offsets(%dma_start3A_612 : memref<512xi32, #tpu.memory_space<vmem>>) semaphore(%arg10 : memref<!tpu.dma_semaphore, #tpu.memory_space<semaphore_mem>>)
      } else {
      }
      %dma_wait3A_338 = arith.constant 1 : i32
      %dma_wait3A_339 = arith.constant 0 : i32
      %dma_wait3A_340 = arith.constant 1 : i32
      %dma_wait3A_341 = arith.constant 0 : i32
      %dma_wait3A_342 = arith.constant 0 : i32
      %dma_wait3A_343 = tpu.memref_slice %arg9[%dma_wait3A_340, %dma_wait3A_341, %dma_wait3A_342] : memref<2x2560x16xf32, #tpu.memory_space<vmem>> -> memref<1x512x16xf32, #tpu.memory_space<vmem>>
      %dma_wait3A_344 = tpu.memref_squeeze %dma_wait3A_343 : memref<1x512x16xf32, #tpu.memory_space<vmem>> -> memref<512x16xf32, #tpu.memory_space<vmem>>
      %dma_wait3A_345 = arith.constant 0 : i32
      %dma_wait3A_346 = tpu.memref_slice %arg7[%dma_wait3A_338, %dma_wait3A_339, %dma_wait3A_345] : memref<2x5x512xi32, #tpu.memory_space<vmem>> -> memref<1x1x512xi32, #tpu.memory_space<vmem>>
      %dma_wait3A_347 = tpu.memref_squeeze %dma_wait3A_346 : memref<1x1x512xi32, #tpu.memory_space<vmem>> -> memref<512xi32, #tpu.memory_space<vmem>>
      %dma_wait3A_348 = arith.constant 0 : i32
      %dma_wait3A_349 = arith.constant 0 : i32
      %dma_wait3A_350 = tpu.memref_slice %arg3[%dma_wait3A_348, %dma_wait3A_349] : memref<1000000x16xf32, #tpu.memory_space<hbm>> -> memref<1000000x16xf32, #tpu.memory_space<hbm>>
      tpu.wait_indirect_dma semaphore(%arg11 : memref<!tpu.dma_semaphore, #tpu.memory_space<semaphore_mem>>) src(%dma_wait3A_350 : memref<1000000x16xf32, #tpu.memory_space<hbm>>) dst(%dma_wait3A_344 : memref<512x16xf32, #tpu.memory_space<vmem>>)
      %dma_start3A_351 = arith.constant 1 : i32
      %dma_start3A_352 = arith.constant 0 : i32
      %dma_start3A_353 = arith.constant 1 : i32
      %dma_start3A_354 = arith.constant 0 : i32
      %dma_start3A_355 = arith.constant 0 : i32
      %dma_start3A_356 = tpu.memref_slice %arg9[%dma_start3A_353, %dma_start3A_354, %dma_start3A_355] : memref<2x2560x16xf32, #tpu.memory_space<vmem>> -> memref<1x512x16xf32, #tpu.memory_space<vmem>>
      %dma_start3A_357 = tpu.memref_squeeze %dma_start3A_356 : memref<1x512x16xf32, #tpu.memory_space<vmem>> -> memref<512x16xf32, #tpu.memory_space<vmem>>
      %dma_start3A_358 = arith.constant 0 : i32
      %dma_start3A_359 = tpu.memref_slice %arg8[%dma_start3A_351, %dma_start3A_352, %dma_start3A_358] : memref<2x5x512xi32, #tpu.memory_space<vmem>> -> memref<1x1x512xi32, #tpu.memory_space<vmem>>
      %dma_start3A_360 = tpu.memref_squeeze %dma_start3A_359 : memref<1x1x512xi32, #tpu.memory_space<vmem>> -> memref<512xi32, #tpu.memory_space<vmem>>
      %dma_start3A_361 = arith.constant 0 : i32
      %dma_start3A_362 = arith.constant 0 : i32
      %dma_start3A_363 = tpu.memref_slice %arg4[%dma_start3A_361, %dma_start3A_362] : memref<1000000x16xf32, #tpu.memory_space<hbm>> -> memref<1000000x16xf32, #tpu.memory_space<hbm>>
      tpu.enqueue_indirect_dma source(%dma_start3A_363 : memref<1000000x16xf32, #tpu.memory_space<hbm>>) target(%dma_start3A_357 : memref<512x16xf32, #tpu.memory_space<vmem>>) offsets(%dma_start3A_360 : memref<512xi32, #tpu.memory_space<vmem>>) semaphore(%arg13 : memref<!tpu.dma_semaphore, #tpu.memory_space<semaphore_mem>>) {add = true}
      %dma_wait3A_364 = arith.constant 1 : i32
      %dma_wait3A_365 = arith.constant 1 : i32
      %dma_wait3A_366 = arith.constant 1 : i32
      %dma_wait3A_367 = arith.constant 512 : i32
      %dma_wait3A_368 = arith.constant 0 : i32
      %dma_wait3A_369 = tpu.memref_slice %arg9[%dma_wait3A_366, %dma_wait3A_367, %dma_wait3A_368] : memref<2x2560x16xf32, #tpu.memory_space<vmem>> -> memref<1x512x16xf32, #tpu.memory_space<vmem>>
      %dma_wait3A_370 = tpu.memref_squeeze %dma_wait3A_369 : memref<1x512x16xf32, #tpu.memory_space<vmem>> -> memref<512x16xf32, #tpu.memory_space<vmem>>
      %dma_wait3A_371 = arith.constant 0 : i32
      %dma_wait3A_372 = tpu.memref_slice %arg7[%dma_wait3A_364, %dma_wait3A_365, %dma_wait3A_371] : memref<2x5x512xi32, #tpu.memory_space<vmem>> -> memref<1x1x512xi32, #tpu.memory_space<vmem>>
      %dma_wait3A_373 = tpu.memref_squeeze %dma_wait3A_372 : memref<1x1x512xi32, #tpu.memory_space<vmem>> -> memref<512xi32, #tpu.memory_space<vmem>>
      %dma_wait3A_374 = arith.constant 0 : i32
      %dma_wait3A_375 = arith.constant 0 : i32
      %dma_wait3A_376 = tpu.memref_slice %arg3[%dma_wait3A_374, %dma_wait3A_375] : memref<1000000x16xf32, #tpu.memory_space<hbm>> -> memref<1000000x16xf32, #tpu.memory_space<hbm>>
      tpu.wait_indirect_dma semaphore(%arg11 : memref<!tpu.dma_semaphore, #tpu.memory_space<semaphore_mem>>) src(%dma_wait3A_376 : memref<1000000x16xf32, #tpu.memory_space<hbm>>) dst(%dma_wait3A_370 : memref<512x16xf32, #tpu.memory_space<vmem>>)
      %dma_start3A_377 = arith.constant 1 : i32
      %dma_start3A_378 = arith.constant 1 : i32
      %dma_start3A_379 = arith.constant 1 : i32
      %dma_start3A_380 = arith.constant 512 : i32
      %dma_start3A_381 = arith.constant 0 : i32
      %dma_start3A_382 = tpu.memref_slice %arg9[%dma_start3A_379, %dma_start3A_380, %dma_start3A_381] : memref<2x2560x16xf32, #tpu.memory_space<vmem>> -> memref<1x512x16xf32, #tpu.memory_space<vmem>>
      %dma_start3A_383 = tpu.memref_squeeze %dma_start3A_382 : memref<1x512x16xf32, #tpu.memory_space<vmem>> -> memref<512x16xf32, #tpu.memory_space<vmem>>
      %dma_start3A_384 = arith.constant 0 : i32
      %dma_start3A_385 = tpu.memref_slice %arg8[%dma_start3A_377, %dma_start3A_378, %dma_start3A_384] : memref<2x5x512xi32, #tpu.memory_space<vmem>> -> memref<1x1x512xi32, #tpu.memory_space<vmem>>
      %dma_start3A_386 = tpu.memref_squeeze %dma_start3A_385 : memref<1x1x512xi32, #tpu.memory_space<vmem>> -> memref<512xi32, #tpu.memory_space<vmem>>
      %dma_start3A_387 = arith.constant 0 : i32
      %dma_start3A_388 = arith.constant 0 : i32
      %dma_start3A_389 = tpu.memref_slice %arg4[%dma_start3A_387, %dma_start3A_388] : memref<1000000x16xf32, #tpu.memory_space<hbm>> -> memref<1000000x16xf32, #tpu.memory_space<hbm>>
      tpu.enqueue_indirect_dma source(%dma_start3A_389 : memref<1000000x16xf32, #tpu.memory_space<hbm>>) target(%dma_start3A_383 : memref<512x16xf32, #tpu.memory_space<vmem>>) offsets(%dma_start3A_386 : memref<512xi32, #tpu.memory_space<vmem>>) semaphore(%arg13 : memref<!tpu.dma_semaphore, #tpu.memory_space<semaphore_mem>>) {add = true}
      %dma_wait3A_390 = arith.constant 1 : i32
      %dma_wait3A_391 = arith.constant 2 : i32
      %dma_wait3A_392 = arith.constant 1 : i32
      %dma_wait3A_393 = arith.constant 1024 : i32
      %dma_wait3A_394 = arith.constant 0 : i32
      %dma_wait3A_395 = tpu.memref_slice %arg9[%dma_wait3A_392, %dma_wait3A_393, %dma_wait3A_394] : memref<2x2560x16xf32, #tpu.memory_space<vmem>> -> memref<1x512x16xf32, #tpu.memory_space<vmem>>
      %dma_wait3A_396 = tpu.memref_squeeze %dma_wait3A_395 : memref<1x512x16xf32, #tpu.memory_space<vmem>> -> memref<512x16xf32, #tpu.memory_space<vmem>>
      %dma_wait3A_397 = arith.constant 0 : i32
      %dma_wait3A_398 = tpu.memref_slice %arg8[%dma_wait3A_390, %dma_wait3A_391, %dma_wait3A_397] : memref<2x5x512xi32, #tpu.memory_space<vmem>> -> memref<1x1x512xi32, #tpu.memory_space<vmem>>
      %dma_wait3A_399 = tpu.memref_squeeze %dma_wait3A_398 : memref<1x1x512xi32, #tpu.memory_space<vmem>> -> memref<512xi32, #tpu.memory_space<vmem>>
      %dma_wait3A_400 = arith.constant 0 : i32
      %dma_wait3A_401 = arith.constant 0 : i32
      %dma_wait3A_402 = tpu.memref_slice %arg4[%dma_wait3A_400, %dma_wait3A_401] : memref<1000000x16xf32, #tpu.memory_space<hbm>> -> memref<1000000x16xf32, #tpu.memory_space<hbm>>
      tpu.wait_indirect_dma semaphore(%arg11 : memref<!tpu.dma_semaphore, #tpu.memory_space<semaphore_mem>>) src(%dma_wait3A_402 : memref<1000000x16xf32, #tpu.memory_space<hbm>>) dst(%dma_wait3A_396 : memref<512x16xf32, #tpu.memory_space<vmem>>)
      %dma_start3A_403 = arith.constant 1 : i32
      %dma_start3A_404 = arith.constant 2 : i32
      %dma_start3A_405 = arith.constant 1 : i32
      %dma_start3A_406 = arith.constant 1024 : i32
      %dma_start3A_407 = arith.constant 0 : i32
      %dma_start3A_408 = tpu.memref_slice %arg9[%dma_start3A_405, %dma_start3A_406, %dma_start3A_407] : memref<2x2560x16xf32, #tpu.memory_space<vmem>> -> memref<1x512x16xf32, #tpu.memory_space<vmem>>
      %dma_start3A_409 = tpu.memref_squeeze %dma_start3A_408 : memref<1x512x16xf32, #tpu.memory_space<vmem>> -> memref<512x16xf32, #tpu.memory_space<vmem>>
      %dma_start3A_410 = arith.constant 0 : i32
      %dma_start3A_411 = tpu.memref_slice %arg7[%dma_start3A_403, %dma_start3A_404, %dma_start3A_410] : memref<2x5x512xi32, #tpu.memory_space<vmem>> -> memref<1x1x512xi32, #tpu.memory_space<vmem>>
      %dma_start3A_412 = tpu.memref_squeeze %dma_start3A_411 : memref<1x1x512xi32, #tpu.memory_space<vmem>> -> memref<512xi32, #tpu.memory_space<vmem>>
      %dma_start3A_413 = arith.constant 0 : i32
      %dma_start3A_414 = arith.constant 0 : i32
      %dma_start3A_415 = tpu.memref_slice %arg3[%dma_start3A_413, %dma_start3A_414] : memref<1000000x16xf32, #tpu.memory_space<hbm>> -> memref<1000000x16xf32, #tpu.memory_space<hbm>>
      tpu.enqueue_indirect_dma source(%dma_start3A_415 : memref<1000000x16xf32, #tpu.memory_space<hbm>>) target(%dma_start3A_409 : memref<512x16xf32, #tpu.memory_space<vmem>>) offsets(%dma_start3A_412 : memref<512xi32, #tpu.memory_space<vmem>>) semaphore(%arg13 : memref<!tpu.dma_semaphore, #tpu.memory_space<semaphore_mem>>) {add = true}
      %dma_wait3A_416 = arith.constant 1 : i32
      %dma_wait3A_417 = arith.constant 3 : i32
      %dma_wait3A_418 = arith.constant 1 : i32
      %dma_wait3A_419 = arith.constant 1536 : i32
      %dma_wait3A_420 = arith.constant 0 : i32
      %dma_wait3A_421 = tpu.memref_slice %arg9[%dma_wait3A_418, %dma_wait3A_419, %dma_wait3A_420] : memref<2x2560x16xf32, #tpu.memory_space<vmem>> -> memref<1x512x16xf32, #tpu.memory_space<vmem>>
      %dma_wait3A_422 = tpu.memref_squeeze %dma_wait3A_421 : memref<1x512x16xf32, #tpu.memory_space<vmem>> -> memref<512x16xf32, #tpu.memory_space<vmem>>
      %dma_wait3A_423 = arith.constant 0 : i32
      %dma_wait3A_424 = tpu.memref_slice %arg8[%dma_wait3A_416, %dma_wait3A_417, %dma_wait3A_423] : memref<2x5x512xi32, #tpu.memory_space<vmem>> -> memref<1x1x512xi32, #tpu.memory_space<vmem>>
      %dma_wait3A_425 = tpu.memref_squeeze %dma_wait3A_424 : memref<1x1x512xi32, #tpu.memory_space<vmem>> -> memref<512xi32, #tpu.memory_space<vmem>>
      %dma_wait3A_426 = arith.constant 0 : i32
      %dma_wait3A_427 = arith.constant 0 : i32
      %dma_wait3A_428 = tpu.memref_slice %arg4[%dma_wait3A_426, %dma_wait3A_427] : memref<1000000x16xf32, #tpu.memory_space<hbm>> -> memref<1000000x16xf32, #tpu.memory_space<hbm>>
      tpu.wait_indirect_dma semaphore(%arg11 : memref<!tpu.dma_semaphore, #tpu.memory_space<semaphore_mem>>) src(%dma_wait3A_428 : memref<1000000x16xf32, #tpu.memory_space<hbm>>) dst(%dma_wait3A_422 : memref<512x16xf32, #tpu.memory_space<vmem>>)
      %dma_start3A_429 = arith.constant 1 : i32
      %dma_start3A_430 = arith.constant 3 : i32
      %dma_start3A_431 = arith.constant 1 : i32
      %dma_start3A_432 = arith.constant 1536 : i32
      %dma_start3A_433 = arith.constant 0 : i32
      %dma_start3A_434 = tpu.memref_slice %arg9[%dma_start3A_431, %dma_start3A_432, %dma_start3A_433] : memref<2x2560x16xf32, #tpu.memory_space<vmem>> -> memref<1x512x16xf32, #tpu.memory_space<vmem>>
      %dma_start3A_435 = tpu.memref_squeeze %dma_start3A_434 : memref<1x512x16xf32, #tpu.memory_space<vmem>> -> memref<512x16xf32, #tpu.memory_space<vmem>>
      %dma_start3A_436 = arith.constant 0 : i32
      %dma_start3A_437 = tpu.memref_slice %arg7[%dma_start3A_429, %dma_start3A_430, %dma_start3A_436] : memref<2x5x512xi32, #tpu.memory_space<vmem>> -> memref<1x1x512xi32, #tpu.memory_space<vmem>>
      %dma_start3A_438 = tpu.memref_squeeze %dma_start3A_437 : memref<1x1x512xi32, #tpu.memory_space<vmem>> -> memref<512xi32, #tpu.memory_space<vmem>>
      %dma_start3A_439 = arith.constant 0 : i32
      %dma_start3A_440 = arith.constant 0 : i32
      %dma_start3A_441 = tpu.memref_slice %arg3[%dma_start3A_439, %dma_start3A_440] : memref<1000000x16xf32, #tpu.memory_space<hbm>> -> memref<1000000x16xf32, #tpu.memory_space<hbm>>
      tpu.enqueue_indirect_dma source(%dma_start3A_441 : memref<1000000x16xf32, #tpu.memory_space<hbm>>) target(%dma_start3A_435 : memref<512x16xf32, #tpu.memory_space<vmem>>) offsets(%dma_start3A_438 : memref<512xi32, #tpu.memory_space<vmem>>) semaphore(%arg13 : memref<!tpu.dma_semaphore, #tpu.memory_space<semaphore_mem>>) {add = true}
      %dma_wait3A_442 = arith.constant 1 : i32
      %dma_wait3A_443 = arith.constant 4 : i32
      %dma_wait3A_444 = arith.constant 1 : i32
      %dma_wait3A_445 = arith.constant 2048 : i32
      %dma_wait3A_446 = arith.constant 0 : i32
      %dma_wait3A_447 = tpu.memref_slice %arg9[%dma_wait3A_444, %dma_wait3A_445, %dma_wait3A_446] : memref<2x2560x16xf32, #tpu.memory_space<vmem>> -> memref<1x512x16xf32, #tpu.memory_space<vmem>>
      %dma_wait3A_448 = tpu.memref_squeeze %dma_wait3A_447 : memref<1x512x16xf32, #tpu.memory_space<vmem>> -> memref<512x16xf32, #tpu.memory_space<vmem>>
      %dma_wait3A_449 = arith.constant 0 : i32
      %dma_wait3A_450 = tpu.memref_slice %arg8[%dma_wait3A_442, %dma_wait3A_443, %dma_wait3A_449] : memref<2x5x512xi32, #tpu.memory_space<vmem>> -> memref<1x1x512xi32, #tpu.memory_space<vmem>>
      %dma_wait3A_451 = tpu.memref_squeeze %dma_wait3A_450 : memref<1x1x512xi32, #tpu.memory_space<vmem>> -> memref<512xi32, #tpu.memory_space<vmem>>
      %dma_wait3A_452 = arith.constant 0 : i32
      %dma_wait3A_453 = arith.constant 0 : i32
      %dma_wait3A_454 = tpu.memref_slice %arg4[%dma_wait3A_452, %dma_wait3A_453] : memref<1000000x16xf32, #tpu.memory_space<hbm>> -> memref<1000000x16xf32, #tpu.memory_space<hbm>>
      tpu.wait_indirect_dma semaphore(%arg11 : memref<!tpu.dma_semaphore, #tpu.memory_space<semaphore_mem>>) src(%dma_wait3A_454 : memref<1000000x16xf32, #tpu.memory_space<hbm>>) dst(%dma_wait3A_448 : memref<512x16xf32, #tpu.memory_space<vmem>>)
      %dma_start3A_455 = arith.constant 1 : i32
      %dma_start3A_456 = arith.constant 4 : i32
      %dma_start3A_457 = arith.constant 1 : i32
      %dma_start3A_458 = arith.constant 2048 : i32
      %dma_start3A_459 = arith.constant 0 : i32
      %dma_start3A_460 = tpu.memref_slice %arg9[%dma_start3A_457, %dma_start3A_458, %dma_start3A_459] : memref<2x2560x16xf32, #tpu.memory_space<vmem>> -> memref<1x512x16xf32, #tpu.memory_space<vmem>>
      %dma_start3A_461 = tpu.memref_squeeze %dma_start3A_460 : memref<1x512x16xf32, #tpu.memory_space<vmem>> -> memref<512x16xf32, #tpu.memory_space<vmem>>
      %dma_start3A_462 = arith.constant 0 : i32
      %dma_start3A_463 = tpu.memref_slice %arg7[%dma_start3A_455, %dma_start3A_456, %dma_start3A_462] : memref<2x5x512xi32, #tpu.memory_space<vmem>> -> memref<1x1x512xi32, #tpu.memory_space<vmem>>
      %dma_start3A_464 = tpu.memref_squeeze %dma_start3A_463 : memref<1x1x512xi32, #tpu.memory_space<vmem>> -> memref<512xi32, #tpu.memory_space<vmem>>
      %dma_start3A_465 = arith.constant 0 : i32
      %dma_start3A_466 = arith.constant 0 : i32
      %dma_start3A_467 = tpu.memref_slice %arg3[%dma_start3A_465, %dma_start3A_466] : memref<1000000x16xf32, #tpu.memory_space<hbm>> -> memref<1000000x16xf32, #tpu.memory_space<hbm>>
      tpu.enqueue_indirect_dma source(%dma_start3A_467 : memref<1000000x16xf32, #tpu.memory_space<hbm>>) target(%dma_start3A_461 : memref<512x16xf32, #tpu.memory_space<vmem>>) offsets(%dma_start3A_464 : memref<512xi32, #tpu.memory_space<vmem>>) semaphore(%arg13 : memref<!tpu.dma_semaphore, #tpu.memory_space<semaphore_mem>>) {add = true}
      %dma_wait3A_468 = arith.constant 1 : i32
      %dma_wait3A_469 = arith.constant 0 : i32
      %dma_wait3A_470 = arith.constant 1 : i32
      %dma_wait3A_471 = arith.constant 0 : i32
      %dma_wait3A_472 = arith.constant 0 : i32
      %dma_wait3A_473 = tpu.memref_slice %arg9[%dma_wait3A_470, %dma_wait3A_471, %dma_wait3A_472] : memref<2x2560x16xf32, #tpu.memory_space<vmem>> -> memref<1x512x16xf32, #tpu.memory_space<vmem>>
      %dma_wait3A_474 = tpu.memref_squeeze %dma_wait3A_473 : memref<1x512x16xf32, #tpu.memory_space<vmem>> -> memref<512x16xf32, #tpu.memory_space<vmem>>
      %dma_wait3A_475 = arith.constant 0 : i32
      %dma_wait3A_476 = tpu.memref_slice %arg8[%dma_wait3A_468, %dma_wait3A_469, %dma_wait3A_475] : memref<2x5x512xi32, #tpu.memory_space<vmem>> -> memref<1x1x512xi32, #tpu.memory_space<vmem>>
      %dma_wait3A_477 = tpu.memref_squeeze %dma_wait3A_476 : memref<1x1x512xi32, #tpu.memory_space<vmem>> -> memref<512xi32, #tpu.memory_space<vmem>>
      %dma_wait3A_478 = arith.constant 0 : i32
      %dma_wait3A_479 = arith.constant 0 : i32
      %dma_wait3A_480 = tpu.memref_slice %arg4[%dma_wait3A_478, %dma_wait3A_479] : memref<1000000x16xf32, #tpu.memory_space<hbm>> -> memref<1000000x16xf32, #tpu.memory_space<hbm>>
      tpu.wait_indirect_dma semaphore(%arg13 : memref<!tpu.dma_semaphore, #tpu.memory_space<semaphore_mem>>) src(%dma_wait3A_480 : memref<1000000x16xf32, #tpu.memory_space<hbm>>) dst(%dma_wait3A_474 : memref<512x16xf32, #tpu.memory_space<vmem>>)
      %dma_wait3A_481 = arith.constant 1 : i32
      %dma_wait3A_482 = arith.constant 1 : i32
      %dma_wait3A_483 = arith.constant 1 : i32
      %dma_wait3A_484 = arith.constant 512 : i32
      %dma_wait3A_485 = arith.constant 0 : i32
      %dma_wait3A_486 = tpu.memref_slice %arg9[%dma_wait3A_483, %dma_wait3A_484, %dma_wait3A_485] : memref<2x2560x16xf32, #tpu.memory_space<vmem>> -> memref<1x512x16xf32, #tpu.memory_space<vmem>>
      %dma_wait3A_487 = tpu.memref_squeeze %dma_wait3A_486 : memref<1x512x16xf32, #tpu.memory_space<vmem>> -> memref<512x16xf32, #tpu.memory_space<vmem>>
      %dma_wait3A_488 = arith.constant 0 : i32
      %dma_wait3A_489 = tpu.memref_slice %arg8[%dma_wait3A_481, %dma_wait3A_482, %dma_wait3A_488] : memref<2x5x512xi32, #tpu.memory_space<vmem>> -> memref<1x1x512xi32, #tpu.memory_space<vmem>>
      %dma_wait3A_490 = tpu.memref_squeeze %dma_wait3A_489 : memref<1x1x512xi32, #tpu.memory_space<vmem>> -> memref<512xi32, #tpu.memory_space<vmem>>
      %dma_wait3A_491 = arith.constant 0 : i32
      %dma_wait3A_492 = arith.constant 0 : i32
      %dma_wait3A_493 = tpu.memref_slice %arg4[%dma_wait3A_491, %dma_wait3A_492] : memref<1000000x16xf32, #tpu.memory_space<hbm>> -> memref<1000000x16xf32, #tpu.memory_space<hbm>>
      tpu.wait_indirect_dma semaphore(%arg13 : memref<!tpu.dma_semaphore, #tpu.memory_space<semaphore_mem>>) src(%dma_wait3A_493 : memref<1000000x16xf32, #tpu.memory_space<hbm>>) dst(%dma_wait3A_487 : memref<512x16xf32, #tpu.memory_space<vmem>>)
      %dma_wait3A_494 = arith.constant 1 : i32
      %dma_wait3A_495 = arith.constant 2 : i32
      %dma_wait3A_496 = arith.constant 1 : i32
      %dma_wait3A_497 = arith.constant 1024 : i32
      %dma_wait3A_498 = arith.constant 0 : i32
      %dma_wait3A_499 = tpu.memref_slice %arg9[%dma_wait3A_496, %dma_wait3A_497, %dma_wait3A_498] : memref<2x2560x16xf32, #tpu.memory_space<vmem>> -> memref<1x512x16xf32, #tpu.memory_space<vmem>>
      %dma_wait3A_500 = tpu.memref_squeeze %dma_wait3A_499 : memref<1x512x16xf32, #tpu.memory_space<vmem>> -> memref<512x16xf32, #tpu.memory_space<vmem>>
      %dma_wait3A_501 = arith.constant 0 : i32
      %dma_wait3A_502 = tpu.memref_slice %arg7[%dma_wait3A_494, %dma_wait3A_495, %dma_wait3A_501] : memref<2x5x512xi32, #tpu.memory_space<vmem>> -> memref<1x1x512xi32, #tpu.memory_space<vmem>>
      %dma_wait3A_503 = tpu.memref_squeeze %dma_wait3A_502 : memref<1x1x512xi32, #tpu.memory_space<vmem>> -> memref<512xi32, #tpu.memory_space<vmem>>
      %dma_wait3A_504 = arith.constant 0 : i32
      %dma_wait3A_505 = arith.constant 0 : i32
      %dma_wait3A_506 = tpu.memref_slice %arg3[%dma_wait3A_504, %dma_wait3A_505] : memref<1000000x16xf32, #tpu.memory_space<hbm>> -> memref<1000000x16xf32, #tpu.memory_space<hbm>>
      tpu.wait_indirect_dma semaphore(%arg13 : memref<!tpu.dma_semaphore, #tpu.memory_space<semaphore_mem>>) src(%dma_wait3A_506 : memref<1000000x16xf32, #tpu.memory_space<hbm>>) dst(%dma_wait3A_500 : memref<512x16xf32, #tpu.memory_space<vmem>>)
      %dma_wait3A_507 = arith.constant 1 : i32
      %dma_wait3A_508 = arith.constant 3 : i32
      %dma_wait3A_509 = arith.constant 1 : i32
      %dma_wait3A_510 = arith.constant 1536 : i32
      %dma_wait3A_511 = arith.constant 0 : i32
      %dma_wait3A_512 = tpu.memref_slice %arg9[%dma_wait3A_509, %dma_wait3A_510, %dma_wait3A_511] : memref<2x2560x16xf32, #tpu.memory_space<vmem>> -> memref<1x512x16xf32, #tpu.memory_space<vmem>>
      %dma_wait3A_513 = tpu.memref_squeeze %dma_wait3A_512 : memref<1x512x16xf32, #tpu.memory_space<vmem>> -> memref<512x16xf32, #tpu.memory_space<vmem>>
      %dma_wait3A_514 = arith.constant 0 : i32
      %dma_wait3A_515 = tpu.memref_slice %arg7[%dma_wait3A_507, %dma_wait3A_508, %dma_wait3A_514] : memref<2x5x512xi32, #tpu.memory_space<vmem>> -> memref<1x1x512xi32, #tpu.memory_space<vmem>>
      %dma_wait3A_516 = tpu.memref_squeeze %dma_wait3A_515 : memref<1x1x512xi32, #tpu.memory_space<vmem>> -> memref<512xi32, #tpu.memory_space<vmem>>
      %dma_wait3A_517 = arith.constant 0 : i32
      %dma_wait3A_518 = arith.constant 0 : i32
      %dma_wait3A_519 = tpu.memref_slice %arg3[%dma_wait3A_517, %dma_wait3A_518] : memref<1000000x16xf32, #tpu.memory_space<hbm>> -> memref<1000000x16xf32, #tpu.memory_space<hbm>>
      tpu.wait_indirect_dma semaphore(%arg13 : memref<!tpu.dma_semaphore, #tpu.memory_space<semaphore_mem>>) src(%dma_wait3A_519 : memref<1000000x16xf32, #tpu.memory_space<hbm>>) dst(%dma_wait3A_513 : memref<512x16xf32, #tpu.memory_space<vmem>>)
      %dma_wait3A_520 = arith.constant 1 : i32
      %dma_wait3A_521 = arith.constant 4 : i32
      %dma_wait3A_522 = arith.constant 1 : i32
      %dma_wait3A_523 = arith.constant 2048 : i32
      %dma_wait3A_524 = arith.constant 0 : i32
      %dma_wait3A_525 = tpu.memref_slice %arg9[%dma_wait3A_522, %dma_wait3A_523, %dma_wait3A_524] : memref<2x2560x16xf32, #tpu.memory_space<vmem>> -> memref<1x512x16xf32, #tpu.memory_space<vmem>>
      %dma_wait3A_526 = tpu.memref_squeeze %dma_wait3A_525 : memref<1x512x16xf32, #tpu.memory_space<vmem>> -> memref<512x16xf32, #tpu.memory_space<vmem>>
      %dma_wait3A_527 = arith.constant 0 : i32
      %dma_wait3A_528 = tpu.memref_slice %arg7[%dma_wait3A_520, %dma_wait3A_521, %dma_wait3A_527] : memref<2x5x512xi32, #tpu.memory_space<vmem>> -> memref<1x1x512xi32, #tpu.memory_space<vmem>>
      %dma_wait3A_529 = tpu.memref_squeeze %dma_wait3A_528 : memref<1x1x512xi32, #tpu.memory_space<vmem>> -> memref<512xi32, #tpu.memory_space<vmem>>
      %dma_wait3A_530 = arith.constant 0 : i32
      %dma_wait3A_531 = arith.constant 0 : i32
      %dma_wait3A_532 = tpu.memref_slice %arg3[%dma_wait3A_530, %dma_wait3A_531] : memref<1000000x16xf32, #tpu.memory_space<hbm>> -> memref<1000000x16xf32, #tpu.memory_space<hbm>>
      tpu.wait_indirect_dma semaphore(%arg13 : memref<!tpu.dma_semaphore, #tpu.memory_space<semaphore_mem>>) src(%dma_wait3A_532 : memref<1000000x16xf32, #tpu.memory_space<hbm>>) dst(%dma_wait3A_526 : memref<512x16xf32, #tpu.memory_space<vmem>>)
      %mul3A_533 = arith.constant 2560 : i32
      %mul3A_534 = arith.muli %add3A_322, %mul3A_533 : i32
      %add3A_535 = arith.addi %mul3A_2, %mul3A_534 : i32
      %dma_start3A_536 = arith.constant 1 : i32
      %dma_start3A_537 = arith.constant 0 : i32
      %dma_start3A_538 = arith.constant 0 : i32
      %dma_start3A_539 = tpu.memref_slice %arg9[%dma_start3A_536, %dma_start3A_537, %dma_start3A_538] : memref<2x2560x16xf32, #tpu.memory_space<vmem>> -> memref<1x2560x16xf32, #tpu.memory_space<vmem>>
      %dma_start3A_540 = tpu.memref_squeeze %dma_start3A_539 : memref<1x2560x16xf32, #tpu.memory_space<vmem>> -> memref<2560x16xf32, #tpu.memory_space<vmem>>
      %dma_start3A_541 = arith.constant 0 : i32
      %dma_start3A_542 = tpu.memref_slice %arg5[%add3A_535, %dma_start3A_541] : memref<3276800x16xf32, #tpu.memory_space<hbm>> -> memref<2560x16xf32, #tpu.memory_space<hbm>>
      %dma_start3A_543 = arith.constant 0 : i32
      %dma_start3A_544 = tpu.memref_slice %arg5[%add3A_535, %dma_start3A_543] : memref<3276800x16xf32, #tpu.memory_space<hbm>> -> memref<2560x16xf32, #tpu.memory_space<hbm>>
      %dma_start3A_545 = arith.constant 0 : i32
      %dma_start3A_546 = arith.constant 0 : i32
      %dma_start3A_547 = tpu.memref_slice %arg9[%dma_start3A_536, %dma_start3A_545, %dma_start3A_546] : memref<2x2560x16xf32, #tpu.memory_space<vmem>> -> memref<1x2560x16xf32, #tpu.memory_space<vmem>>
      %dma_start3A_548 = tpu.memref_squeeze %dma_start3A_547 : memref<1x2560x16xf32, #tpu.memory_space<vmem>> -> memref<2560x16xf32, #tpu.memory_space<vmem>>
      tpu.enqueue_dma source(%dma_start3A_548 : memref<2560x16xf32, #tpu.memory_space<vmem>>) target(%dma_start3A_544 : memref<2560x16xf32, #tpu.memory_space<hbm>>) target_semaphore(%arg15 : memref<!tpu.dma_semaphore, #tpu.memory_space<semaphore_mem>>)
    }
    %scan3A_79 = arith.constant 20 : i32
    %add3A_80 = arith.constant 99840 : i32
    %add3A_81 = arith.addi %mul3A_2, %add3A_80 : i32
    %dma_wait3A = arith.constant 1 : i32
    %dma_wait3A_82 = arith.constant 0 : i32
    %dma_wait3A_83 = arith.constant 0 : i32
    %dma_wait3A_84 = tpu.memref_slice %arg9[%dma_wait3A, %dma_wait3A_82, %dma_wait3A_83] : memref<2x2560x16xf32, #tpu.memory_space<vmem>> -> memref<1x2560x16xf32, #tpu.memory_space<vmem>>
    %dma_wait3A_85 = tpu.memref_squeeze %dma_wait3A_84 : memref<1x2560x16xf32, #tpu.memory_space<vmem>> -> memref<2560x16xf32, #tpu.memory_space<vmem>>
    %dma_wait3A_86 = arith.constant 0 : i32
    %dma_wait3A_87 = tpu.memref_slice %arg5[%add3A_81, %dma_wait3A_86] : memref<3276800x16xf32, #tpu.memory_space<hbm>> -> memref<2560x16xf32, #tpu.memory_space<hbm>>
    %dma_wait3A_88 = arith.constant 0 : i32
    %dma_wait3A_89 = tpu.memref_slice %arg5[%add3A_81, %dma_wait3A_88] : memref<3276800x16xf32, #tpu.memory_space<hbm>> -> memref<2560x16xf32, #tpu.memory_space<hbm>>
    %dma_wait3A_90 = arith.constant 0 : i32
    %dma_wait3A_91 = arith.constant 0 : i32
    %dma_wait3A_92 = tpu.memref_slice %arg9[%dma_wait3A, %dma_wait3A_90, %dma_wait3A_91] : memref<2x2560x16xf32, #tpu.memory_space<vmem>> -> memref<1x2560x16xf32, #tpu.memory_space<vmem>>
    %dma_wait3A_93 = tpu.memref_squeeze %dma_wait3A_92 : memref<1x2560x16xf32, #tpu.memory_space<vmem>> -> memref<2560x16xf32, #tpu.memory_space<vmem>>
    tpu.wait_dma2 semaphore(%arg15 : memref<!tpu.dma_semaphore, #tpu.memory_space<semaphore_mem>>) src(%dma_wait3A_93 : memref<2560x16xf32, #tpu.memory_space<vmem>>) dst(%dma_wait3A_89 : memref<2560x16xf32, #tpu.memory_space<hbm>>)
    return
  }
}

</mosaic_0001>

<sc_bundles>
// kernel: _multi_hash_embed.3.cloned.1.call-start
scs
__scs_entry_jumppad:
0x0: {  	(pc) =	sbr.rel $0x88, $3  }
0x1: {  	(tag) =	ssettag $0x0;
	lr =	simm.s32 $0x1  }
0x2: {  	[smem:$0x3F9E] =	sst lr;
	_ =	strace $0xD0000000  }
0x3: {  	_ = 	snop  }
0x4: {  	_ = 	snop  }
0x5: {  	_ = 	snop  }
0x6: {  	_ = 	snop  }
0x7: {  	_ = 	snop  }
__scs_overlays_trampoline_lowered:
0x8: {  	[smem:$0x3FAD] =	sst s0  }
0x9: {  	[smem:$0x3FAE] =	sst s1  }
0xa: {  	[smem:$0x3FAF] =	sst s2  }
0xb: {  	[smem:$0x3FB0] =	sst s3  }
0xc: {  	[smem:$0x3FB1] =	sst s4  }
0xd: {  	[smem:$0x3FB2] =	sst s5  }
0xe: {  	[smem:$0x3FB3] =	sst s6  }
0xf: {  	[smem:$0x3FB4] =	sst s7  }
0x10: {  	[smem:$0x3FB5] =	sst s8  }
0x11: {  	[smem:$0x3FB6] =	sst s9;
	s0 =	simm.s32 @!p0 $0x0  }
0x12: {  	s1 =	sld [smem:$0x3F9C];
	s0 =	simm.s32 @p0 $0x1  }
0x13: {  	[smem:$0x3FB7] =	sst s0;
	s0 =	simm.s32 @!p1 $0x0  }
0x14: {  	s2 =	sld [smem:$0x3F9B];
	s0 =	simm.s32 @p1 $0x1  }
0x15: {  	[smem:$0x3FB8] =	sst s0;
	s0 =	simm.s32 @!p2 $0x0  }
0x16: {  	s3 =	sld [smem:$0x3FDB];
	s0 =	simm.s32 @p2 $0x1  }
0x17: {  	s4 =	simm.s32 $0x1BF5;
	[smem:$0x3FBA] =	sst s0  }
0x18: {  	s0 =	sld [smem:$0x3F9D];
	_ =	swait.ge [sflag:s4], $0x0  }
0x19: {  	s7 =	sld [smem:$0x3F9E]  }
0x1a: {  	s8 =	sadd.s32 $0xFFFFE003, lr  }
0x1b: {  	s9 =	sadd.s32 $0xFFFFFEF7, lr;
	s5 =	simm.s32 $0xFFFFFFFF;
	p2 =	slt.u32 s8, $0xFFFFF086  }
0x1c: {  	p1 =	slt.u32 s9, $0xF7A;
	s5 =	simm.s32 @!p2 $0x0  }
0x1d: {  	s5 =	simm.s32 @p1 $0x1;
	p0 =	seq.s32 s7, s2  }
0x1e: {  	s7 =	smul.u32 @!p0 $0xF7A, s2;
	p2 =	seq.s32 @!p0 s5, $0x0  }
0x1f: {  	s9 =	smul.u32 $0xF7A, s1;
	s8 =	simm.s32 @!p0 $0x1BF5;
	p2 =	por !p2, p0  }
0x20: {  	[sflag:s8] =	ssyncset.s32 @!p0 $0xFFFFF086;
	s6 =	sadd.s32 @!p0 s3, s7;
	s7 =	simm.s32 @!p0 $0x108  }
0x21: {  	s3 =	sadd.s32 s3, s9;
	s6 =	sadd.s32 @!p0 $0x88, s6;
	s7 =	simm.s32 @p2 $0x1082  }
0x22: {  	[simem:s7], [sflag:s8] =	dma.local @!p0 [hbm:s6], $0xF7A  }
0x23: {  	s9 =	sor.u32 $0xD0000000, s2;
	s6 =	simm.s32 $0x108;
	_ =	swait.ge @!p0 [sflag:s8], $0x0  }
0x24: {  	s3 =	sadd.s32 $0x88, s3;
	s6 =	simm.s32 @!p1 $0x1082;
	[sflag:s4] =	ssyncset.s32 $0xFFFFF086  }
0x25: {  	[simem:s6], [sflag:s4] =	dma.local [hbm:s3], $0xF7A  }
0x26: {  	[smem:$0x3F9E] =	sst s1;
	(tag) =	ssettag s2;
	_ =	strace s9  }
0x27: {  	s1 =	sld [smem:$0x3FAE]  }
0x28: {  	s2 =	sld [smem:$0x3FAF]  }
0x29: {  	s4 =	sld [smem:$0x3FB1]  }
0x2a: {  	p0 =	seq.s32 s5, $0x0;
	s5 =	sld [smem:$0x3FB2]  }
0x2b: {  	s6 =	sld [smem:$0x3FB3]  }
0x2c: {  	s7 =	sld [smem:$0x3FB4]  }
0x2d: {  	s3 =	simm.s32 $0x108;
	s8 =	sld [smem:$0x3FB5]  }
0x2e: {  	s3 =	simm.s32 @!p0 $0x1082;
	s9 =	sld [smem:$0x3FB6]  }
0x2f: {  	lr =	sadd.s32 s0, s3;
	s0 =	sld [smem:$0x3FAD]  }
0x30: {  	s3 =	sld [smem:$0x3FB0]  }
0x31: {  	[smem:$0x3FB9] =	sst s10  }
0x32: {  	s10 =	sld [smem:$0x3FB7];
	_ =	sdelay $0x3  }
0x33: {  	p0 =	seq.s32 s10, $0x1;
	s10 =	sld [smem:$0x3FB9];
	_ =	sdelay $0x3  }
0x34: {  	[smem:$0x3FB9] =	sst s10  }
0x35: {  	s10 =	sld [smem:$0x3FB8];
	_ =	sdelay $0x3  }
0x36: {  	p1 =	seq.s32 s10, $0x1;
	s10 =	sld [smem:$0x3FB9];
	_ =	sdelay $0x3  }
0x37: {  	[smem:$0x3FB9] =	sst s10  }
0x38: {  	s10 =	sld [smem:$0x3FBA]  }
0x39: {  	_ = 	snop;
	(pc) =	sbr.ind lr, $3  }
0x3a: {  	_ = 	snop  }
0x3b: {  	_ = 	snop  }
0x3c: {  	p2 =	seq.s32 s10, $0x1;
	s10 =	sld [smem:$0x3FB9]  }
0x3d: {  	_ =	shalt  }
0x3e: {  	_ =	shalt  }
0x3f: {  	_ =	shalt  }
0x40: {  	_ =	shalt  }
0x41: {  	_ =	shalt  }
0x42: {  	_ =	shalt  }
0x43: {  	_ =	shalt  }
0x44: {  	_ =	shalt  }
0x45: {  	_ =	shalt  }
0x46: {  	_ =	shalt  }
0x47: {  	_ =	shalt  }
0x48: {  	_ =	shalt  }
0x49: {  	_ =	shalt  }
0x4a: {  	_ =	shalt  }
0x4b: {  	_ =	shalt  }
0x4c: {  	_ =	shalt  }
0x4d: {  	_ =	shalt  }
0x4e: {  	_ =	shalt  }
0x4f: {  	_ =	shalt  }
0x50: {  	_ =	shalt  }
0x51: {  	_ =	shalt  }
0x52: {  	_ =	shalt  }
0x53: {  	_ =	shalt  }
0x54: {  	_ =	shalt  }
0x55: {  	_ =	shalt  }
0x56: {  	_ =	shalt  }
0x57: {  	_ =	shalt  }
0x58: {  	_ =	shalt  }
0x59: {  	_ =	shalt  }
0x5a: {  	_ =	shalt  }
0x5b: {  	_ =	shalt  }
0x5c: {  	_ =	shalt  }
0x5d: {  	_ =	shalt  }
0x5e: {  	_ =	shalt  }
0x5f: {  	_ =	shalt  }
0x60: {  	_ =	shalt  }
0x61: {  	_ =	shalt  }
0x62: {  	_ =	shalt  }
0x63: {  	_ =	shalt  }
0x64: {  	_ =	shalt  }
0x65: {  	_ =	shalt  }
0x66: {  	_ =	shalt  }
0x67: {  	_ =	shalt  }
0x68: {  	_ =	shalt  }
0x69: {  	_ =	shalt  }
0x6a: {  	_ =	shalt  }
0x6b: {  	_ =	shalt  }
0x6c: {  	_ =	shalt  }
0x6d: {  	_ =	shalt  }
0x6e: {  	_ =	shalt  }
0x6f: {  	_ =	shalt  }
0x70: {  	_ =	shalt  }
0x71: {  	_ =	shalt  }
0x72: {  	_ =	shalt  }
0x73: {  	_ =	shalt  }
0x74: {  	_ =	shalt  }
0x75: {  	_ =	shalt  }
0x76: {  	_ =	shalt  }
0x77: {  	_ =	shalt  }
0x78: {  	_ =	shalt  }
0x79: {  	_ =	shalt  }
0x7a: {  	_ =	shalt  }
0x7b: {  	_ =	shalt  }
0x7c: {  	_ =	shalt  }
0x7d: {  	_ =	shalt  }
0x7e: {  	_ =	shalt  }
0x7f: {  	_ =	shalt  }
0x80: {  	_ =	shalt  }
0x81: {  	_ =	shalt  }
0x82: {  	_ =	shalt  }
0x83: {  	_ =	shalt  }
0x84: {  	_ =	shalt  }
0x85: {  	_ =	shalt  }
0x86: {  	_ =	shalt  }
0x87: {  	_ =	shalt  }
.Lfunc_end0:
.L_simem_size_0:
called_computation.1_lowered:
.L_overlay_start_0:
0x88: {  	s2 =	sld [smem:$0x3FD9]  }
0x89: {  	s3 =	sld [smem:$0x3FFE];
	_ =	sdelay $0x1  }
0x8a: {  	s1 =	srdreg.scid  }
0x8b: {  	s0 =	sand.u32 $0x1, s1  }
0x8c: {  	s17 =	sshll.u32 s0, $0xA;
	s2 =	sadd.s32 s3, s2  }
0x8d: {  	s2 =	sadd.s32 s2, s17  }
0x8e: {  	[smem:$0x3FC5] =	sst s2  }
0x8f: {  	_ = 	snop  }
0x90: {  	s2 =	sld [smem:$0x3FC9]  }
0x91: {  	s18 =	sld [smem:$0x3FD0];
	(tm) =	ssettm $0x1  }
0x92: {  	s4 =	sld [smem:$0x3FFB];
	_ =	sdelay $0x3  }
0x93: {  	_ =	strace s4  }
0x94: {  	s4 =	sld [smem:$0x3FFC];
	_ =	sdelay $0x3  }
0x95: {  	_ =	strace s4  }
0x96: {  	s4 =	sld [smem:$0x3FFD];
	_ =	sdelay $0x3  }
0x97: {  	_ =	strace s4  }
0x98: {  	_ =	strace $0x8FFFFFFF  }
0x99: {  	s19 =	sld [smem:$0x3FDB];
	_ =	sdelay $0x1  }
0x9a: {  	s5 =	simm.s32 $_scs_section_size  }
0x9b: {  	s6 =	simm.s32 $_size__tile_overlayer_lowered;
	s7 =	simm.s32 $_tile_overlayer_lowered  }
0x9c: {  	s22 =	simm.s32 $0x1BFF;
	s21 =	sshll.u32 s7, $0x1;
	s4 =	sadd.s32 s5, s19  }
0x9d: {  	s8 =	simm.s32 $0x0;
	s20 =	sshll.u32 s6, $0x1;
	s6 =	sadd.s32 s21, s4  }
0x9e: {  	[timem:s8], [sflag:s22] =	dma.local [hbm:s6], s20  }
0x9f: {  	_ =	swait.ge [sflag:s22], s20  }
0xa0: {  	s5 =	ssub.s32 $0x0, s20;
	[sflag:s22] =	ssyncset.done $0x0  }
0xa1: {  	[sflag:s22] =	ssyncadd.s32 s5;
	_ =	sdelay $0x1  }
0xa2: {  	s23 =	simm.s32 $0x1B8B  }
0xa3: {  	_ =	swait.ge [sflag:s23], $0x1  }
0xa4: {  	[sflag:s23] =	ssyncset.done $0x0  }
0xa5: {  	s25 =	simm.s32 $0x1B8E;
	s24 =	sld [smem:$0x3FFE];
	[sflag:s23] =	ssyncadd.s32 $0xFFFFFFFF  }
0xa6: {  	s26 =	simm.s32 $execute0_lowered;
	[smem:$0x3FD2] =	sst s25  }
0xa7: {  	s6 =	sshll.u32 s26, $0x1;
	_ =	strace $0x80000046;
	[dreg:$0x1] =	wrdreg $0xFFFFFFFF  }
0xa8: {  	s28 =	simm.s32 $_size_execute0_lowered;
	s4 =	sadd.s32 s4, s6;
	[dreg:$0x0] =	wrdreg $0x0  }
0xa9: {  	s6 =	sshll.u32 s28, $0x1;
	[dreg:$0x2] =	wrdreg s4  }
0xaa: {  	[dreg:$0x3] =	wrdreg s6  }
0xab: {  	[dreg:$0x4] =	wrdreg $0xC0  }
0xac: {  	_ =	task [dreg:s8], $0x5FFFF  }
0xad: {  	[dreg:$0x1] =	wrdreg $0xFFFFFFFF  }
0xae: {  	[dreg:$0x0] =	wrdreg $0x60  }
0xaf: {  	[dreg:$0x2] =	wrdreg s2  }
0xb0: {  	[dreg:$0x3] =	wrdreg s24  }
0xb1: {  	[dreg:$0x4] =	wrdreg s18  }
0xb2: {  	[dreg:$0x5] =	wrdreg $0x9  }
0xb3: {  	_ =	task.clear_ibuf [dreg:s8], $0x6FFFF;
	_ =	strace $0x90000046  }
0xb4: {  	s29 =	simm.s32 $0x9;
	_ =	strace $0x80000048  }
0xb5: {  	_ =	swait.ge [sflag:s29], $0x1  }
0xb6: {  	[sflag:s29] =	ssyncadd.s32 $0xFFFFFFFF  }
0xb7: {  	_ =	strace $0x90000048  }
0xb8: {  	_ =	sfence  }
0xb9: {  	s30 =	sld [smem:$0x0];
	_ =	sdelay $0x2  }
0xba: {  	s31 =	sshll.u32 s1, $0xD;
	s1 =	sshrl.u32 s1, $0x2  }
0xbb: {  	s3 =	sand.u32 $0x4000, s31;
	s1 =	sadd.s32 s1, s30  }
0xbc: {  	s0 =	sor.u32 s3, s0;
	s1 =	sshll.u32 s1, $0x11  }
0xbd: {  	s0 =	sor.u32 s1, s0  }
0xbe: {  	s0 =	sadd.s32 $0x8F2B, s0  }
0xbf: {  	[sflag:s0] =	ssyncadd.remote.s32 $0x1  }
0xc0: {  	_ =	sfence.sel $0xFFFF  }
0xc1: {  	[dreg:$0x0] =	wrdreg $0xFFFFFFFF;
	(pc) =	sbr.abs _section_cstart, $3  }
0xc2: {  	[dreg:$0x1] =	wrdreg $0xFFFFFFFF  }
0xc3: {  	_ =	task.clear_ibuf [dreg:s8], $0x2FFFF;
	_ =	strace $0x9FFFFFFF  }
0xc4: {  	(tm) =	ssettm $0x7FFFFFFF  }
0xc5: {  	_ =	shalt  }
tec
execute0_lowered:
.L_overlay_start_1:
0x0: {  	(tag) =	ssettag $0x1  }
0x1: {  	s17 =	rddreg [dreg:$0x0]  }
0x2: {  	s0 =	rddreg [dreg:$0x1]  }
0x3: {  	s1 =	srdreg.scid;
	s2 =	stileid.u32  }
0x4: {  	s3 =	rddreg [dreg:$0x2];
	s4 =	simm.s32 $0x0;
	s12 =	simm.s32 $0x7  }
0x5: {  	s13 =	simm.s32 $0x200;
	s15 =	simm.s32 $0x3C00;
	s21 =	simm.s32 $0x9C00  }
0x6: {  	s23 =	simm.s32 $0xBC00;
	s19 =	simm.s32 $0xA00;
	s29 =	simm.s32 $0xFC00  }
0x7: {  	s31 =	simm.s32 $0x11C00;
	s11 =	simm.s32 $0x15C00;
	s16 =	simm.s32 $0x1  }
0x8: {  	s24 =	simm.s32 $0x3;
	s28 =	simm.s32 $0x2;
	s14 =	simm.s32 $0x4  }
0x9: {  	s8 =	simm.s32 $0x0;
	s1 =	sand.u32 $0x1, s1;
	s2 =	sshll.u32 s2, $0x1  }
0xa: {  	[smem:$0x7FF] =	sst s4;
	s6 =	sadd.s32 $0xF42C00, s0;
	s2 =	sor.u32 s1, s2  }
0xb: {  	s7 =	sadd.s32 $0x112B200, s0;
	s1 =	ssub.s32 $0x2, s1;
	s5 =	smul.u32 $0x19000, s2  }
.Ltmp0:
0xc: {  	_ =	strace $0x80000047;
	s25 =	sshrl.u32 s1, $0x1;
	(pc) =	sbr.rel .LBB2_1-.Ltmp0, $4  }
0xd: {  	s0 =	ssub.s32 s1, s25;
	s25 =	simm.s32 $0x5;
	s30 =	sadd.s32 $0x1400, s5  }
0xe: {  	s2 =	sshrl.u32 s5, $0x3;
	s0 =	smax.u32 s0, $0x1;
	[dreg:$0x5] =	wrdreg s30  }
0xf: {  	s9 =	sor.u32 $0xA00, s5;
	s26 =	sadd.s32 s17, s2;
	[dreg:$0x6] =	wrdreg s0  }
0x10: {  	s0 =	simm.s32 $0x13C00;
	[dreg:$0x4] =	wrdreg s26;
	s26 =	simm.s32 $0xDC00  }
.LBB2_12:
0x11: {  	s2 =	simm.s32 $0x6  }
0x12: {  	_ =	swait.ge [sflag:s2], $0xA000  }
0x13: {  	s8 =	rddreg [dreg:$0x7]  }
0x14: {  	s1 =	rddreg [dreg:$0x6];
	s8 =	sadd.s32 $0x1, s8  }
0x15: {  	p0 =	sne.s32 s8, s1  }
.Ltmp1:
0x16: {  	_ = 	snop;
	(pc) =	sbr.rel @!p0 .LBB2_13-.Ltmp1, $3  }
0x17: {  	_ =	sdelay $0x1  }
0x18: {  	[sflag:s2] =	ssyncset.done $0x0  }
0x19: {  	[sflag:s2] =	ssyncadd.s32 $0xFFFF6000  }
.LBB2_1:
0x1a: {  	[dreg:$0x7] =	wrdreg s8  }
0x1b: {  	s1 =	rddreg [dreg:$0x4]  }
0x1c: {  	[tilespmem:s4], [sflag:$0x7] =	stream.linear.gather [hbm4b:s1+s4], $0xA00, $0x38;
	[tilespmem:$0x17C00] =	vst v63  }
0x1d: {  	_ =	swait.ge [sflag:s12], $0xA00  }
0x1e: {  	[sflag:s12] =	ssyncset.done $0x0  }
0x1f: {  	s30 =	simm.s32 $0x20;
	[sflag:s12] =	ssyncadd.s32 $0xFFFFF600  }
0x20: {  	v0 =	vld [tilespmem:s30+$0xFFFFFFE0];
	_ =	sdelay $0x4  }
0x21: {  	v0 =	vmul.u32 $0x9E3779B1, v0;
	_ =	sdelay $0x1  }
0x22: {  	v1 =	vxor.u32 $0x9E3779B9, v0  }
0x23: {  	v0 =	vxor.u32 $0x3C6EF372, v0;
	v2 =	vshrl.u32 v1, $0x10  }
0x24: {  	v3 =	vshrl.u32 v0, $0x10;
	v1 =	vxor.u32 v1, v2  }
0x25: {  	v0 =	vxor.u32 v0, v3;
	v1 =	vmul.u32 $0x85EBCA6B, v1  }
0x26: {  	v0 =	vmul.u32 $0x85EBCA6B, v0  }
0x27: {  	v2 =	vshrl.u32 v1, $0xD  }
0x28: {  	v3 =	vshrl.u32 v0, $0xD;
	v1 =	vxor.u32 v1, v2  }
0x29: {  	v0 =	vxor.u32 v0, v3;
	v2 =	vshrl.u32 v1, $0x10  }
0x2a: {  	v3 =	vshrl.u32 v0, $0x10;
	v2 =	vcvt.s32.f32 v2  }
0x2b: {  	v3 =	vcvt.s32.f32 v3  }
0x2c: {  	v2 =	vmul.f32 $6.553599980e-02, v2  }
0x2d: {  	v3 =	vmul.f32 $6.553599980e-02, v3  }
0x2e: {  	v2 =	vtrunc.f32 v2  }
0x2f: {  	v3 =	vtrunc.f32 v3;
	v2 =	vcvt.f32.s32 v2  }
0x30: {  	v3 =	vcvt.f32.s32 v3  }
0x31: {  	v2 =	vmul.u32 $0xFFF0BDC0, v2  }
0x32: {  	v3 =	vmul.u32 $0xFFF0BDC0, v3  }
0x33: {  	v1 =	vadd.s32 v1, v2  }
0x34: {  	v0 =	vadd.s32 v0, v3;
	vm0 =	vlt.s32 v1, $0x0;
	v2 =	vadd.s32 $0xF4240, v1  }
0x35: {  	vm1 =	vlt.s32 v0, $0x0;
	v1 =	vsel vm0, v2, v1;
	v2 =	vadd.s32 $0xF4240, v0  }
0x36: {  	vm0 =	vgt.s32 v1, $0xF423F;
	v3 =	vadd.s32 $0xFFF0BDC0, v1;
	v0 =	vsel vm1, v2, v0  }
0x37: {  	s2 =	simm.s32 $0x1400;
	v1 =	vsel vm0, v3, v1;
	vm0 =	vgt.s32 v0, $0xF423F;
	v2 =	vadd.s32 $0xFFF0BDC0, v0  }
0x38: {  	s8 =	simm.s32 $0x2800;
	v0 =	vsel vm0, v2, v0;
	[tilespmem:s2+$0x0] =	vst v1  }
0x39: {  	[tilespmem:s8+$0x0] =	vst v0  }
0x3a: {  	v0 =	vld [tilespmem:s30+$0xFFFFFFF0];
	_ =	sdelay $0x4  }
0x3b: {  	v0 =	vmul.u32 $0x9E3779B1, v0;
	_ =	sdelay $0x1  }
0x3c: {  	v1 =	vxor.u32 $0x9E3779B9, v0  }
0x3d: {  	v0 =	vxor.u32 $0x3C6EF372, v0;
	v2 =	vshrl.u32 v1, $0x10  }
0x3e: {  	v3 =	vshrl.u32 v0, $0x10;
	v1 =	vxor.u32 v1, v2  }
0x3f: {  	v0 =	vxor.u32 v0, v3;
	v1 =	vmul.u32 $0x85EBCA6B, v1  }
0x40: {  	v0 =	vmul.u32 $0x85EBCA6B, v0  }
0x41: {  	v2 =	vshrl.u32 v1, $0xD  }
0x42: {  	v3 =	vshrl.u32 v0, $0xD;
	v1 =	vxor.u32 v1, v2  }
0x43: {  	v0 =	vxor.u32 v0, v3;
	v2 =	vshrl.u32 v1, $0x10  }
0x44: {  	v3 =	vshrl.u32 v0, $0x10;
	v2 =	vcvt.s32.f32 v2  }
0x45: {  	v3 =	vcvt.s32.f32 v3  }
0x46: {  	v2 =	vmul.f32 $6.553599980e-02, v2  }
0x47: {  	v3 =	vmul.f32 $6.553599980e-02, v3  }
0x48: {  	v2 =	vtrunc.f32 v2  }
0x49: {  	v3 =	vtrunc.f32 v3;
	v2 =	vcvt.f32.s32 v2  }
0x4a: {  	v3 =	vcvt.f32.s32 v3  }
0x4b: {  	v2 =	vmul.u32 $0xFFF0BDC0, v2  }
0x4c: {  	v3 =	vmul.u32 $0xFFF0BDC0, v3  }
0x4d: {  	v1 =	vadd.s32 v1, v2  }
0x4e: {  	v0 =	vadd.s32 v0, v3;
	vm0 =	vlt.s32 v1, $0x0;
	v2 =	vadd.s32 $0xF4240, v1  }
0x4f: {  	s10 =	simm.s32 $0x0;
	s18 =	simm.s32 $0x10;
	vm1 =	vlt.s32 v0, $0x0;
	v1 =	vsel vm0, v2, v1;
	v2 =	vadd.s32 $0xF4240, v0  }
0x50: {  	s10 =	sand.u32 $0xE00, s10;
	s20 =	sand.u32 $0x1D0, s18;
	vm0 =	vgt.s32 v1, $0xF423F;
	v3 =	vadd.s32 $0xFFF0BDC0, v1;
	v0 =	vsel vm1, v2, v0  }
0x51: {  	s2 =	sor.u32 s10, s20;
	v1 =	vsel vm0, v3, v1;
	vm0 =	vgt.s32 v0, $0xF423F;
	v2 =	vadd.s32 $0xFFF0BDC0, v0  }
0x52: {  	v0 =	vsel vm0, v2, v0;
	[tilespmem:s2+$0x1400] =	vst v1  }
0x53: {  	[tilespmem:s2+$0x2800] =	vst v0  }
0x54: {  	v0 =	vld [tilespmem:s30+$0x0];
	_ =	sdelay $0x4  }
0x55: {  	v0 =	vmul.u32 $0x9E3779B1, v0;
	_ =	sdelay $0x1  }
0x56: {  	v1 =	vxor.u32 $0x9E3779B9, v0  }
0x57: {  	v0 =	vxor.u32 $0x3C6EF372, v0;
	v2 =	vshrl.u32 v1, $0x10  }
0x58: {  	v3 =	vshrl.u32 v0, $0x10;
	v1 =	vxor.u32 v1, v2  }
0x59: {  	v0 =	vxor.u32 v0, v3;
	v1 =	vmul.u32 $0x85EBCA6B, v1  }
0x5a: {  	v0 =	vmul.u32 $0x85EBCA6B, v0  }
0x5b: {  	v2 =	vshrl.u32 v1, $0xD  }
0x5c: {  	v3 =	vshrl.u32 v0, $0xD;
	v1 =	vxor.u32 v1, v2  }
0x5d: {  	v0 =	vxor.u32 v0, v3;
	v2 =	vshrl.u32 v1, $0x10  }
0x5e: {  	v3 =	vshrl.u32 v0, $0x10;
	v2 =	vcvt.s32.f32 v2  }
0x5f: {  	v3 =	vcvt.s32.f32 v3  }
0x60: {  	v2 =	vmul.f32 $6.553599980e-02, v2  }
0x61: {  	v3 =	vmul.f32 $6.553599980e-02, v3  }
0x62: {  	v2 =	vtrunc.f32 v2  }
0x63: {  	v3 =	vtrunc.f32 v3;
	v2 =	vcvt.f32.s32 v2  }
0x64: {  	v3 =	vcvt.f32.s32 v3  }
0x65: {  	v2 =	vmul.u32 $0xFFF0BDC0, v2  }
0x66: {  	v3 =	vmul.u32 $0xFFF0BDC0, v3  }
0x67: {  	v1 =	vadd.s32 v1, v2  }
0x68: {  	v0 =	vadd.s32 v0, v3;
	vm0 =	vlt.s32 v1, $0x0;
	v2 =	vadd.s32 $0xF4240, v1  }
0x69: {  	s22 =	simm.s32 $0x20;
	vm1 =	vlt.s32 v0, $0x0;
	v1 =	vsel vm0, v2, v1;
	v2 =	vadd.s32 $0xF4240, v0  }
0x6a: {  	s2 =	sand.u32 $0x1E0, s22;
	vm0 =	vgt.s32 v1, $0xF423F;
	v3 =	vadd.s32 $0xFFF0BDC0, v1;
	v0 =	vsel vm1, v2, v0  }
0x6b: {  	s2 =	sor.u32 s10, s2;
	v1 =	vsel vm0, v3, v1;
	vm0 =	vgt.s32 v0, $0xF423F;
	v2 =	vadd.s32 $0xFFF0BDC0, v0  }
0x6c: {  	v0 =	vsel vm0, v2, v0;
	[tilespmem:s2+$0x1400] =	vst v1  }
0x6d: {  	[tilespmem:s2+$0x2800] =	vst v0  }
0x6e: {  	v0 =	vld [tilespmem:s30+$0x10];
	_ =	sdelay $0x4  }
0x6f: {  	v0 =	vmul.u32 $0x9E3779B1, v0;
	_ =	sdelay $0x1  }
0x70: {  	v1 =	vxor.u32 $0x9E3779B9, v0  }
0x71: {  	v0 =	vxor.u32 $0x3C6EF372, v0;
	v2 =	vshrl.u32 v1, $0x10  }
0x72: {  	v3 =	vshrl.u32 v0, $0x10;
	v1 =	vxor.u32 v1, v2  }
0x73: {  	v0 =	vxor.u32 v0, v3;
	v1 =	vmul.u32 $0x85EBCA6B, v1  }
0x74: {  	v0 =	vmul.u32 $0x85EBCA6B, v0  }
0x75: {  	v2 =	vshrl.u32 v1, $0xD  }
0x76: {  	v3 =	vshrl.u32 v0, $0xD;
	v1 =	vxor.u32 v1, v2  }
0x77: {  	v0 =	vxor.u32 v0, v3;
	v2 =	vshrl.u32 v1, $0x10  }
0x78: {  	v3 =	vshrl.u32 v0, $0x10;
	v2 =	vcvt.s32.f32 v2  }
0x79: {  	v3 =	vcvt.s32.f32 v3  }
0x7a: {  	v2 =	vmul.f32 $6.553599980e-02, v2  }
0x7b: {  	v3 =	vmul.f32 $6.553599980e-02, v3  }
0x7c: {  	v2 =	vtrunc.f32 v2  }
0x7d: {  	v3 =	vtrunc.f32 v3;
	v2 =	vcvt.f32.s32 v2  }
0x7e: {  	v3 =	vcvt.f32.s32 v3  }
0x7f: {  	v2 =	vmul.u32 $0xFFF0BDC0, v2  }
0x80: {  	v3 =	vmul.u32 $0xFFF0BDC0, v3  }
0x81: {  	s2 =	simm.s32 $0x30;
	v1 =	vadd.s32 v1, v2  }
0x82: {  	s20 =	simm.s32 $0x60;
	s8 =	simm.s32 $0x0;
	s30 =	sand.u32 $0x1F0, s2;
	v0 =	vadd.s32 v0, v3;
	vm1 =	vlt.s32 v1, $0x0;
	v2 =	vadd.s32 $0xF4240, v1  }
0x83: {  	s22 =	simm.s32 $0x2800;
	s1 =	sor.u32 s10, s30;
	s10 =	simm.s32 $0x1440;
	vm0 =	vlt.s32 v0, $0x0;
	v1 =	vsel vm1, v2, v1;
	v2 =	vadd.s32 $0xF4240, v0  }
.LBB2_2:
0x84: {  	s8 =	sadd.s32 $0x4, s8;
	vm1 =	vgt.s32 v1, $0xF423F;
	v3 =	vadd.s32 $0xFFF0BDC0, v1;
	v0 =	vsel vm0, v2, v0;
	s2 =	sadd.s32 $0x40, s2;
	s22 =	sadd.s32 $0x40, s22  }
0x85: {  	p0 =	slt.u32 s8, $0x9C;
	v1 =	vsel vm1, v3, v1;
	vm0 =	vgt.s32 v0, $0xF423F;
	v2 =	vadd.s32 $0xFFF0BDC0, v0  }
0x86: {  	v0 =	vsel vm0, v2, v0;
	[tilespmem:s1+$0x1400] =	vst v1  }
0x87: {  	[tilespmem:s1+$0x2800] =	vst v0  }
0x88: {  	v0 =	vld [tilespmem:s20+$0xFFFFFFE0];
	_ =	sdelay $0x4  }
0x89: {  	v0 =	vmul.u32 $0x9E3779B1, v0;
	_ =	sdelay $0x1  }
0x8a: {  	v1 =	vxor.u32 $0x9E3779B9, v0;
	v0 =	vxor.u32 $0x3C6EF372, v0  }
0x8b: {  	v2 =	vshrl.u32 v1, $0x10;
	v3 =	vshrl.u32 v0, $0x10  }
0x8c: {  	v1 =	vxor.u32 v1, v2;
	v0 =	vxor.u32 v0, v3  }
0x8d: {  	v1 =	vmul.u32 $0x85EBCA6B, v1;
	v0 =	vmul.u32 $0x85EBCA6B, v0;
	_ =	sdelay $0x1  }
0x8e: {  	v2 =	vshrl.u32 v1, $0xD;
	v3 =	vshrl.u32 v0, $0xD  }
0x8f: {  	v1 =	vxor.u32 v1, v2;
	v0 =	vxor.u32 v0, v3  }
0x90: {  	v2 =	vshrl.u32 v1, $0x10;
	v3 =	vshrl.u32 v0, $0x10  }
0x91: {  	v2 =	vcvt.s32.f32 v2;
	v3 =	vcvt.s32.f32 v3;
	_ =	sdelay $0x1  }
0x92: {  	v2 =	vmul.f32 $6.553599980e-02, v2;
	v3 =	vmul.f32 $6.553599980e-02, v3;
	_ =	sdelay $0x1  }
0x93: {  	v2 =	vtrunc.f32 v2;
	v3 =	vtrunc.f32 v3  }
0x94: {  	v2 =	vcvt.f32.s32 v2;
	v3 =	vcvt.f32.s32 v3;
	_ =	sdelay $0x1  }
0x95: {  	v2 =	vmul.u32 $0xFFF0BDC0, v2;
	v3 =	vmul.u32 $0xFFF0BDC0, v3;
	_ =	sdelay $0x1  }
0x96: {  	v1 =	vadd.s32 v1, v2;
	v0 =	vadd.s32 v0, v3  }
0x97: {  	vm0 =	vlt.s32 v1, $0x0;
	v2 =	vadd.s32 $0xF4240, v1;
	vm1 =	vlt.s32 v0, $0x0  }
0x98: {  	v1 =	vsel vm0, v2, v1;
	v2 =	vadd.s32 $0xF4240, v0  }
0x99: {  	vm0 =	vgt.s32 v1, $0xF423F;
	v3 =	vadd.s32 $0xFFF0BDC0, v1;
	v0 =	vsel vm1, v2, v0  }
0x9a: {  	v1 =	vsel vm0, v3, v1;
	vm0 =	vgt.s32 v0, $0xF423F;
	v2 =	vadd.s32 $0xFFF0BDC0, v0  }
0x9b: {  	v0 =	vsel vm0, v2, v0;
	[tilespmem:s10+$0x0] =	vst v1  }
0x9c: {  	[tilespmem:s22+$0x0] =	vst v0  }
0x9d: {  	v0 =	vld [tilespmem:s20+$0xFFFFFFF0];
	_ =	sdelay $0x4  }
0x9e: {  	v0 =	vmul.u32 $0x9E3779B1, v0;
	_ =	sdelay $0x1  }
0x9f: {  	v1 =	vxor.u32 $0x9E3779B9, v0;
	v0 =	vxor.u32 $0x3C6EF372, v0  }
0xa0: {  	v2 =	vshrl.u32 v1, $0x10;
	v3 =	vshrl.u32 v0, $0x10  }
0xa1: {  	v1 =	vxor.u32 v1, v2;
	v0 =	vxor.u32 v0, v3  }
0xa2: {  	v1 =	vmul.u32 $0x85EBCA6B, v1;
	v0 =	vmul.u32 $0x85EBCA6B, v0;
	_ =	sdelay $0x1  }
0xa3: {  	v2 =	vshrl.u32 v1, $0xD;
	v3 =	vshrl.u32 v0, $0xD  }
0xa4: {  	v1 =	vxor.u32 v1, v2;
	v0 =	vxor.u32 v0, v3  }
0xa5: {  	v2 =	vshrl.u32 v1, $0x10;
	v3 =	vshrl.u32 v0, $0x10  }
0xa6: {  	v2 =	vcvt.s32.f32 v2;
	v3 =	vcvt.s32.f32 v3;
	_ =	sdelay $0x1  }
0xa7: {  	v2 =	vmul.f32 $6.553599980e-02, v2;
	v3 =	vmul.f32 $6.553599980e-02, v3;
	_ =	sdelay $0x1  }
0xa8: {  	v2 =	vtrunc.f32 v2;
	v3 =	vtrunc.f32 v3  }
0xa9: {  	v2 =	vcvt.f32.s32 v2;
	v3 =	vcvt.f32.s32 v3;
	_ =	sdelay $0x1  }
0xaa: {  	v2 =	vmul.u32 $0xFFF0BDC0, v2;
	v3 =	vmul.u32 $0xFFF0BDC0, v3;
	_ =	sdelay $0x1  }
0xab: {  	v1 =	vadd.s32 v1, v2;
	v0 =	vadd.s32 v0, v3  }
0xac: {  	vm0 =	vlt.s32 v1, $0x0;
	v2 =	vadd.s32 $0xF4240, v1;
	vm1 =	vlt.s32 v0, $0x0  }
0xad: {  	s30 =	sadd.s32 $0xFFFFFFE0, s2;
	s1 =	sadd.s32 $0xFFFFFFD0, s2;
	v1 =	vsel vm0, v2, v1;
	v2 =	vadd.s32 $0xF4240, v0  }
0xae: {  	s18 =	sand.u32 $0xE00, s1;
	s1 =	sand.u32 $0x1D0, s30;
	vm0 =	vgt.s32 v1, $0xF423F;
	v3 =	vadd.s32 $0xFFF0BDC0, v1;
	v0 =	vsel vm1, v2, v0  }
0xaf: {  	s1 =	sor.u32 s18, s1;
	v1 =	vsel vm0, v3, v1;
	vm0 =	vgt.s32 v0, $0xF423F;
	v2 =	vadd.s32 $0xFFF0BDC0, v0  }
0xb0: {  	v0 =	vsel vm0, v2, v0;
	[tilespmem:s1+$0x1400] =	vst v1  }
0xb1: {  	[tilespmem:s1+$0x2800] =	vst v0  }
0xb2: {  	v0 =	vld [tilespmem:s20+$0x0];
	_ =	sdelay $0x4  }
0xb3: {  	v0 =	vmul.u32 $0x9E3779B1, v0;
	_ =	sdelay $0x1  }
0xb4: {  	v1 =	vxor.u32 $0x9E3779B9, v0;
	v0 =	vxor.u32 $0x3C6EF372, v0  }
0xb5: {  	v2 =	vshrl.u32 v1, $0x10;
	v3 =	vshrl.u32 v0, $0x10  }
0xb6: {  	v1 =	vxor.u32 v1, v2;
	v0 =	vxor.u32 v0, v3  }
0xb7: {  	v1 =	vmul.u32 $0x85EBCA6B, v1;
	v0 =	vmul.u32 $0x85EBCA6B, v0;
	_ =	sdelay $0x1  }
0xb8: {  	v2 =	vshrl.u32 v1, $0xD;
	v3 =	vshrl.u32 v0, $0xD  }
0xb9: {  	v1 =	vxor.u32 v1, v2;
	v0 =	vxor.u32 v0, v3  }
0xba: {  	v2 =	vshrl.u32 v1, $0x10;
	v3 =	vshrl.u32 v0, $0x10  }
0xbb: {  	v2 =	vcvt.s32.f32 v2;
	v3 =	vcvt.s32.f32 v3;
	_ =	sdelay $0x1  }
0xbc: {  	v2 =	vmul.f32 $6.553599980e-02, v2;
	v3 =	vmul.f32 $6.553599980e-02, v3;
	_ =	sdelay $0x1  }
0xbd: {  	v2 =	vtrunc.f32 v2;
	v3 =	vtrunc.f32 v3  }
0xbe: {  	v2 =	vcvt.f32.s32 v2;
	v3 =	vcvt.f32.s32 v3;
	_ =	sdelay $0x1  }
0xbf: {  	v2 =	vmul.u32 $0xFFF0BDC0, v2;
	v3 =	vmul.u32 $0xFFF0BDC0, v3;
	_ =	sdelay $0x1  }
0xc0: {  	v1 =	vadd.s32 v1, v2;
	v0 =	vadd.s32 v0, v3  }
0xc1: {  	s1 =	sadd.s32 $0xFFFFFFF0, s2;
	vm0 =	vlt.s32 v1, $0x0;
	v2 =	vadd.s32 $0xF4240, v1;
	vm1 =	vlt.s32 v0, $0x0  }
0xc2: {  	s1 =	sand.u32 $0x1E0, s1;
	v1 =	vsel vm0, v2, v1;
	v2 =	vadd.s32 $0xF4240, v0  }
0xc3: {  	s1 =	sor.u32 s18, s1;
	vm0 =	vgt.s32 v1, $0xF423F;
	v3 =	vadd.s32 $0xFFF0BDC0, v1;
	v0 =	vsel vm1, v2, v0  }
0xc4: {  	v1 =	vsel vm0, v3, v1;
	vm0 =	vgt.s32 v0, $0xF423F;
	v2 =	vadd.s32 $0xFFF0BDC0, v0  }
0xc5: {  	v0 =	vsel vm0, v2, v0;
	[tilespmem:s1+$0x1400] =	vst v1  }
0xc6: {  	[tilespmem:s1+$0x2800] =	vst v0  }
0xc7: {  	v0 =	vld [tilespmem:s20+$0x10];
	_ =	sdelay $0x4  }
0xc8: {  	v0 =	vmul.u32 $0x9E3779B1, v0;
	_ =	sdelay $0x1  }
0xc9: {  	v1 =	vxor.u32 $0x9E3779B9, v0;
	v0 =	vxor.u32 $0x3C6EF372, v0  }
0xca: {  	v2 =	vshrl.u32 v1, $0x10;
	v3 =	vshrl.u32 v0, $0x10  }
0xcb: {  	v1 =	vxor.u32 v1, v2;
	v0 =	vxor.u32 v0, v3  }
0xcc: {  	v1 =	vmul.u32 $0x85EBCA6B, v1;
	v0 =	vmul.u32 $0x85EBCA6B, v0;
	_ =	sdelay $0x1  }
0xcd: {  	v2 =	vshrl.u32 v1, $0xD;
	v3 =	vshrl.u32 v0, $0xD  }
0xce: {  	v1 =	vxor.u32 v1, v2;
	v0 =	vxor.u32 v0, v3  }
0xcf: {  	v2 =	vshrl.u32 v1, $0x10;
	v3 =	vshrl.u32 v0, $0x10  }
0xd0: {  	v2 =	vcvt.s32.f32 v2;
	v3 =	vcvt.s32.f32 v3;
	_ =	sdelay $0x1  }
0xd1: {  	v2 =	vmul.f32 $6.553599980e-02, v2;
	v3 =	vmul.f32 $6.553599980e-02, v3;
	_ =	sdelay $0x1  }
0xd2: {  	v2 =	vtrunc.f32 v2;
	v3 =	vtrunc.f32 v3  }
0xd3: {  	v2 =	vcvt.f32.s32 v2;
	v3 =	vcvt.f32.s32 v3;
	_ =	sdelay $0x1  }
.Ltmp2:
0xd4: {  	v2 =	vmul.u32 $0xFFF0BDC0, v2;
	v3 =	vmul.u32 $0xFFF0BDC0, v3;
	(pc) =	sbr.rel @p0 .LBB2_2-.Ltmp2, $4  }
0xd5: {  	_ = 	snop  }
0xd6: {  	v1 =	vadd.s32 v1, v2;
	v0 =	vadd.s32 v0, v3  }
0xd7: {  	s1 =	sand.u32 $0x1F0, s2;
	vm1 =	vlt.s32 v1, $0x0;
	v2 =	vadd.s32 $0xF4240, v1;
	vm0 =	vlt.s32 v0, $0x0  }
0xd8: {  	s10 =	sadd.s32 $0x40, s10;
	s1 =	sor.u32 s18, s1;
	s20 =	sadd.s32 $0x40, s20;
	v1 =	vsel vm1, v2, v1;
	v2 =	vadd.s32 $0xF4240, v0  }
0xd9: {  	vm1 =	vgt.s32 v1, $0xF423F;
	v3 =	vadd.s32 $0xFFF0BDC0, v1;
	v0 =	vsel vm0, v2, v0  }
0xda: {  	v1 =	vsel vm1, v3, v1;
	vm0 =	vgt.s32 v0, $0xF423F;
	v2 =	vadd.s32 $0xFFF0BDC0, v0  }
0xdb: {  	v0 =	vsel vm0, v2, v0;
	[tilespmem:s1+$0x1400] =	vst v1  }
0xdc: {  	s8 =	simm.s32 $0x1400;
	[tilespmem:s1+$0x2800] =	vst v0  }
0xdd: {  	[tilespmem:s15], [sflag:$0x1] =	stream.indirect.gather [hbm4b:s6+s13], $0x10, s8, s13, $0xb8;
	[tilespmem:$0x17C00] =	vst v63  }
0xde: {  	s10 =	simm.s32 $0x1600;
	s22 =	simm.s32 $0x5C00  }
0xdf: {  	[tilespmem:s22], [sflag:$0x1] =	stream.indirect.gather [hbm4b:s6+s13], $0x10, s10, s13, $0xb8;
	[tilespmem:$0x17C00] =	vst v63  }
0xe0: {  	s18 =	simm.s32 $0x2C00;
	s2 =	simm.s32 $0x7C00  }
0xe1: {  	[tilespmem:s2], [sflag:$0x1] =	stream.indirect.gather [hbm4b:s7+s13], $0x10, s18, s13, $0xb8;
	[tilespmem:$0x17C00] =	vst v63  }
.Ltmp3:
0xe2: {  	_ = 	snop;
	(pc) =	sbr.rel .LBB2_4-.Ltmp3, $4  }
0xe3: {  	s20 =	simm.s32 $0x2E00  }
0xe4: {  	[tilespmem:s21], [sflag:$0x1] =	stream.indirect.gather [hbm4b:s7+s13], $0x10, s20, s13, $0xb8;
	[tilespmem:$0x17C00] =	vst v63  }
0xe5: {  	s30 =	simm.s32 $0x3000;
	s10 =	simm.s32 $0x0  }
0xe6: {  	[tilespmem:s23], [sflag:$0x1] =	stream.indirect.gather [hbm4b:s7+s13], $0x10, s30, s13, $0xb8;
	[tilespmem:$0x17C00] =	vst v63  }
.LBB2_10:
0xe7: {  	_ =	swait.ge [sflag:s25], $0xA000  }
0xe8: {  	[sflag:s25] =	ssyncset.done $0x0  }
0xe9: {  	[sflag:s25] =	ssyncadd.s32 $0xFFFF6000  }
.LBB2_11:
0xea: {  	_ =	swait.ge [sflag:s28], $0x2000  }
0xeb: {  	[sflag:s28] =	ssyncset.done $0x0  }
0xec: {  	s1 =	simm.s32 $0x3200;
	[sflag:s28] =	ssyncadd.s32 $0xFFFFE000  }
0xed: {  	[tilespmem:s26], [sflag:$0x4] =	stream.indirect.gather.add.f32 [hbm:s7], $0x10, s1, s13, $0xb8;
	[tilespmem:$0x17C00] =	vst v63  }
0xee: {  	_ =	swait.ge [sflag:s28], $0x2000  }
0xef: {  	[sflag:s28] =	ssyncset.done $0x0  }
0xf0: {  	s30 =	simm.s32 $0x3400;
	[sflag:s28] =	ssyncadd.s32 $0xFFFFE000  }
0xf1: {  	[tilespmem:s29], [sflag:$0x4] =	stream.indirect.gather.add.f32 [hbm:s7], $0x10, s30, s13, $0xb8;
	[tilespmem:$0x17C00] =	vst v63  }
0xf2: {  	_ =	swait.ge [sflag:s28], $0x2000  }
0xf3: {  	[sflag:s28] =	ssyncset.done $0x0  }
0xf4: {  	s8 =	simm.s32 $0x2200;
	[sflag:s28] =	ssyncadd.s32 $0xFFFFE000  }
0xf5: {  	[tilespmem:s31], [sflag:$0x4] =	stream.indirect.gather.add.f32 [hbm:s6], $0x10, s8, s13, $0xb8;
	[tilespmem:$0x17C00] =	vst v63  }
0xf6: {  	_ =	swait.ge [sflag:s28], $0x2000  }
0xf7: {  	[sflag:s28] =	ssyncset.done $0x0  }
0xf8: {  	s18 =	simm.s32 $0x2400;
	[sflag:s28] =	ssyncadd.s32 $0xFFFFE000  }
0xf9: {  	[tilespmem:s0], [sflag:$0x4] =	stream.indirect.gather.add.f32 [hbm:s6], $0x10, s18, s13, $0xb8;
	[tilespmem:$0x17C00] =	vst v63  }
0xfa: {  	_ =	swait.ge [sflag:s28], $0x2000  }
0xfb: {  	[sflag:s28] =	ssyncset.done $0x0  }
0xfc: {  	s20 =	simm.s32 $0x2600;
	[sflag:s28] =	ssyncadd.s32 $0xFFFFE000  }
0xfd: {  	[tilespmem:s11], [sflag:$0x4] =	stream.indirect.gather.add.f32 [hbm:s6], $0x10, s20, s13, $0xb8;
	[tilespmem:$0x17C00] =	vst v63  }
0xfe: {  	_ =	swait.ge [sflag:s14], $0x2000  }
0xff: {  	[sflag:s14] =	ssyncset.done $0x0  }
0x100: {  	[sflag:s14] =	ssyncadd.s32 $0xFFFFE000  }
0x101: {  	_ =	swait.ge [sflag:s14], $0x2000  }
0x102: {  	[sflag:s14] =	ssyncset.done $0x0  }
0x103: {  	[sflag:s14] =	ssyncadd.s32 $0xFFFFE000  }
0x104: {  	_ =	swait.ge [sflag:s14], $0x2000  }
0x105: {  	[sflag:s14] =	ssyncset.done $0x0  }
0x106: {  	[sflag:s14] =	ssyncadd.s32 $0xFFFFE000  }
0x107: {  	s10 =	sadd.s32 $0x1, s10;
	s30 =	smul.u32 $0xA00, s2;
	_ =	swait.ge [sflag:s14], $0x2000  }
0x108: {  	p0 =	sne.s32 s10, $0x14;
	[sflag:s14] =	ssyncset.done $0x0  }
.Ltmp4:
0x109: {  	s1 =	sadd.s32 s5, s30;
	[sflag:s14] =	ssyncadd.s32 $0xFFFFE000;
	(pc) =	sbr.rel @!p0 .LBB2_12-.Ltmp4, $4  }
0x10a: {  	s1 =	sshll.u32 s1, $0x1;
	_ =	swait.ge [sflag:s14], $0x2000  }
0x10b: {  	s1 =	sand.u32 $0x1FFFFC00, s1;
	[sflag:s14] =	ssyncset.done $0x0  }
0x10c: {  	s1 =	sadd.s32 s3, s1;
	[sflag:s14] =	ssyncadd.s32 $0xFFFFE000  }
0x10d: {  	[hbm4b:s1+s4] =	stream.linear.scatter [tilespmem:s26], [sflag:$0x6], $0xA000, $0x38;
	[tilespmem:$0x17C00] =	vst v63  }
.LBB2_4:
0x10e: {  	s30 =	smul.u32 $0x1400, s10;
	_ =	sdelay $0x1  }
0x10f: {  	s1 =	sadd.s32 s30, s9  }
0x110: {  	s1 =	sshrl.u32 s1, $0x3  }
0x111: {  	s1 =	sadd.s32 s17, s1  }
0x112: {  	[tilespmem:s19], [sflag:$0x7] =	stream.linear.gather [hbm4b:s1+s4], $0xA00, $0x38;
	[tilespmem:$0x17C00] =	vst v63  }
0x113: {  	_ =	swait.ge [sflag:s12], $0xA00  }
0x114: {  	[sflag:s12] =	ssyncset.done $0x0  }
0x115: {  	s2 =	simm.s32 $0xA30;
	[sflag:s12] =	ssyncadd.s32 $0xFFFFF600  }
0x116: {  	v0 =	vld [tilespmem:s2+$0xFFFFFFD0];
	_ =	sdelay $0x4  }
0x117: {  	v0 =	vmul.u32 $0x9E3779B1, v0;
	_ =	sdelay $0x1  }
0x118: {  	v1 =	vxor.u32 $0x9E3779B9, v0  }
0x119: {  	v0 =	vxor.u32 $0x3C6EF372, v0;
	v2 =	vshrl.u32 v1, $0x10  }
0x11a: {  	v3 =	vshrl.u32 v0, $0x10;
	v1 =	vxor.u32 v1, v2  }
0x11b: {  	v0 =	vxor.u32 v0, v3;
	v1 =	vmul.u32 $0x85EBCA6B, v1  }
0x11c: {  	v0 =	vmul.u32 $0x85EBCA6B, v0  }
0x11d: {  	v2 =	vshrl.u32 v1, $0xD  }
0x11e: {  	v3 =	vshrl.u32 v0, $0xD;
	v1 =	vxor.u32 v1, v2  }
0x11f: {  	v0 =	vxor.u32 v0, v3;
	v2 =	vshrl.u32 v1, $0x10  }
0x120: {  	v3 =	vshrl.u32 v0, $0x10;
	v2 =	vcvt.s32.f32 v2  }
0x121: {  	v3 =	vcvt.s32.f32 v3  }
0x122: {  	v2 =	vmul.f32 $6.553599980e-02, v2  }
0x123: {  	v3 =	vmul.f32 $6.553599980e-02, v3  }
0x124: {  	v2 =	vtrunc.f32 v2  }
0x125: {  	v3 =	vtrunc.f32 v3;
	v2 =	vcvt.f32.s32 v2  }
0x126: {  	v3 =	vcvt.f32.s32 v3  }
0x127: {  	v2 =	vmul.u32 $0xFFF0BDC0, v2  }
0x128: {  	v3 =	vmul.u32 $0xFFF0BDC0, v3  }
0x129: {  	v1 =	vadd.s32 v1, v2  }
0x12a: {  	s20 =	simm.s32 $0x0;
	v0 =	vadd.s32 v0, v3;
	vm0 =	vlt.s32 v1, $0x0;
	v2 =	vadd.s32 $0xF4240, v1  }
0x12b: {  	s8 =	sand.u32 $0xE00, s20;
	vm1 =	vlt.s32 v0, $0x0;
	v1 =	vsel vm0, v2, v1;
	v2 =	vadd.s32 $0xF4240, v0  }
0x12c: {  	s18 =	sand.u32 $0x1C0, s20;
	s1 =	sadd.s32 $0xA00, s8;
	vm0 =	vgt.s32 v1, $0xF423F;
	v3 =	vadd.s32 $0xFFF0BDC0, v1;
	v0 =	vsel vm1, v2, v0  }
0x12d: {  	s8 =	sor.u32 s18, s1;
	v1 =	vsel vm0, v3, v1;
	vm0 =	vgt.s32 v0, $0xF423F;
	v2 =	vadd.s32 $0xFFF0BDC0, v0  }
0x12e: {  	v0 =	vsel vm0, v2, v0;
	[tilespmem:s8+$0x1400] =	vst v1  }
0x12f: {  	[tilespmem:s8+$0x2800] =	vst v0  }
0x130: {  	v0 =	vld [tilespmem:s2+$0xFFFFFFE0];
	_ =	sdelay $0x4  }
0x131: {  	v0 =	vmul.u32 $0x9E3779B1, v0;
	_ =	sdelay $0x1  }
0x132: {  	v1 =	vxor.u32 $0x9E3779B9, v0  }
0x133: {  	v0 =	vxor.u32 $0x3C6EF372, v0;
	v2 =	vshrl.u32 v1, $0x10  }
0x134: {  	v3 =	vshrl.u32 v0, $0x10;
	v1 =	vxor.u32 v1, v2  }
0x135: {  	v0 =	vxor.u32 v0, v3;
	v1 =	vmul.u32 $0x85EBCA6B, v1  }
0x136: {  	v0 =	vmul.u32 $0x85EBCA6B, v0  }
0x137: {  	v2 =	vshrl.u32 v1, $0xD  }
0x138: {  	v3 =	vshrl.u32 v0, $0xD;
	v1 =	vxor.u32 v1, v2  }
0x139: {  	v0 =	vxor.u32 v0, v3;
	v2 =	vshrl.u32 v1, $0x10  }
0x13a: {  	v3 =	vshrl.u32 v0, $0x10;
	v2 =	vcvt.s32.f32 v2  }
0x13b: {  	v3 =	vcvt.s32.f32 v3  }
0x13c: {  	v2 =	vmul.f32 $6.553599980e-02, v2  }
0x13d: {  	v3 =	vmul.f32 $6.553599980e-02, v3  }
0x13e: {  	v2 =	vtrunc.f32 v2  }
0x13f: {  	v3 =	vtrunc.f32 v3;
	v2 =	vcvt.f32.s32 v2  }
0x140: {  	v3 =	vcvt.f32.s32 v3  }
0x141: {  	v2 =	vmul.u32 $0xFFF0BDC0, v2  }
0x142: {  	v3 =	vmul.u32 $0xFFF0BDC0, v3  }
0x143: {  	v1 =	vadd.s32 v1, v2  }
0x144: {  	v0 =	vadd.s32 v0, v3;
	vm0 =	vlt.s32 v1, $0x0;
	v2 =	vadd.s32 $0xF4240, v1  }
0x145: {  	s18 =	simm.s32 $0x10;
	vm1 =	vlt.s32 v0, $0x0;
	v1 =	vsel vm0, v2, v1;
	v2 =	vadd.s32 $0xF4240, v0  }
0x146: {  	s8 =	sand.u32 $0x1D0, s18;
	vm0 =	vgt.s32 v1, $0xF423F;
	v3 =	vadd.s32 $0xFFF0BDC0, v1;
	v0 =	vsel vm1, v2, v0  }
0x147: {  	s8 =	sor.u32 s8, s1;
	v1 =	vsel vm0, v3, v1;
	vm0 =	vgt.s32 v0, $0xF423F;
	v2 =	vadd.s32 $0xFFF0BDC0, v0  }
0x148: {  	v0 =	vsel vm0, v2, v0;
	[tilespmem:s8+$0x1400] =	vst v1  }
0x149: {  	[tilespmem:s8+$0x2800] =	vst v0  }
0x14a: {  	v0 =	vld [tilespmem:s2+$0xFFFFFFF0];
	_ =	sdelay $0x4  }
0x14b: {  	v0 =	vmul.u32 $0x9E3779B1, v0;
	_ =	sdelay $0x1  }
0x14c: {  	v1 =	vxor.u32 $0x9E3779B9, v0  }
0x14d: {  	v0 =	vxor.u32 $0x3C6EF372, v0;
	v2 =	vshrl.u32 v1, $0x10  }
0x14e: {  	v3 =	vshrl.u32 v0, $0x10;
	v1 =	vxor.u32 v1, v2  }
0x14f: {  	v0 =	vxor.u32 v0, v3;
	v1 =	vmul.u32 $0x85EBCA6B, v1  }
0x150: {  	v0 =	vmul.u32 $0x85EBCA6B, v0  }
0x151: {  	v2 =	vshrl.u32 v1, $0xD  }
0x152: {  	v3 =	vshrl.u32 v0, $0xD;
	v1 =	vxor.u32 v1, v2  }
0x153: {  	v0 =	vxor.u32 v0, v3;
	v2 =	vshrl.u32 v1, $0x10  }
0x154: {  	v3 =	vshrl.u32 v0, $0x10;
	v2 =	vcvt.s32.f32 v2  }
0x155: {  	v3 =	vcvt.s32.f32 v3  }
0x156: {  	v2 =	vmul.f32 $6.553599980e-02, v2  }
0x157: {  	v3 =	vmul.f32 $6.553599980e-02, v3  }
0x158: {  	v2 =	vtrunc.f32 v2  }
0x159: {  	v3 =	vtrunc.f32 v3;
	v2 =	vcvt.f32.s32 v2  }
0x15a: {  	v3 =	vcvt.f32.s32 v3  }
0x15b: {  	v2 =	vmul.u32 $0xFFF0BDC0, v2  }
0x15c: {  	v3 =	vmul.u32 $0xFFF0BDC0, v3  }
0x15d: {  	v1 =	vadd.s32 v1, v2  }
0x15e: {  	v0 =	vadd.s32 v0, v3;
	vm0 =	vlt.s32 v1, $0x0;
	v2 =	vadd.s32 $0xF4240, v1  }
0x15f: {  	s20 =	simm.s32 $0x20;
	vm1 =	vlt.s32 v0, $0x0;
	v1 =	vsel vm0, v2, v1;
	v2 =	vadd.s32 $0xF4240, v0  }
0x160: {  	s8 =	sand.u32 $0x1E0, s20;
	vm0 =	vgt.s32 v1, $0xF423F;
	v3 =	vadd.s32 $0xFFF0BDC0, v1;
	v0 =	vsel vm1, v2, v0  }
0x161: {  	s8 =	sor.u32 s8, s1;
	v1 =	vsel vm0, v3, v1;
	vm0 =	vgt.s32 v0, $0xF423F;
	v2 =	vadd.s32 $0xFFF0BDC0, v0  }
0x162: {  	v0 =	vsel vm0, v2, v0;
	[tilespmem:s8+$0x1400] =	vst v1  }
0x163: {  	[tilespmem:s8+$0x2800] =	vst v0  }
0x164: {  	v0 =	vld [tilespmem:s2+$0x0];
	_ =	sdelay $0x4  }
0x165: {  	v0 =	vmul.u32 $0x9E3779B1, v0;
	_ =	sdelay $0x1  }
0x166: {  	v1 =	vxor.u32 $0x9E3779B9, v0;
	v0 =	vxor.u32 $0x3C6EF372, v0  }
0x167: {  	v2 =	vshrl.u32 v1, $0x10;
	v3 =	vshrl.u32 v0, $0x10  }
0x168: {  	v1 =	vxor.u32 v1, v2;
	v0 =	vxor.u32 v0, v3  }
0x169: {  	v1 =	vmul.u32 $0x85EBCA6B, v1;
	v0 =	vmul.u32 $0x85EBCA6B, v0;
	_ =	sdelay $0x1  }
0x16a: {  	v2 =	vshrl.u32 v1, $0xD;
	v3 =	vshrl.u32 v0, $0xD  }
0x16b: {  	v1 =	vxor.u32 v1, v2;
	v0 =	vxor.u32 v0, v3  }
0x16c: {  	v2 =	vshrl.u32 v1, $0x10;
	v3 =	vshrl.u32 v0, $0x10  }
0x16d: {  	v2 =	vcvt.s32.f32 v2;
	v3 =	vcvt.s32.f32 v3;
	_ =	sdelay $0x1  }
0x16e: {  	v2 =	vmul.f32 $6.553599980e-02, v2;
	v3 =	vmul.f32 $6.553599980e-02, v3;
	_ =	sdelay $0x1  }
0x16f: {  	v2 =	vtrunc.f32 v2;
	v3 =	vtrunc.f32 v3  }
0x170: {  	v2 =	vcvt.f32.s32 v2;
	v3 =	vcvt.f32.s32 v3;
	_ =	sdelay $0x1  }
0x171: {  	v2 =	vmul.u32 $0xFFF0BDC0, v2;
	v3 =	vmul.u32 $0xFFF0BDC0, v3  }
0x172: {  	s8 =	simm.s32 $0x30  }
0x173: {  	s18 =	sand.u32 $0x1F0, s8;
	v1 =	vadd.s32 v1, v2;
	v0 =	vadd.s32 v0, v3  }
0x174: {  	s20 =	simm.s32 $0x0;
	s1 =	sor.u32 s18, s1;
	vm1 =	vlt.s32 v1, $0x0;
	v2 =	vadd.s32 $0xF4240, v1;
	vm0 =	vlt.s32 v0, $0x0  }
.LBB2_5:
0x175: {  	s20 =	sadd.s32 $0x4, s20;
	v1 =	vsel vm1, v2, v1;
	v2 =	vadd.s32 $0xF4240, v0;
	s8 =	sadd.s32 $0x40, s8;
	s2 =	sadd.s32 $0x40, s2  }
0x176: {  	p0 =	slt.u32 s20, $0x9C;
	vm1 =	vgt.s32 v1, $0xF423F;
	v3 =	vadd.s32 $0xFFF0BDC0, v1;
	v0 =	vsel vm0, v2, v0  }
0x177: {  	v1 =	vsel vm1, v3, v1;
	vm0 =	vgt.s32 v0, $0xF423F;
	v2 =	vadd.s32 $0xFFF0BDC0, v0  }
0x178: {  	v0 =	vsel vm0, v2, v0;
	[tilespmem:s1+$0x1400] =	vst v1  }
0x179: {  	[tilespmem:s1+$0x2800] =	vst v0  }
0x17a: {  	v0 =	vld [tilespmem:s2+$0xFFFFFFD0];
	_ =	sdelay $0x4  }
0x17b: {  	v0 =	vmul.u32 $0x9E3779B1, v0;
	_ =	sdelay $0x1  }
0x17c: {  	v1 =	vxor.u32 $0x9E3779B9, v0;
	v0 =	vxor.u32 $0x3C6EF372, v0  }
0x17d: {  	v2 =	vshrl.u32 v1, $0x10;
	v3 =	vshrl.u32 v0, $0x10  }
0x17e: {  	v1 =	vxor.u32 v1, v2;
	v0 =	vxor.u32 v0, v3  }
0x17f: {  	v1 =	vmul.u32 $0x85EBCA6B, v1;
	v0 =	vmul.u32 $0x85EBCA6B, v0;
	_ =	sdelay $0x1  }
0x180: {  	v2 =	vshrl.u32 v1, $0xD;
	v3 =	vshrl.u32 v0, $0xD  }
0x181: {  	v1 =	vxor.u32 v1, v2;
	v0 =	vxor.u32 v0, v3  }
0x182: {  	v2 =	vshrl.u32 v1, $0x10;
	v3 =	vshrl.u32 v0, $0x10  }
0x183: {  	v2 =	vcvt.s32.f32 v2;
	v3 =	vcvt.s32.f32 v3;
	_ =	sdelay $0x1  }
0x184: {  	v2 =	vmul.f32 $6.553599980e-02, v2;
	v3 =	vmul.f32 $6.553599980e-02, v3;
	_ =	sdelay $0x1  }
0x185: {  	v2 =	vtrunc.f32 v2;
	v3 =	vtrunc.f32 v3  }
0x186: {  	v2 =	vcvt.f32.s32 v2;
	v3 =	vcvt.f32.s32 v3;
	_ =	sdelay $0x1  }
0x187: {  	v2 =	vmul.u32 $0xFFF0BDC0, v2;
	v3 =	vmul.u32 $0xFFF0BDC0, v3;
	_ =	sdelay $0x1  }
0x188: {  	v1 =	vadd.s32 v1, v2;
	v0 =	vadd.s32 v0, v3  }
0x189: {  	s1 =	sadd.s32 $0xFFFFFFD0, s8;
	vm0 =	vlt.s32 v1, $0x0;
	v2 =	vadd.s32 $0xF4240, v1;
	vm1 =	vlt.s32 v0, $0x0  }
0x18a: {  	s18 =	sand.u32 $0xE00, s1;
	v1 =	vsel vm0, v2, v1;
	v2 =	vadd.s32 $0xF4240, v0  }
0x18b: {  	s1 =	sand.u32 $0x1C0, s1;
	s18 =	sadd.s32 $0xA00, s18;
	vm0 =	vgt.s32 v1, $0xF423F;
	v3 =	vadd.s32 $0xFFF0BDC0, v1;
	v0 =	vsel vm1, v2, v0  }
0x18c: {  	s1 =	sor.u32 s1, s18;
	v1 =	vsel vm0, v3, v1;
	vm0 =	vgt.s32 v0, $0xF423F;
	v2 =	vadd.s32 $0xFFF0BDC0, v0  }
0x18d: {  	v0 =	vsel vm0, v2, v0;
	[tilespmem:s1+$0x1400] =	vst v1  }
0x18e: {  	[tilespmem:s1+$0x2800] =	vst v0  }
0x18f: {  	v0 =	vld [tilespmem:s2+$0xFFFFFFE0];
	_ =	sdelay $0x4  }
0x190: {  	v0 =	vmul.u32 $0x9E3779B1, v0;
	_ =	sdelay $0x1  }
0x191: {  	v1 =	vxor.u32 $0x9E3779B9, v0;
	v0 =	vxor.u32 $0x3C6EF372, v0  }
0x192: {  	v2 =	vshrl.u32 v1, $0x10;
	v3 =	vshrl.u32 v0, $0x10  }
0x193: {  	v1 =	vxor.u32 v1, v2;
	v0 =	vxor.u32 v0, v3  }
0x194: {  	v1 =	vmul.u32 $0x85EBCA6B, v1;
	v0 =	vmul.u32 $0x85EBCA6B, v0;
	_ =	sdelay $0x1  }
0x195: {  	v2 =	vshrl.u32 v1, $0xD;
	v3 =	vshrl.u32 v0, $0xD  }
0x196: {  	v1 =	vxor.u32 v1, v2;
	v0 =	vxor.u32 v0, v3  }
0x197: {  	v2 =	vshrl.u32 v1, $0x10;
	v3 =	vshrl.u32 v0, $0x10  }
0x198: {  	v2 =	vcvt.s32.f32 v2;
	v3 =	vcvt.s32.f32 v3;
	_ =	sdelay $0x1  }
0x199: {  	v2 =	vmul.f32 $6.553599980e-02, v2;
	v3 =	vmul.f32 $6.553599980e-02, v3;
	_ =	sdelay $0x1  }
0x19a: {  	v2 =	vtrunc.f32 v2;
	v3 =	vtrunc.f32 v3  }
0x19b: {  	v2 =	vcvt.f32.s32 v2;
	v3 =	vcvt.f32.s32 v3;
	_ =	sdelay $0x1  }
0x19c: {  	v2 =	vmul.u32 $0xFFF0BDC0, v2;
	v3 =	vmul.u32 $0xFFF0BDC0, v3;
	_ =	sdelay $0x1  }
0x19d: {  	v1 =	vadd.s32 v1, v2;
	v0 =	vadd.s32 v0, v3  }
0x19e: {  	s1 =	sadd.s32 $0xFFFFFFE0, s8;
	vm0 =	vlt.s32 v1, $0x0;
	v2 =	vadd.s32 $0xF4240, v1;
	vm1 =	vlt.s32 v0, $0x0  }
0x19f: {  	s1 =	sand.u32 $0x1D0, s1;
	v1 =	vsel vm0, v2, v1;
	v2 =	vadd.s32 $0xF4240, v0  }
0x1a0: {  	s1 =	sor.u32 s1, s18;
	vm0 =	vgt.s32 v1, $0xF423F;
	v3 =	vadd.s32 $0xFFF0BDC0, v1;
	v0 =	vsel vm1, v2, v0  }
0x1a1: {  	v1 =	vsel vm0, v3, v1;
	vm0 =	vgt.s32 v0, $0xF423F;
	v2 =	vadd.s32 $0xFFF0BDC0, v0  }
0x1a2: {  	v0 =	vsel vm0, v2, v0;
	[tilespmem:s1+$0x1400] =	vst v1  }
0x1a3: {  	[tilespmem:s1+$0x2800] =	vst v0  }
0x1a4: {  	v0 =	vld [tilespmem:s2+$0xFFFFFFF0];
	_ =	sdelay $0x4  }
0x1a5: {  	v0 =	vmul.u32 $0x9E3779B1, v0;
	_ =	sdelay $0x1  }
0x1a6: {  	v1 =	vxor.u32 $0x9E3779B9, v0;
	v0 =	vxor.u32 $0x3C6EF372, v0  }
0x1a7: {  	v2 =	vshrl.u32 v1, $0x10;
	v3 =	vshrl.u32 v0, $0x10  }
0x1a8: {  	v1 =	vxor.u32 v1, v2;
	v0 =	vxor.u32 v0, v3  }
0x1a9: {  	v1 =	vmul.u32 $0x85EBCA6B, v1;
	v0 =	vmul.u32 $0x85EBCA6B, v0;
	_ =	sdelay $0x1  }
0x1aa: {  	v2 =	vshrl.u32 v1, $0xD;
	v3 =	vshrl.u32 v0, $0xD  }
0x1ab: {  	v1 =	vxor.u32 v1, v2;
	v0 =	vxor.u32 v0, v3  }
0x1ac: {  	v2 =	vshrl.u32 v1, $0x10;
	v3 =	vshrl.u32 v0, $0x10  }
0x1ad: {  	v2 =	vcvt.s32.f32 v2;
	v3 =	vcvt.s32.f32 v3;
	_ =	sdelay $0x1  }
0x1ae: {  	v2 =	vmul.f32 $6.553599980e-02, v2;
	v3 =	vmul.f32 $6.553599980e-02, v3;
	_ =	sdelay $0x1  }
0x1af: {  	v2 =	vtrunc.f32 v2;
	v3 =	vtrunc.f32 v3  }
0x1b0: {  	v2 =	vcvt.f32.s32 v2;
	v3 =	vcvt.f32.s32 v3;
	_ =	sdelay $0x1  }
0x1b1: {  	v2 =	vmul.u32 $0xFFF0BDC0, v2;
	v3 =	vmul.u32 $0xFFF0BDC0, v3;
	_ =	sdelay $0x1  }
0x1b2: {  	s1 =	sadd.s32 $0xFFFFFFF0, s8;
	v1 =	vadd.s32 v1, v2;
	v0 =	vadd.s32 v0, v3  }
0x1b3: {  	s1 =	sand.u32 $0x1E0, s1;
	vm0 =	vlt.s32 v1, $0x0;
	v2 =	vadd.s32 $0xF4240, v1;
	vm1 =	vlt.s32 v0, $0x0  }
0x1b4: {  	s1 =	sor.u32 s1, s18;
	v1 =	vsel vm0, v2, v1;
	v2 =	vadd.s32 $0xF4240, v0  }
0x1b5: {  	vm0 =	vgt.s32 v1, $0xF423F;
	v3 =	vadd.s32 $0xFFF0BDC0, v1;
	v0 =	vsel vm1, v2, v0  }
0x1b6: {  	v1 =	vsel vm0, v3, v1;
	vm0 =	vgt.s32 v0, $0xF423F;
	v2 =	vadd.s32 $0xFFF0BDC0, v0  }
0x1b7: {  	v0 =	vsel vm0, v2, v0;
	[tilespmem:s1+$0x1400] =	vst v1  }
0x1b8: {  	[tilespmem:s1+$0x2800] =	vst v0  }
0x1b9: {  	v0 =	vld [tilespmem:s2+$0x0];
	_ =	sdelay $0x4  }
0x1ba: {  	v0 =	vmul.u32 $0x9E3779B1, v0;
	_ =	sdelay $0x1  }
0x1bb: {  	v1 =	vxor.u32 $0x9E3779B9, v0;
	v0 =	vxor.u32 $0x3C6EF372, v0  }
0x1bc: {  	v2 =	vshrl.u32 v1, $0x10;
	v3 =	vshrl.u32 v0, $0x10  }
0x1bd: {  	v1 =	vxor.u32 v1, v2;
	v0 =	vxor.u32 v0, v3  }
0x1be: {  	v1 =	vmul.u32 $0x85EBCA6B, v1;
	v0 =	vmul.u32 $0x85EBCA6B, v0;
	_ =	sdelay $0x1  }
0x1bf: {  	v2 =	vshrl.u32 v1, $0xD;
	v3 =	vshrl.u32 v0, $0xD  }
0x1c0: {  	v1 =	vxor.u32 v1, v2;
	v0 =	vxor.u32 v0, v3  }
0x1c1: {  	v2 =	vshrl.u32 v1, $0x10;
	v3 =	vshrl.u32 v0, $0x10  }
0x1c2: {  	v2 =	vcvt.s32.f32 v2;
	v3 =	vcvt.s32.f32 v3;
	_ =	sdelay $0x1  }
0x1c3: {  	v2 =	vmul.f32 $6.553599980e-02, v2;
	v3 =	vmul.f32 $6.553599980e-02, v3;
	_ =	sdelay $0x1  }
0x1c4: {  	v2 =	vtrunc.f32 v2;
	v3 =	vtrunc.f32 v3  }
0x1c5: {  	v2 =	vcvt.f32.s32 v2;
	v3 =	vcvt.f32.s32 v3  }
.Ltmp5:
0x1c6: {  	(pc) =	sbr.rel @p0 .LBB2_5-.Ltmp5, $3  }
0x1c7: {  	v2 =	vmul.u32 $0xFFF0BDC0, v2;
	v3 =	vmul.u32 $0xFFF0BDC0, v3;
	_ =	sdelay $0x1  }
0x1c8: {  	s1 =	sand.u32 $0x1F0, s8;
	v1 =	vadd.s32 v1, v2;
	v0 =	vadd.s32 v0, v3  }
0x1c9: {  	s1 =	sor.u32 s1, s18;
	vm1 =	vlt.s32 v1, $0x0;
	v2 =	vadd.s32 $0xF4240, v1;
	vm0 =	vlt.s32 v0, $0x0  }
0x1ca: {  	v1 =	vsel vm1, v2, v1;
	v63 =	vadd.s32 $0xF4240, v0  }
0x1cb: {  	vm1 =	vgt.s32 v1, $0xF423F;
	v3 =	vadd.s32 $0xFFF0BDC0, v1;
	v0 =	vsel vm0, v63, v0  }
0x1cc: {  	v1 =	vsel vm1, v3, v1;
	vm0 =	vgt.s32 v0, $0xF423F;
	v2 =	vadd.s32 $0xFFF0BDC0, v0  }
0x1cd: {  	p0 =	seq.s32 s10, $0x0;
	v0 =	vsel vm0, v2, v0;
	[tilespmem:s1+$0x1400] =	vst v1  }
0x1ce: {  	[tilespmem:s1+$0x2800] =	vst v0;
	s1 =	simm.s32 @!p0 $0x6  }
0x1cf: {  	_ =	swait.ge @!p0 [sflag:s1], $0xA000  }
0x1d0: {  	[sflag:s1] =	ssyncset.done @!p0 $0x0  }
0x1d1: {  	s2 =	simm.s32 $0x1E00;
	[sflag:s1] =	ssyncadd.s32 @!p0 $0xFFFF6000  }
0x1d2: {  	[tilespmem:s26], [sflag:$0x2] =	stream.indirect.gather [hbm4b:s6+s13], $0x10, s2, s13, $0xb8;
	[tilespmem:$0x17C00] =	vst v63  }
0x1d3: {  	s8 =	simm.s32 $0x2000  }
0x1d4: {  	[tilespmem:s29], [sflag:$0x2] =	stream.indirect.gather [hbm4b:s6+s13], $0x10, s8, s13, $0xb8;
	[tilespmem:$0x17C00] =	vst v63  }
0x1d5: {  	s18 =	simm.s32 $0x3600  }
0x1d6: {  	[tilespmem:s31], [sflag:$0x2] =	stream.indirect.gather [hbm4b:s7+s13], $0x10, s18, s13, $0xb8;
	[tilespmem:$0x17C00] =	vst v63  }
0x1d7: {  	s20 =	simm.s32 $0x3800  }
0x1d8: {  	[tilespmem:s0], [sflag:$0x2] =	stream.indirect.gather [hbm4b:s7+s13], $0x10, s20, s13, $0xb8;
	[tilespmem:$0x17C00] =	vst v63  }
0x1d9: {  	s2 =	simm.s32 $0x3A00  }
0x1da: {  	[tilespmem:s11], [sflag:$0x2] =	stream.indirect.gather [hbm4b:s7+s13], $0x10, s2, s13, $0xb8;
	[tilespmem:$0x17C00] =	vst v63  }
0x1db: {  	_ =	swait.ge [sflag:s16], $0x2000  }
0x1dc: {  	[sflag:s16] =	ssyncset.done $0x0  }
0x1dd: {  	s8 =	simm.s32 $0x2800;
	[sflag:s16] =	ssyncadd.s32 $0xFFFFE000  }
0x1de: {  	[tilespmem:s15], [sflag:$0x3] =	stream.indirect.gather.add.f32 [hbm:s7], $0x10, s8, s13, $0xb8;
	[tilespmem:$0x17C00] =	vst v63  }
0x1df: {  	_ =	swait.ge [sflag:s16], $0x2000  }
0x1e0: {  	[sflag:s16] =	ssyncset.done $0x0  }
0x1e1: {  	s18 =	simm.s32 $0x2A00;
	[sflag:s16] =	ssyncadd.s32 $0xFFFFE000  }
0x1e2: {  	[tilespmem:s22], [sflag:$0x3] =	stream.indirect.gather.add.f32 [hbm:s7], $0x10, s18, s13, $0xb8;
	[tilespmem:$0x17C00] =	vst v63  }
0x1e3: {  	_ =	swait.ge [sflag:s16], $0x2000  }
0x1e4: {  	[sflag:s16] =	ssyncset.done $0x0  }
0x1e5: {  	s20 =	simm.s32 $0x7C00;
	s2 =	simm.s32 $0x1800;
	[sflag:s16] =	ssyncadd.s32 $0xFFFFE000  }
0x1e6: {  	[tilespmem:s20], [sflag:$0x3] =	stream.indirect.gather.add.f32 [hbm:s6], $0x10, s2, s13, $0xb8;
	[tilespmem:$0x17C00] =	vst v63  }
0x1e7: {  	_ =	swait.ge [sflag:s16], $0x2000  }
0x1e8: {  	[sflag:s16] =	ssyncset.done $0x0  }
0x1e9: {  	s2 =	simm.s32 $0x1A00;
	[sflag:s16] =	ssyncadd.s32 $0xFFFFE000  }
0x1ea: {  	[tilespmem:s21], [sflag:$0x3] =	stream.indirect.gather.add.f32 [hbm:s6], $0x10, s2, s13, $0xb8;
	[tilespmem:$0x17C00] =	vst v63  }
0x1eb: {  	_ =	swait.ge [sflag:s16], $0x2000  }
0x1ec: {  	[sflag:s16] =	ssyncset.done $0x0  }
0x1ed: {  	s8 =	simm.s32 $0x1C00;
	[sflag:s16] =	ssyncadd.s32 $0xFFFFE000  }
0x1ee: {  	[tilespmem:s23], [sflag:$0x3] =	stream.indirect.gather.add.f32 [hbm:s6], $0x10, s8, s13, $0xb8;
	[tilespmem:$0x17C00] =	vst v63  }
0x1ef: {  	_ =	swait.ge [sflag:s24], $0x2000  }
0x1f0: {  	[sflag:s24] =	ssyncset.done $0x0  }
0x1f1: {  	[sflag:s24] =	ssyncadd.s32 $0xFFFFE000  }
0x1f2: {  	_ =	swait.ge [sflag:s24], $0x2000  }
0x1f3: {  	[sflag:s24] =	ssyncset.done $0x0  }
0x1f4: {  	[sflag:s24] =	ssyncadd.s32 $0xFFFFE000  }
0x1f5: {  	_ =	swait.ge [sflag:s24], $0x2000  }
0x1f6: {  	[sflag:s24] =	ssyncset.done $0x0  }
0x1f7: {  	s20 =	sshll.u32 s10, $0x1;
	[sflag:s24] =	ssyncadd.s32 $0xFFFFE000  }
0x1f8: {  	s2 =	sor.u32 $0x1, s20;
	_ =	swait.ge [sflag:s24], $0x2000  }
0x1f9: {  	p0 =	sgt.u32 s2, $0x26;
	[sflag:s24] =	ssyncset.done $0x0  }
.Ltmp6:
0x1fa: {  	[sflag:s24] =	ssyncadd.s32 $0xFFFFE000;
	(pc) =	sbr.rel @p0 .LBB2_10-.Ltmp6, $4  }
0x1fb: {  	s18 =	sadd.s32 s5, s30;
	_ =	swait.ge [sflag:s24], $0x2000  }
0x1fc: {  	s1 =	sshll.u32 s18, $0x1;
	[sflag:s24] =	ssyncset.done $0x0  }
0x1fd: {  	s1 =	sadd.s32 s3, s1;
	[sflag:s24] =	ssyncadd.s32 $0xFFFFE000  }
0x1fe: {  	[hbm4b:s1+s4] =	stream.linear.scatter [tilespmem:s15], [sflag:$0x5], $0xA000, $0x38;
	[tilespmem:$0x17C00] =	vst v63  }
0x1ff: {  	s1 =	rddreg [dreg:$0x5]  }
0x200: {  	s1 =	sadd.s32 s30, s1  }
0x201: {  	s1 =	sshrl.u32 s1, $0x3  }
0x202: {  	s1 =	sadd.s32 s17, s1  }
0x203: {  	[tilespmem:s4], [sflag:$0x7] =	stream.linear.gather [hbm4b:s1+s4], $0xA00, $0x38;
	[tilespmem:$0x17C00] =	vst v63  }
0x204: {  	_ =	swait.ge [sflag:s12], $0xA00  }
0x205: {  	[sflag:s12] =	ssyncset.done $0x0  }
0x206: {  	s1 =	simm.s32 $0x20;
	[sflag:s12] =	ssyncadd.s32 $0xFFFFF600  }
0x207: {  	v0 =	vld [tilespmem:s1+$0xFFFFFFE0];
	_ =	sdelay $0x4  }
0x208: {  	v0 =	vmul.u32 $0x9E3779B1, v0;
	_ =	sdelay $0x1  }
0x209: {  	v1 =	vxor.u32 $0x9E3779B9, v0  }
0x20a: {  	v0 =	vxor.u32 $0x3C6EF372, v0;
	v2 =	vshrl.u32 v1, $0x10  }
0x20b: {  	v3 =	vshrl.u32 v0, $0x10;
	v1 =	vxor.u32 v1, v2  }
0x20c: {  	v0 =	vxor.u32 v0, v3;
	v1 =	vmul.u32 $0x85EBCA6B, v1  }
0x20d: {  	v0 =	vmul.u32 $0x85EBCA6B, v0  }
0x20e: {  	v2 =	vshrl.u32 v1, $0xD  }
0x20f: {  	v3 =	vshrl.u32 v0, $0xD;
	v1 =	vxor.u32 v1, v2  }
0x210: {  	v0 =	vxor.u32 v0, v3;
	v2 =	vshrl.u32 v1, $0x10  }
0x211: {  	v3 =	vshrl.u32 v0, $0x10;
	v2 =	vcvt.s32.f32 v2  }
0x212: {  	v3 =	vcvt.s32.f32 v3  }
0x213: {  	v2 =	vmul.f32 $6.553599980e-02, v2  }
0x214: {  	v3 =	vmul.f32 $6.553599980e-02, v3  }
0x215: {  	v2 =	vtrunc.f32 v2  }
0x216: {  	v3 =	vtrunc.f32 v3;
	v2 =	vcvt.f32.s32 v2  }
0x217: {  	v3 =	vcvt.f32.s32 v3  }
0x218: {  	v2 =	vmul.u32 $0xFFF0BDC0, v2  }
0x219: {  	v3 =	vmul.u32 $0xFFF0BDC0, v3  }
0x21a: {  	v1 =	vadd.s32 v1, v2  }
0x21b: {  	v0 =	vadd.s32 v0, v3;
	vm0 =	vlt.s32 v1, $0x0;
	v2 =	vadd.s32 $0xF4240, v1  }
0x21c: {  	vm1 =	vlt.s32 v0, $0x0;
	v1 =	vsel vm0, v2, v1;
	v2 =	vadd.s32 $0xF4240, v0  }
0x21d: {  	vm0 =	vgt.s32 v1, $0xF423F;
	v3 =	vadd.s32 $0xFFF0BDC0, v1;
	v0 =	vsel vm1, v2, v0  }
0x21e: {  	s8 =	simm.s32 $0x1400;
	v1 =	vsel vm0, v3, v1;
	vm0 =	vgt.s32 v0, $0xF423F;
	v2 =	vadd.s32 $0xFFF0BDC0, v0  }
0x21f: {  	s30 =	simm.s32 $0x2800;
	v0 =	vsel vm0, v2, v0;
	[tilespmem:s8+$0x0] =	vst v1  }
0x220: {  	[tilespmem:s30+$0x0] =	vst v0  }
0x221: {  	v0 =	vld [tilespmem:s1+$0xFFFFFFF0];
	_ =	sdelay $0x4  }
0x222: {  	v0 =	vmul.u32 $0x9E3779B1, v0;
	_ =	sdelay $0x1  }
0x223: {  	v1 =	vxor.u32 $0x9E3779B9, v0  }
0x224: {  	v0 =	vxor.u32 $0x3C6EF372, v0;
	v2 =	vshrl.u32 v1, $0x10  }
0x225: {  	v3 =	vshrl.u32 v0, $0x10;
	v1 =	vxor.u32 v1, v2  }
0x226: {  	v0 =	vxor.u32 v0, v3;
	v1 =	vmul.u32 $0x85EBCA6B, v1  }
0x227: {  	v0 =	vmul.u32 $0x85EBCA6B, v0  }
0x228: {  	v2 =	vshrl.u32 v1, $0xD  }
0x229: {  	v3 =	vshrl.u32 v0, $0xD;
	v1 =	vxor.u32 v1, v2  }
0x22a: {  	v0 =	vxor.u32 v0, v3;
	v2 =	vshrl.u32 v1, $0x10  }
0x22b: {  	v3 =	vshrl.u32 v0, $0x10;
	v2 =	vcvt.s32.f32 v2  }
0x22c: {  	v3 =	vcvt.s32.f32 v3  }
0x22d: {  	v2 =	vmul.f32 $6.553599980e-02, v2  }
0x22e: {  	v3 =	vmul.f32 $6.553599980e-02, v3  }
0x22f: {  	v2 =	vtrunc.f32 v2  }
0x230: {  	v3 =	vtrunc.f32 v3;
	v2 =	vcvt.f32.s32 v2  }
0x231: {  	v3 =	vcvt.f32.s32 v3  }
0x232: {  	v2 =	vmul.u32 $0xFFF0BDC0, v2  }
0x233: {  	v3 =	vmul.u32 $0xFFF0BDC0, v3  }
0x234: {  	v1 =	vadd.s32 v1, v2  }
0x235: {  	v0 =	vadd.s32 v0, v3;
	vm0 =	vlt.s32 v1, $0x0;
	v2 =	vadd.s32 $0xF4240, v1  }
0x236: {  	s22 =	simm.s32 $0x0;
	s20 =	simm.s32 $0x10;
	vm1 =	vlt.s32 v0, $0x0;
	v1 =	vsel vm0, v2, v1;
	v2 =	vadd.s32 $0xF4240, v0  }
0x237: {  	s19 =	smov.u32 s17;
	s18 =	sand.u32 $0xE00, s22;
	s17 =	sand.u32 $0x1D0, s20;
	vm0 =	vgt.s32 v1, $0xF423F;
	v3 =	vadd.s32 $0xFFF0BDC0, v1;
	v0 =	vsel vm1, v2, v0  }
0x238: {  	s8 =	sor.u32 s18, s17;
	v1 =	vsel vm0, v3, v1;
	vm0 =	vgt.s32 v0, $0xF423F;
	v2 =	vadd.s32 $0xFFF0BDC0, v0  }
0x239: {  	v0 =	vsel vm0, v2, v0;
	[tilespmem:s8+$0x1400] =	vst v1  }
0x23a: {  	[tilespmem:s8+$0x2800] =	vst v0  }
0x23b: {  	v0 =	vld [tilespmem:s1+$0x0];
	_ =	sdelay $0x4  }
0x23c: {  	v0 =	vmul.u32 $0x9E3779B1, v0;
	_ =	sdelay $0x1  }
0x23d: {  	v1 =	vxor.u32 $0x9E3779B9, v0  }
0x23e: {  	v0 =	vxor.u32 $0x3C6EF372, v0;
	v2 =	vshrl.u32 v1, $0x10  }
0x23f: {  	v3 =	vshrl.u32 v0, $0x10;
	v1 =	vxor.u32 v1, v2  }
0x240: {  	v0 =	vxor.u32 v0, v3;
	v1 =	vmul.u32 $0x85EBCA6B, v1  }
0x241: {  	v0 =	vmul.u32 $0x85EBCA6B, v0  }
0x242: {  	v2 =	vshrl.u32 v1, $0xD  }
0x243: {  	v3 =	vshrl.u32 v0, $0xD;
	v1 =	vxor.u32 v1, v2  }
0x244: {  	v0 =	vxor.u32 v0, v3;
	v2 =	vshrl.u32 v1, $0x10  }
0x245: {  	v3 =	vshrl.u32 v0, $0x10;
	v2 =	vcvt.s32.f32 v2  }
0x246: {  	v3 =	vcvt.s32.f32 v3  }
0x247: {  	v2 =	vmul.f32 $6.553599980e-02, v2  }
0x248: {  	v3 =	vmul.f32 $6.553599980e-02, v3  }
0x249: {  	v2 =	vtrunc.f32 v2  }
0x24a: {  	v3 =	vtrunc.f32 v3;
	v2 =	vcvt.f32.s32 v2  }
0x24b: {  	v3 =	vcvt.f32.s32 v3  }
0x24c: {  	v2 =	vmul.u32 $0xFFF0BDC0, v2  }
0x24d: {  	v3 =	vmul.u32 $0xFFF0BDC0, v3  }
0x24e: {  	v1 =	vadd.s32 v1, v2  }
0x24f: {  	v0 =	vadd.s32 v0, v3;
	vm0 =	vlt.s32 v1, $0x0;
	v2 =	vadd.s32 $0xF4240, v1  }
0x250: {  	s20 =	simm.s32 $0x20;
	vm1 =	vlt.s32 v0, $0x0;
	v1 =	vsel vm0, v2, v1;
	v2 =	vadd.s32 $0xF4240, v0  }
0x251: {  	s8 =	sand.u32 $0x1E0, s20;
	vm0 =	vgt.s32 v1, $0xF423F;
	v3 =	vadd.s32 $0xFFF0BDC0, v1;
	v0 =	vsel vm1, v2, v0  }
0x252: {  	s8 =	sor.u32 s18, s8;
	v1 =	vsel vm0, v3, v1;
	vm0 =	vgt.s32 v0, $0xF423F;
	v2 =	vadd.s32 $0xFFF0BDC0, v0  }
0x253: {  	v0 =	vsel vm0, v2, v0;
	[tilespmem:s8+$0x1400] =	vst v1  }
0x254: {  	[tilespmem:s8+$0x2800] =	vst v0  }
0x255: {  	v0 =	vld [tilespmem:s1+$0x10];
	_ =	sdelay $0x4  }
0x256: {  	v0 =	vmul.u32 $0x9E3779B1, v0;
	_ =	sdelay $0x1  }
0x257: {  	v1 =	vxor.u32 $0x9E3779B9, v0  }
0x258: {  	v0 =	vxor.u32 $0x3C6EF372, v0;
	v2 =	vshrl.u32 v1, $0x10  }
0x259: {  	v3 =	vshrl.u32 v0, $0x10;
	v1 =	vxor.u32 v1, v2  }
0x25a: {  	v0 =	vxor.u32 v0, v3;
	v1 =	vmul.u32 $0x85EBCA6B, v1  }
0x25b: {  	v0 =	vmul.u32 $0x85EBCA6B, v0  }
0x25c: {  	v2 =	vshrl.u32 v1, $0xD  }
0x25d: {  	v3 =	vshrl.u32 v0, $0xD;
	v1 =	vxor.u32 v1, v2  }
0x25e: {  	v0 =	vxor.u32 v0, v3;
	v2 =	vshrl.u32 v1, $0x10  }
0x25f: {  	v3 =	vshrl.u32 v0, $0x10;
	v2 =	vcvt.s32.f32 v2  }
0x260: {  	v3 =	vcvt.s32.f32 v3  }
0x261: {  	v2 =	vmul.f32 $6.553599980e-02, v2  }
0x262: {  	v3 =	vmul.f32 $6.553599980e-02, v3  }
0x263: {  	v2 =	vtrunc.f32 v2  }
0x264: {  	v3 =	vtrunc.f32 v3;
	v2 =	vcvt.f32.s32 v2  }
0x265: {  	v3 =	vcvt.f32.s32 v3  }
0x266: {  	v2 =	vmul.u32 $0xFFF0BDC0, v2  }
0x267: {  	v3 =	vmul.u32 $0xFFF0BDC0, v3  }
0x268: {  	s8 =	simm.s32 $0x30;
	v1 =	vadd.s32 v1, v2  }
0x269: {  	s20 =	simm.s32 $0x0;
	s22 =	sand.u32 $0x1F0, s8;
	v0 =	vadd.s32 v0, v3;
	vm1 =	vlt.s32 v1, $0x0;
	v2 =	vadd.s32 $0xF4240, v1  }
0x26a: {  	s1 =	sor.u32 s18, s22;
	s22 =	simm.s32 $0x1440;
	s18 =	simm.s32 $0x60;
	vm0 =	vlt.s32 v0, $0x0;
	v1 =	vsel vm1, v2, v1;
	v2 =	vadd.s32 $0xF4240, v0  }
.LBB2_8:
0x26b: {  	s20 =	sadd.s32 $0x4, s20;
	vm1 =	vgt.s32 v1, $0xF423F;
	v3 =	vadd.s32 $0xFFF0BDC0, v1;
	v0 =	vsel vm0, v2, v0;
	s8 =	sadd.s32 $0x40, s8;
	s30 =	sadd.s32 $0x40, s30  }
0x26c: {  	p0 =	slt.u32 s20, $0x9C;
	v1 =	vsel vm1, v3, v1;
	vm0 =	vgt.s32 v0, $0xF423F;
	v2 =	vadd.s32 $0xFFF0BDC0, v0  }
0x26d: {  	v0 =	vsel vm0, v2, v0;
	[tilespmem:s1+$0x1400] =	vst v1  }
0x26e: {  	[tilespmem:s1+$0x2800] =	vst v0  }
0x26f: {  	v0 =	vld [tilespmem:s18+$0xFFFFFFE0];
	_ =	sdelay $0x4  }
0x270: {  	v0 =	vmul.u32 $0x9E3779B1, v0;
	_ =	sdelay $0x1  }
0x271: {  	v1 =	vxor.u32 $0x9E3779B9, v0;
	v0 =	vxor.u32 $0x3C6EF372, v0  }
0x272: {  	v2 =	vshrl.u32 v1, $0x10;
	v3 =	vshrl.u32 v0, $0x10  }
0x273: {  	v1 =	vxor.u32 v1, v2;
	v0 =	vxor.u32 v0, v3  }
0x274: {  	v1 =	vmul.u32 $0x85EBCA6B, v1;
	v0 =	vmul.u32 $0x85EBCA6B, v0;
	_ =	sdelay $0x1  }
0x275: {  	v2 =	vshrl.u32 v1, $0xD;
	v3 =	vshrl.u32 v0, $0xD  }
0x276: {  	v1 =	vxor.u32 v1, v2;
	v0 =	vxor.u32 v0, v3  }
0x277: {  	v2 =	vshrl.u32 v1, $0x10;
	v3 =	vshrl.u32 v0, $0x10  }
0x278: {  	v2 =	vcvt.s32.f32 v2;
	v3 =	vcvt.s32.f32 v3;
	_ =	sdelay $0x1  }
0x279: {  	v2 =	vmul.f32 $6.553599980e-02, v2;
	v3 =	vmul.f32 $6.553599980e-02, v3;
	_ =	sdelay $0x1  }
0x27a: {  	v2 =	vtrunc.f32 v2;
	v3 =	vtrunc.f32 v3  }
0x27b: {  	v2 =	vcvt.f32.s32 v2;
	v3 =	vcvt.f32.s32 v3;
	_ =	sdelay $0x1  }
0x27c: {  	v2 =	vmul.u32 $0xFFF0BDC0, v2;
	v3 =	vmul.u32 $0xFFF0BDC0, v3;
	_ =	sdelay $0x1  }
0x27d: {  	v1 =	vadd.s32 v1, v2;
	v0 =	vadd.s32 v0, v3  }
0x27e: {  	vm0 =	vlt.s32 v1, $0x0;
	v2 =	vadd.s32 $0xF4240, v1;
	vm1 =	vlt.s32 v0, $0x0  }
0x27f: {  	v1 =	vsel vm0, v2, v1;
	v2 =	vadd.s32 $0xF4240, v0  }
0x280: {  	vm0 =	vgt.s32 v1, $0xF423F;
	v3 =	vadd.s32 $0xFFF0BDC0, v1;
	v0 =	vsel vm1, v2, v0  }
0x281: {  	v1 =	vsel vm0, v3, v1;
	vm0 =	vgt.s32 v0, $0xF423F;
	v2 =	vadd.s32 $0xFFF0BDC0, v0  }
0x282: {  	v0 =	vsel vm0, v2, v0;
	[tilespmem:s22+$0x0] =	vst v1  }
0x283: {  	[tilespmem:s30+$0x0] =	vst v0  }
0x284: {  	v0 =	vld [tilespmem:s18+$0xFFFFFFF0];
	_ =	sdelay $0x4  }
0x285: {  	v0 =	vmul.u32 $0x9E3779B1, v0;
	_ =	sdelay $0x1  }
0x286: {  	v1 =	vxor.u32 $0x9E3779B9, v0;
	v0 =	vxor.u32 $0x3C6EF372, v0  }
0x287: {  	v2 =	vshrl.u32 v1, $0x10;
	v3 =	vshrl.u32 v0, $0x10  }
0x288: {  	v1 =	vxor.u32 v1, v2;
	v0 =	vxor.u32 v0, v3  }
0x289: {  	v1 =	vmul.u32 $0x85EBCA6B, v1;
	v0 =	vmul.u32 $0x85EBCA6B, v0;
	_ =	sdelay $0x1  }
0x28a: {  	v2 =	vshrl.u32 v1, $0xD;
	v3 =	vshrl.u32 v0, $0xD  }
0x28b: {  	v1 =	vxor.u32 v1, v2;
	v0 =	vxor.u32 v0, v3  }
0x28c: {  	v2 =	vshrl.u32 v1, $0x10;
	v3 =	vshrl.u32 v0, $0x10  }
0x28d: {  	v2 =	vcvt.s32.f32 v2;
	v3 =	vcvt.s32.f32 v3;
	_ =	sdelay $0x1  }
0x28e: {  	v2 =	vmul.f32 $6.553599980e-02, v2;
	v3 =	vmul.f32 $6.553599980e-02, v3;
	_ =	sdelay $0x1  }
0x28f: {  	v2 =	vtrunc.f32 v2;
	v3 =	vtrunc.f32 v3  }
0x290: {  	v2 =	vcvt.f32.s32 v2;
	v3 =	vcvt.f32.s32 v3;
	_ =	sdelay $0x1  }
0x291: {  	v2 =	vmul.u32 $0xFFF0BDC0, v2;
	v3 =	vmul.u32 $0xFFF0BDC0, v3;
	_ =	sdelay $0x1  }
0x292: {  	v1 =	vadd.s32 v1, v2;
	v0 =	vadd.s32 v0, v3  }
0x293: {  	vm0 =	vlt.s32 v1, $0x0;
	v2 =	vadd.s32 $0xF4240, v1;
	vm1 =	vlt.s32 v0, $0x0  }
0x294: {  	s17 =	sadd.s32 $0xFFFFFFE0, s8;
	s1 =	sadd.s32 $0xFFFFFFD0, s8;
	v1 =	vsel vm0, v2, v1;
	v2 =	vadd.s32 $0xF4240, v0  }
0x295: {  	s17 =	sand.u32 $0x1D0, s17;
	s1 =	sand.u32 $0xE00, s1;
	vm0 =	vgt.s32 v1, $0xF423F;
	v3 =	vadd.s32 $0xFFF0BDC0, v1;
	v0 =	vsel vm1, v2, v0  }
0x296: {  	s17 =	sor.u32 s1, s17;
	v1 =	vsel vm0, v3, v1;
	vm0 =	vgt.s32 v0, $0xF423F;
	v2 =	vadd.s32 $0xFFF0BDC0, v0  }
0x297: {  	v0 =	vsel vm0, v2, v0;
	[tilespmem:s17+$0x1400] =	vst v1  }
0x298: {  	[tilespmem:s17+$0x2800] =	vst v0  }
0x299: {  	v0 =	vld [tilespmem:s18+$0x0];
	_ =	sdelay $0x4  }
0x29a: {  	v0 =	vmul.u32 $0x9E3779B1, v0;
	_ =	sdelay $0x1  }
0x29b: {  	v1 =	vxor.u32 $0x9E3779B9, v0;
	v0 =	vxor.u32 $0x3C6EF372, v0  }
0x29c: {  	v2 =	vshrl.u32 v1, $0x10;
	v3 =	vshrl.u32 v0, $0x10  }
0x29d: {  	v1 =	vxor.u32 v1, v2;
	v0 =	vxor.u32 v0, v3  }
0x29e: {  	v1 =	vmul.u32 $0x85EBCA6B, v1;
	v0 =	vmul.u32 $0x85EBCA6B, v0;
	_ =	sdelay $0x1  }
0x29f: {  	v2 =	vshrl.u32 v1, $0xD;
	v3 =	vshrl.u32 v0, $0xD  }
0x2a0: {  	v1 =	vxor.u32 v1, v2;
	v0 =	vxor.u32 v0, v3  }
0x2a1: {  	v2 =	vshrl.u32 v1, $0x10;
	v3 =	vshrl.u32 v0, $0x10  }
0x2a2: {  	v2 =	vcvt.s32.f32 v2;
	v3 =	vcvt.s32.f32 v3;
	_ =	sdelay $0x1  }
0x2a3: {  	v2 =	vmul.f32 $6.553599980e-02, v2;
	v3 =	vmul.f32 $6.553599980e-02, v3;
	_ =	sdelay $0x1  }
0x2a4: {  	v2 =	vtrunc.f32 v2;
	v3 =	vtrunc.f32 v3  }
0x2a5: {  	v2 =	vcvt.f32.s32 v2;
	v3 =	vcvt.f32.s32 v3;
	_ =	sdelay $0x1  }
0x2a6: {  	v2 =	vmul.u32 $0xFFF0BDC0, v2;
	v3 =	vmul.u32 $0xFFF0BDC0, v3;
	_ =	sdelay $0x1  }
0x2a7: {  	v1 =	vadd.s32 v1, v2;
	v0 =	vadd.s32 v0, v3  }
0x2a8: {  	s17 =	sadd.s32 $0xFFFFFFF0, s8;
	vm0 =	vlt.s32 v1, $0x0;
	v2 =	vadd.s32 $0xF4240, v1;
	vm1 =	vlt.s32 v0, $0x0  }
0x2a9: {  	s17 =	sand.u32 $0x1E0, s17;
	v1 =	vsel vm0, v2, v1;
	v2 =	vadd.s32 $0xF4240, v0  }
0x2aa: {  	s17 =	sor.u32 s1, s17;
	vm0 =	vgt.s32 v1, $0xF423F;
	v3 =	vadd.s32 $0xFFF0BDC0, v1;
	v0 =	vsel vm1, v2, v0  }
0x2ab: {  	v1 =	vsel vm0, v3, v1;
	vm0 =	vgt.s32 v0, $0xF423F;
	v2 =	vadd.s32 $0xFFF0BDC0, v0  }
0x2ac: {  	v0 =	vsel vm0, v2, v0;
	[tilespmem:s17+$0x1400] =	vst v1  }
0x2ad: {  	[tilespmem:s17+$0x2800] =	vst v0  }
0x2ae: {  	v0 =	vld [tilespmem:s18+$0x10];
	_ =	sdelay $0x4  }
0x2af: {  	v0 =	vmul.u32 $0x9E3779B1, v0;
	_ =	sdelay $0x1  }
0x2b0: {  	v1 =	vxor.u32 $0x9E3779B9, v0;
	v0 =	vxor.u32 $0x3C6EF372, v0  }
0x2b1: {  	v2 =	vshrl.u32 v1, $0x10;
	v3 =	vshrl.u32 v0, $0x10  }
0x2b2: {  	v1 =	vxor.u32 v1, v2;
	v0 =	vxor.u32 v0, v3  }
0x2b3: {  	v1 =	vmul.u32 $0x85EBCA6B, v1;
	v0 =	vmul.u32 $0x85EBCA6B, v0;
	_ =	sdelay $0x1  }
0x2b4: {  	v2 =	vshrl.u32 v1, $0xD;
	v3 =	vshrl.u32 v0, $0xD  }
0x2b5: {  	v1 =	vxor.u32 v1, v2;
	v0 =	vxor.u32 v0, v3  }
0x2b6: {  	v2 =	vshrl.u32 v1, $0x10;
	v3 =	vshrl.u32 v0, $0x10  }
0x2b7: {  	v2 =	vcvt.s32.f32 v2;
	v3 =	vcvt.s32.f32 v3;
	_ =	sdelay $0x1  }
0x2b8: {  	v2 =	vmul.f32 $6.553599980e-02, v2;
	v3 =	vmul.f32 $6.553599980e-02, v3;
	_ =	sdelay $0x1  }
0x2b9: {  	v2 =	vtrunc.f32 v2;
	v3 =	vtrunc.f32 v3  }
0x2ba: {  	v2 =	vcvt.f32.s32 v2;
	v3 =	vcvt.f32.s32 v3;
	_ =	sdelay $0x1  }
.Ltmp7:
0x2bb: {  	v2 =	vmul.u32 $0xFFF0BDC0, v2;
	v3 =	vmul.u32 $0xFFF0BDC0, v3;
	(pc) =	sbr.rel @p0 .LBB2_8-.Ltmp7, $4  }
0x2bc: {  	_ = 	snop  }
0x2bd: {  	v1 =	vadd.s32 v1, v2;
	v0 =	vadd.s32 v0, v3  }
0x2be: {  	s17 =	sand.u32 $0x1F0, s8;
	vm1 =	vlt.s32 v1, $0x0;
	v2 =	vadd.s32 $0xF4240, v1;
	vm0 =	vlt.s32 v0, $0x0  }
0x2bf: {  	s22 =	sadd.s32 $0x40, s22;
	s1 =	sor.u32 s1, s17;
	s18 =	sadd.s32 $0x40, s18;
	v1 =	vsel vm1, v2, v1;
	v2 =	vadd.s32 $0xF4240, v0  }
0x2c0: {  	vm1 =	vgt.s32 v1, $0xF423F;
	v3 =	vadd.s32 $0xFFF0BDC0, v1;
	v0 =	vsel vm0, v2, v0  }
0x2c1: {  	v1 =	vsel vm1, v3, v1;
	vm0 =	vgt.s32 v0, $0xF423F;
	v2 =	vadd.s32 $0xFFF0BDC0, v0  }
0x2c2: {  	v0 =	vsel vm0, v2, v0;
	[tilespmem:s1+$0x1400] =	vst v1  }
0x2c3: {  	[tilespmem:s1+$0x2800] =	vst v0  }
0x2c4: {  	_ =	swait.ge [sflag:s25], $0xA000  }
0x2c5: {  	[sflag:s25] =	ssyncset.done $0x0  }
0x2c6: {  	s8 =	simm.s32 $0x1400;
	[sflag:s25] =	ssyncadd.s32 $0xFFFF6000  }
0x2c7: {  	[tilespmem:s15], [sflag:$0x1] =	stream.indirect.gather [hbm4b:s6+s13], $0x10, s8, s13, $0xb8;
	[tilespmem:$0x17C00] =	vst v63  }
0x2c8: {  	s17 =	simm.s32 $0x1600;
	s22 =	simm.s32 $0x5C00  }
0x2c9: {  	[tilespmem:s22], [sflag:$0x1] =	stream.indirect.gather [hbm4b:s6+s13], $0x10, s17, s13, $0xb8;
	[tilespmem:$0x17C00] =	vst v63  }
0x2ca: {  	s18 =	simm.s32 $0x2C00;
	s8 =	simm.s32 $0x7C00  }
0x2cb: {  	[tilespmem:s8], [sflag:$0x1] =	stream.indirect.gather [hbm4b:s7+s13], $0x10, s18, s13, $0xb8;
	[tilespmem:$0x17C00] =	vst v63  }
.Ltmp8:
0x2cc: {  	_ = 	snop;
	(pc) =	sbr.rel .LBB2_11-.Ltmp8, $4  }
0x2cd: {  	s20 =	simm.s32 $0x2E00  }
0x2ce: {  	[tilespmem:s21], [sflag:$0x1] =	stream.indirect.gather [hbm4b:s7+s13], $0x10, s20, s13, $0xb8;
	[tilespmem:$0x17C00] =	vst v63  }
0x2cf: {  	s30 =	simm.s32 $0x3000;
	s17 =	smov.u32 s19;
	s19 =	simm.s32 $0xA00  }
0x2d0: {  	[tilespmem:s23], [sflag:$0x1] =	stream.indirect.gather [hbm4b:s7+s13], $0x10, s30, s13, $0xb8;
	[tilespmem:$0x17C00] =	vst v63  }
.LBB2_13:
0x2d1: {  	_ =	sfence.sel $0x180000  }
0x2d2: {  	[bflag:$0x0] =	sbarrier.arrive $0xFFFF  }
0x2d3: {  	_ =	strace $0x90000047  }
0x2d4: {  	s0 =	stileid.u32;
	[bflag:$0x2] =	sbarrier.arrive $0xFFFF  }
0x2d5: {  	p0 =	sne.s32 s0, $0x0;
	s0 =	rddreg [dreg:$0x3]  }
0x2d6: {  	s0 =	sadd.s32 @!p0 $0x100000, s0  }
0x2d7: {  	[sflag:s0] =	ssyncadd.tile.s32 @!p0 $0x1;
	_ =	shalt  }
.Lfunc_end2:
_tile_overlayer_lowered:
.L_overlay_start_2:
0x2d8: {  	(tag) =	ssettag $0x2  }
0x2d9: {  	s0 =	rddreg [dreg:$0x0];
	s2 =	stileid.u32  }
0x2da: {  	s1 =	rddreg [dreg:$0x1];
	p0 =	sne.s32 s2, $0x0  }
0x2db: {  	s3 =	rddreg [dreg:$0x2];
	[bflag:$0x3] =	sbarrier.arrive $0xFFFF;
	s2 =	simm.s32 @!p0 $0x1C07  }
0x2dc: {  	[timem:s3], [sflag:s2] =	dma.local @!p0 [hbm:s0], s1  }
0x2dd: {  	s0 =	simm.s32 @!p0 $0x7  }
0x2de: {  	_ =	swait.ge @!p0 [sflag:s0], s1  }
0x2df: {  	s1 =	ssub.s32 @!p0 $0x0, s1;
	[sflag:s0] =	ssyncset.done @!p0 $0x0  }
0x2e0: {  	[sflag:s0] =	ssyncadd.s32 @!p0 s1  }
0x2e1: {  	[bflag:$0x3] =	sbarrier.arrive $0xFFFF  }
0x2e2: {  	_ =	shalt  }

// kernel: sparse-core-data-format-call.cloned.1.call-start
scs
called_computation_lowered:
.L_overlay_start_0:
0x0: {  	s2 =	sld [smem:$0x3FD9]  }
0x1: {  	s3 =	sld [smem:$0x3FFE];
	_ =	sdelay $0x1  }
0x2: {  	s1 =	srdreg.scid  }
0x3: {  	s0 =	sand.u32 $0x1, s1  }
0x4: {  	s18 =	sshll.u32 s0, $0xA;
	s2 =	sadd.s32 s3, s2  }
0x5: {  	s2 =	sadd.s32 s2, s18  }
0x6: {  	[smem:$0x3FC5] =	sst s2  }
0x7: {  	_ = 	snop  }
0x8: {  	s2 =	sld [smem:$0x3FD0];
	(tm) =	ssettm $0x1  }
0x9: {  	s19 =	sld [smem:$0x3FFB];
	_ =	sdelay $0x3  }
0xa: {  	_ =	strace s19  }
0xb: {  	s3 =	sld [smem:$0x3FFC];
	_ =	sdelay $0x3  }
0xc: {  	_ =	strace s3  }
0xd: {  	s3 =	sld [smem:$0x3FFD];
	_ =	sdelay $0x3  }
0xe: {  	_ =	strace s3  }
0xf: {  	_ =	strace $0x8FFFFFFF  }
0x10: {  	s20 =	sld [smem:$0x3FDB];
	_ =	sdelay $0x1  }
0x11: {  	s4 =	simm.s32 $_scs_section_size  }
0x12: {  	s5 =	simm.s32 $_size__tile_overlayer_lowered;
	s6 =	simm.s32 $_tile_overlayer_lowered  }
0x13: {  	s23 =	simm.s32 $0x1BFF;
	s22 =	sshll.u32 s6, $0x1;
	s3 =	sadd.s32 s4, s20  }
0x14: {  	s7 =	simm.s32 $0x0;
	s21 =	sshll.u32 s5, $0x1;
	s5 =	sadd.s32 s22, s3  }
0x15: {  	[timem:s7], [sflag:s23] =	dma.local [hbm:s5], s21  }
0x16: {  	_ =	swait.ge [sflag:s23], s21  }
0x17: {  	s4 =	ssub.s32 $0x0, s21;
	[sflag:s23] =	ssyncset.done $0x0  }
0x18: {  	[sflag:s23] =	ssyncadd.s32 s4;
	_ =	sdelay $0x1  }
0x19: {  	s24 =	simm.s32 $0x1B8B  }
0x1a: {  	_ =	swait.ge [sflag:s24], $0x1  }
0x1b: {  	[sflag:s24] =	ssyncset.done $0x0  }
0x1c: {  	s26 =	simm.s32 $0x1B8E;
	s25 =	sld [smem:$0x3FFE];
	[sflag:s24] =	ssyncadd.s32 $0xFFFFFFFF  }
0x1d: {  	s27 =	simm.s32 $execute0_lowered;
	[smem:$0x3FD2] =	sst s26  }
0x1e: {  	s5 =	sshll.u32 s27, $0x1;
	_ =	strace $0x80000049;
	[dreg:$0x1] =	wrdreg $0xFFFFFFFF  }
0x1f: {  	s28 =	simm.s32 $_size_execute0_lowered;
	s3 =	sadd.s32 s3, s5;
	[dreg:$0x0] =	wrdreg $0x0  }
0x20: {  	s5 =	sshll.u32 s28, $0x1;
	[dreg:$0x2] =	wrdreg s3  }
0x21: {  	[dreg:$0x3] =	wrdreg s5  }
0x22: {  	[dreg:$0x4] =	wrdreg $0xC0  }
0x23: {  	_ =	task [dreg:s7], $0x5FFFF  }
0x24: {  	[dreg:$0x1] =	wrdreg $0xFFFFFFFF  }
0x25: {  	[dreg:$0x0] =	wrdreg $0x60  }
0x26: {  	[dreg:$0x2] =	wrdreg s25  }
0x27: {  	[dreg:$0x3] =	wrdreg s2  }
0x28: {  	[dreg:$0x4] =	wrdreg $0x9  }
0x29: {  	_ =	task.clear_ibuf [dreg:s7], $0x5FFFF;
	_ =	strace $0x90000049  }
0x2a: {  	s29 =	simm.s32 $0x9;
	_ =	strace $0x8000004B  }
0x2b: {  	_ =	swait.ge [sflag:s29], $0x1  }
0x2c: {  	[sflag:s29] =	ssyncadd.s32 $0xFFFFFFFF  }
0x2d: {  	_ =	strace $0x9000004B  }
0x2e: {  	_ =	sfence  }
0x2f: {  	s30 =	sld [smem:$0x0];
	_ =	sdelay $0x2  }
0x30: {  	s31 =	sshll.u32 s1, $0xD;
	s1 =	sshrl.u32 s1, $0x2  }
0x31: {  	s3 =	sand.u32 $0x4000, s31;
	s1 =	sadd.s32 s1, s30  }
0x32: {  	s0 =	sor.u32 s3, s0;
	s1 =	sshll.u32 s1, $0x11  }
0x33: {  	s0 =	sor.u32 s1, s0  }
0x34: {  	s0 =	sadd.s32 $0x8F2B, s0  }
0x35: {  	[sflag:s0] =	ssyncadd.remote.s32 $0x1  }
0x36: {  	_ =	sfence.sel $0xFFFF  }
0x37: {  	[dreg:$0x0] =	wrdreg $0xFFFFFFFF;
	(pc) =	sbr.abs _section_cstart, $3  }
0x38: {  	[dreg:$0x1] =	wrdreg $0xFFFFFFFF  }
0x39: {  	_ =	task.clear_ibuf [dreg:s7], $0x2FFFF;
	_ =	strace $0x9FFFFFFF  }
0x3a: {  	(tm) =	ssettm $0x7FFFFFFF  }
0x3b: {  	_ =	shalt  }
tec
execute0_lowered:
.L_overlay_start_1:
0x0: {  	(tag) =	ssettag $0x1  }
0x1: {  	s0 =	srdreg.scid  }
0x2: {  	s1 =	sshll.u32 s0, $0x4  }
0x3: {  	s4 =	rddreg [dreg:$0x0];
	s0 =	stileid.u32;
	s1 =	sand.u32 $0x10, s1  }
0x4: {  	s2 =	rddreg [dreg:$0x1];
	s7 =	simm.s32 $0x1;
	s1 =	sor.u32 s0, s1  }
0x5: {  	s8 =	simm.s32 $0x2;
	s11 =	simm.s32 $0x0;
	s3 =	sshll.u32 s1, $0x7  }
0x6: {  	s10 =	simm.s32 $0x0;
	s4 =	sadd.s32 $0x800, s4;
	s6 =	ssub.s32 $0x320000, s3  }
.Ltmp0:
0x7: {  	s1 =	rddreg [dreg:$0x2];
	s5 =	sand.u32 $0xF80, s6;
	(pc) =	sbr.rel .LBB1_1-.Ltmp0, $4  }
0x8: {  	_ =	strace $0x8000004A;
	s9 =	smov.u32 s3;
	p0 =	sne.s32 s5, $0x0  }
0x9: {  	s6 =	sshrl.u32 s6, $0xC;
	s5 =	simm.s32 $0x1;
	s7 =	simm.s32 @!p0 $0x0  }
0xa: {  	[sflag:s5] =	ssyncpa.u1 $0x0;
	p0 =	por $0x0, $0x0;
	s6 =	sadd.s32 s7, s6  }
0xb: {  	[sflag:s8] =	ssyncpa.u1 $0x0;
	s8 =	simm.s32 $0x1900000;
	s7 =	sadd.s32 $0x1, s6  }
.LBB1_4:
0xc: {  	s14 =	sshll.u32 s11, $0x3  }
0xd: {  	s30 =	sand.u32 $0x7F, s11;
	s15 =	sand.u32 $0xFFFFFC00, s14  }
0xe: {  	s11 =	sor.u32 s30, s15  }
0xf: {  	s15 =	smulhi.u32 $0x51EB851F, s11  }
0x10: {  	s14 =	smulhi.u32 $0x51EB851F, s14  }
0x11: {  	s15 =	sshrl.u32 s15, $0x14  }
0x12: {  	s14 =	sshrl.u32 s14, $0x14;
	s15 =	smul.u32 $0x320000, s15  }
0x13: {  	[tilespmem:s12+$0xFFFFFFFC ss:$0x81] =	vst.msk $0xffff, v1;
	s14 =	sand.u32 $0xF, s14  }
0x14: {  	[tilespmem:s12+$0xFFFFFFFD ss:$0x81] =	vst.msk $0xffff, v2;
	s14 =	smul.u32 $0x64000, s14;
	s11 =	ssub.s32 s11, s15  }
0x15: {  	[tilespmem:s12+$0xFFFFFFFE ss:$0x81] =	vst.msk $0xffff, v0;
	s15 =	sand.u32 $0x7, s11  }
0x16: {  	[tilespmem:s12+$0xFFFFFFFF ss:$0x81] =	vst.msk $0xffff, v4;
	s14 =	sadd.s32 s2, s14;
	s11 =	sshrl.u32 s11, $0x3;
	s15 =	sshll.u32 s15, $0x12  }
0x17: {  	[tilespmem:s12+$0xFFFFFFF9 ss:$0x81] =	vst.msk $0xffff, v3;
	s11 =	sadd.s32 s11, s14;
	s31 =	sor.u32 $0x400, s15  }
0x18: {  	[hbm4b:s11+s31] =	stream.strided.scatter [tilespmem:s13], [sflag:$0x2], $0x800, s8, s31, $0x20;
	[tilespmem:$0x2020] =	vst v63  }
.LBB1_5:
0x19: {  	s13 =	sadd.s32 $0x1000, s9  }
0x1a: {  	p2 =	sgt.s32 s13, $0x31FFFF  }
0x1b: {  	s13 =	smov.u32 @p2 s3;
	p2 =	sne.s32 s10, s7  }
.Ltmp1:
0x1c: {  	p1 =	slt.u32 s10, $0x2;
	(pc) =	sbr.rel @!p2 .LBB1_6-.Ltmp1, $4  }
0x1d: {  	s12 =	simm.s32 @!p1 $0x2  }
0x1e: {  	s14 =	sadd.s32 $0x1, s10;
	_ =	swait.ge @!p1 [sflag:s12], $0x800  }
0x1f: {  	s11 =	smov.u32 s9;
	p0 =	por !p0, !p0;
	[sflag:s12] =	ssyncset.done @!p1 $0x0  }
0x20: {  	s10 =	smov.u32 s14;
	s9 =	smov.u32 s13;
	[sflag:s12] =	ssyncadd.s32 @!p1 $0xFFFFF800  }
.LBB1_1:
0x21: {  	p1 =	sge.u32 s10, s6  }
0x22: {  	s12 =	sand.u32 @!p1 $0x1FFFFFF, s9  }
0x23: {  	s13 =	smulhi.u32 @!p1 $0x147AE15, s12;
	_ =	sdelay $0x1  }
0x24: {  	s13 =	sshrl.u32 @!p1 s13, $0xE  }
0x25: {  	s13 =	smul.u32 @!p1 $0x320000, s13;
	_ =	sdelay $0x1  }
0x26: {  	s31 =	sadd.s32 $0xFFFFFFFF, s10;
	s14 =	sxor.u32 @!p1 $0xFFFFFFFF, s10;
	s12 =	ssub.s32 @!p1 s12, s13  }
0x27: {  	s15 =	simm.s32 @!p1 $0x80;
	s14 =	sshll.u32 @!p1 s14, $0xB;
	s12 =	sshll.u32 @!p1 s12, $0x4  }
0x28: {  	s13 =	sand.u32 @!p1 $0x800, s14;
	s14 =	simm.s32 @!p1 $0x10;
	s12 =	sadd.s32 @!p1 s4, s12  }
0x29: {  	[tilespmem:s13], [sflag:$0x1] =	stream.strided.gather @!p1 [hbm4b:s12+s14], $0x800, s15, s14, $0x38;
	[tilespmem:$0x2020] =	vst v63  }
0x2a: {  	p1 =	sge.u32 s31, s6  }
.Ltmp2:
0x2b: {  	_ = 	snop;
	(pc) =	sbr.rel @p1 .LBB1_5-.Ltmp2, $1  }
0x2c: {  	_ =	sdelay $0x3  }
0x2d: {  	s12 =	simm.s32 $0x1  }
0x2e: {  	_ =	swait.ge [sflag:s5], $0x800;
	s12 =	simm.s32 @!p0 $0x0  }
0x2f: {  	[sflag:s5] =	ssyncset.done $0x0;
	s13 =	sshll.u32 s12, $0xB  }
0x30: {  	[sflag:s5] =	ssyncadd.s32 $0xFFFFF800;
	s15 =	sor.u32 $0x40, s13  }
0x31: {  	v3 =	vld [tilespmem:s15+$0x30]  }
0x32: {  	s12 =	smul.u32 $0x2040, s12;
	v4 =	vld [tilespmem:s15+$0xFFFFFFD0]  }
0x33: {  	v5 =	vld [tilespmem:s15+$0xFFFFFFE0]  }
0x34: {  	s31 =	sand.u32 $0x1, s10;
	s12 =	sshrl.u32 s12, $0x2;
	v1 =	vld [tilespmem:s15+$0xFFFFFFF0]  }
0x35: {  	s13 =	smul.u32 $0x2040, s31;
	v2 =	vld [tilespmem:s15+$0x0];
	s12 =	sor.u32 $0x1007, s12  }
0x36: {  	v0 =	vld [tilespmem:s15+$0x10];
	[tilespmem:s12+$0x0 ss:$0x81] =	vst.msk $0xffff, v3  }
0x37: {  	s13 =	sshrl.u32 s13, $0x2;
	[tilespmem:s12+$0xFFFFFFFA ss:$0x81] =	vst.msk $0xffff, v4;
	v4 =	vld [tilespmem:s15+$0x20]  }
0x38: {  	s14 =	simm.s32 $0x0;
	s13 =	sor.u32 $0x1000, s13;
	v3 =	vld [tilespmem:s15+$0xFFFFFFC0];
	[tilespmem:s12+$0xFFFFFFFB ss:$0x81] =	vst.msk $0xffff, v5;
	s15 =	sadd.s32 $0x80, s15  }
.LBB1_3:
0x39: {  	v5 =	vld [tilespmem:s15+$0x30];
	s14 =	sadd.s32 $0x8, s14;
	[tilespmem:s12+$0xFFFFFFFC ss:$0x81] =	vst.msk $0xffff, v1  }
0x3a: {  	v6 =	vld [tilespmem:s15+$0xFFFFFFD0];
	p1 =	slt.u32 s14, $0x78;
	[tilespmem:s12+$0xFFFFFFFD ss:$0x81] =	vst.msk $0xffff, v2  }
0x3b: {  	v7 =	vld [tilespmem:s15+$0xFFFFFFE0];
	[tilespmem:s12+$0xFFFFFFFE ss:$0x81] =	vst.msk $0xffff, v0  }
.Ltmp3:
0x3c: {  	v1 =	vld [tilespmem:s15+$0xFFFFFFF0];
	[tilespmem:s12+$0xFFFFFFFF ss:$0x81] =	vst.msk $0xffff, v4;
	(pc) =	sbr.rel @p1 .LBB1_3-.Ltmp3, $4  }
0x3d: {  	v2 =	vld [tilespmem:s15+$0x0];
	[tilespmem:s12+$0xFFFFFFF9 ss:$0x81] =	vst.msk $0xffff, v3;
	s12 =	sadd.s32 $0x8, s12  }
0x3e: {  	v0 =	vld [tilespmem:s15+$0x10];
	[tilespmem:s12+$0x0 ss:$0x81] =	vst.msk $0xffff, v5  }
0x3f: {  	[tilespmem:s12+$0xFFFFFFFA ss:$0x81] =	vst.msk $0xffff, v6;
	v4 =	vld [tilespmem:s15+$0x20]  }
0x40: {  	v3 =	vld [tilespmem:s15+$0xFFFFFFC0];
	[tilespmem:s12+$0xFFFFFFFB ss:$0x81] =	vst.msk $0xffff, v7;
	s15 =	sadd.s32 $0x80, s15  }
.Ltmp4:
0x41: {  	_ = 	snop;
	(pc) =	sbr.rel .LBB1_4-.Ltmp4, $1  }
0x42: {  	_ =	sdelay $0x3  }
.LBB1_6:
0x43: {  	_ =	sfence.sel $0x180000  }
0x44: {  	s2 =	simm.s32 $0x1;
	[bflag:$0x0] =	sbarrier.arrive $0xFFFF  }
0x45: {  	s31 =	simm.s32 $0x2;
	[sflag:s2] =	ssyncpa.u1 $0x1  }
0x46: {  	[sflag:s31] =	ssyncpa.u1 $0x1  }
0x47: {  	p0 =	sne.s32 s0, $0x0;
	_ =	strace $0x9000004A  }
0x48: {  	s0 =	sadd.s32 @!p0 $0x100000, s1;
	[bflag:$0x2] =	sbarrier.arrive $0xFFFF  }
0x49: {  	[sflag:s0] =	ssyncadd.tile.s32 @!p0 $0x1;
	_ =	shalt  }
.Lfunc_end1:
_tile_overlayer_lowered:
.L_overlay_start_2:
0x4a: {  	(tag) =	ssettag $0x2  }
0x4b: {  	s0 =	rddreg [dreg:$0x0];
	s2 =	stileid.u32  }
0x4c: {  	s1 =	rddreg [dreg:$0x1];
	p0 =	sne.s32 s2, $0x0  }
0x4d: {  	s3 =	rddreg [dreg:$0x2];
	[bflag:$0x3] =	sbarrier.arrive $0xFFFF;
	s2 =	simm.s32 @!p0 $0x1C01  }
0x4e: {  	[timem:s3], [sflag:s2] =	dma.local @!p0 [hbm:s0], s1  }
0x4f: {  	s0 =	simm.s32 @!p0 $0x1  }
0x50: {  	_ =	swait.ge @!p0 [sflag:s0], s1  }
0x51: {  	s1 =	ssub.s32 @!p0 $0x0, s1;
	[sflag:s0] =	ssyncset.done @!p0 $0x0  }
0x52: {  	[sflag:s0] =	ssyncadd.s32 @!p0 s1  }
0x53: {  	[bflag:$0x3] =	sbarrier.arrive $0xFFFF  }
0x54: {  	_ =	shalt  }

</sc_bundles>
